<compile_context>
chip_gen: v7x
topology: tpu7x:2x2x1
jax: 0.10.2.dev20260603
libtpu: 0.0.44.dev20260713+nightly
codegen_flags: <defaults>
</compile_context>

<pallas_src>
import functools

import jax
import jax.numpy as jnp
from jax import lax
from jax.experimental import pallas as pl
from jax.experimental.pallas import tpu as pltpu
from jax.experimental.pallas import tpu_sc as plsc

B = 8
N = 4096
P = 1024
RADII_K = ((0.1, 16), (0.2, 32), (0.4, 64))
CIN = 32
CPAD = 48
EPS = 1e-5
BIG = 1e10



def _fps_body(xt_ref, yt_ref, zt_ref, sx_ref, sy_ref, sz_ref):
    X = xt_ref[...]
    Y = yt_ref[...]
    Z = zt_ref[...]
    lanes = lax.broadcasted_iota(jnp.int32, (B, N), 1)
    slot = lax.broadcasted_iota(jnp.int32, (B, P), 1)

    def step(i, carry):
        dists, far, ax, ay, az = carry
        oh = lanes == far
        cx = jnp.sum(jnp.where(oh, X, 0.0), axis=1, keepdims=True)
        cy = jnp.sum(jnp.where(oh, Y, 0.0), axis=1, keepdims=True)
        cz = jnp.sum(jnp.where(oh, Z, 0.0), axis=1, keepdims=True)
        sel = slot == i
        ax = jnp.where(sel, cx, ax)
        ay = jnp.where(sel, cy, ay)
        az = jnp.where(sel, cz, az)
        dx = X - cx
        dy = Y - cy
        dz = Z - cz
        d = dx * dx + dy * dy + dz * dz
        dists = jnp.minimum(dists, d)
        m = jnp.max(dists, axis=1, keepdims=True)
        far = jnp.min(jnp.where(dists == m, lanes, N), axis=1, keepdims=True)
        return dists, far.astype(jnp.int32), ax, ay, az

    d0 = jnp.full((B, N), BIG, jnp.float32)
    f0 = jnp.zeros((B, 1), jnp.int32)
    a0 = jnp.zeros((B, P), jnp.float32)
    _, _, ax, ay, az = lax.fori_loop(0, P, step, (d0, f0, a0, a0, a0))
    sx_ref[...] = ax
    sy_ref[...] = ay
    sz_ref[...] = az


def _run_fps(xt, yt, zt):
    out = [jax.ShapeDtypeStruct((B, P), jnp.float32)] * 3
    return pl.pallas_call(
        _fps_body,
        out_shape=out,
    )(xt, yt, zt)



_PB = 128


def _ballq_body(xt_ref, yt_ref, zt_ref, sx_ref, sy_ref, sz_ref,
                o1_ref, o2_ref, o3_ref):
    b = pl.program_id(0)
    X = xt_ref[0]
    Y = yt_ref[0]
    Z = zt_ref[0]
    sx = sx_ref[0, 0]
    sy = sy_ref[0, 0]
    sz = sz_ref[0, 0]
    dx = sx - X
    dy = sy - Y
    dz = sz - Z
    d2 = dx * dx + dy * dy + dz * dz
    boff = b * N
    for (radius, K), o_ref in zip(RADII_K, (o1_ref, o2_ref, o3_ref)):
        mask = d2 < radius * radius
        cnt = mask.astype(jnp.float32)
        s = 1
        while s < N:
            cnt = cnt + jnp.concatenate(
                [jnp.zeros((_PB, s), jnp.float32), cnt[:, : N - s]], axis=1)
            s *= 2
        total = cnt[:, N - 1 : N]
        first = jnp.sum((cnt <= 0.0).astype(jnp.float32),
                        axis=1, keepdims=True)
        kiota = lax.broadcasted_iota(jnp.int32, (_PB, K), 1)

        def kbody(k, acc, cnt=cnt, total=total, first=first, kiota=kiota):
            kf = k.astype(jnp.float32)
            c = jnp.sum((cnt <= kf).astype(jnp.float32),
                        axis=1, keepdims=True)
            val = jnp.where(kf < total, c, first)
            return jnp.where(kiota == k, val, acc)

        acc = lax.fori_loop(0, K, kbody, jnp.zeros((_PB, K), jnp.float32))
        o_ref[0] = acc.astype(jnp.int32) + boff


def _run_ballq(xt, yt, zt, sx, sy, sz):
    grid = (B, P // _PB)
    pt_spec = pl.BlockSpec((1, 1, N), lambda b, p: (b, 0, 0))
    ss_spec = pl.BlockSpec((1, 1, _PB, 1), lambda b, p: (b, p, 0, 0))
    outs = [jax.ShapeDtypeStruct((B, P, K), jnp.int32) for _, K in RADII_K]
    out_specs = [pl.BlockSpec((1, _PB, K), lambda b, p: (b, p, 0))
                 for _, K in RADII_K]
    args = ([a.reshape(B, 1, N) for a in (xt, yt, zt)]
            + [s.reshape(B, P // _PB, _PB, 1) for s in (sx, sy, sz)])
    return pl.pallas_call(
        _ballq_body,
        grid=grid,
        in_specs=[pt_spec] * 3 + [ss_spec] * 3,
        out_specs=out_specs,
        out_shape=outs,
    )(*args)



_NC = 2
_NS = 16
_NW = _NC * _NS
_CHUNK = 128


def _make_sc_gather(rows_total):
    per_w = rows_total // _NW
    n_chunks = per_w // _CHUNK
    mesh = plsc.VectorSubcoreMesh(core_axis_name="c", subcore_axis_name="s")

    @functools.partial(
        pl.kernel,
        mesh=mesh,
        compiler_params=pltpu.CompilerParams(use_tc_tiling_on_sc=False),
        out_type=jax.ShapeDtypeStruct((rows_total, CPAD), jnp.float32),
        scratch_types=[
            pltpu.VMEM((_CHUNK,), jnp.int32),
            pltpu.VMEM((_CHUNK, CPAD), jnp.float32),
            pltpu.SemaphoreType.DMA,
        ],
    )
    def gather_k(tbl_hbm, idx_hbm, out_hbm, idx_v, rows_v, sem):
        wid = lax.axis_index("s") * _NC + lax.axis_index("c")
        base = wid * per_w

        def chunk(i, carry):
            s0 = base + i * _CHUNK
            pltpu.sync_copy(idx_hbm.at[pl.ds(s0, _CHUNK)], idx_v)
            pltpu.async_copy(tbl_hbm.at[idx_v], rows_v, sem).wait()
            pltpu.sync_copy(rows_v, out_hbm.at[pl.ds(s0, _CHUNK)])
            return carry

        lax.fori_loop(0, n_chunks, chunk, 0)

    return gather_k



_T = 4096


def _adjust(g, ctr):
    pad = jnp.concatenate(
        [jnp.zeros((_T, CIN), jnp.float32), ctr,
         jnp.zeros((_T, CPAD - CIN - 4), jnp.float32)], axis=1)
    return g - pad


def _dot(x, wt):
    return lax.dot_general(x, wt, (((1,), (0,)), ((), ())),
                           preferred_element_type=jnp.float32)


def _norm_params(sums, n):
    mean = sums[0:1, :] / n
    var = jnp.maximum(sums[1:2, :] / n - mean * mean, 0.0)
    rstd = lax.rsqrt(var + EPS)
    return mean, rstd


def _stats_body(level, n, g_ref, ctr_ref, *refs):
    out_ref = refs[-1]
    prm = refs[:-1]
    x = _adjust(g_ref[...], ctr_ref[...])
    o = 0
    for l in range(level):
        wt = prm[o][...]
        bias = prm[o + 1][...]
        a = _dot(x, wt) + bias
        if l == level - 1:
            o += 2
            break
        gamma, beta = prm[o + 2][...], prm[o + 3][...]
        mean, rstd = _norm_params(prm[o + 4][...], n)
        x = jax.nn.relu((a - mean) * rstd * gamma + beta)
        o += 5
    s1 = jnp.sum(a, axis=0, keepdims=True)
    s2 = jnp.sum(a * a, axis=0, keepdims=True)

    @pl.when(pl.program_id(0) == 0)
    def _():
        out_ref[...] = jnp.zeros(out_ref.shape, out_ref.dtype)

    out_ref[0:1, :] += s1
    out_ref[1:2, :] += s2


def _final_body(K, n, g_ref, ctr_ref, *refs):
    out_ref = refs[-1]
    prm = refs[:-1]
    x = _adjust(g_ref[...], ctr_ref[...])
    o = 0
    nl = len(prm) // 5
    for l in range(nl):
        wt, bias, gamma, beta = (r[...] for r in prm[o:o + 4])
        mean, rstd = _norm_params(prm[o + 4][...], n)
        a = _dot(x, wt) + bias
        x = jax.nn.relu((a - mean) * rstd * gamma + beta)
        o += 5
    c = x.shape[1]
    m = jnp.max(x.reshape(_T // K, K, c), axis=1)
    out_ref[...] = m


def _small(x):
    return x.reshape(1, -1)


def _run_stats(level, g, ctr, prms):
    rows = g.shape[0]
    grid = (rows // _T,)
    in_specs = [pl.BlockSpec((_T, CPAD), lambda r: (r, 0)),
                pl.BlockSpec((_T, 4), lambda r: (r, 0))]
    for p in prms:
        in_specs.append(pl.BlockSpec(p.shape, lambda r: (0, 0)))
    cout = prms[-2].shape[1]
    out_spec = pl.BlockSpec((8, cout), lambda r: (0, 0))
    return pl.pallas_call(
        functools.partial(_stats_body, level, float(rows)),
        grid=grid,
        in_specs=in_specs,
        out_specs=out_spec,
        out_shape=jax.ShapeDtypeStruct((8, cout), jnp.float32),
    )(g, ctr, *prms)


def _run_final(K, g, ctr, prms):
    rows = g.shape[0]
    grid = (rows // _T,)
    in_specs = [pl.BlockSpec((_T, CPAD), lambda r: (r, 0)),
                pl.BlockSpec((_T, 4), lambda r: (r, 0))]
    for p in prms:
        in_specs.append(pl.BlockSpec(p.shape, lambda r: (0, 0)))
    cout = prms[-5].shape[1]
    out_spec = pl.BlockSpec((_T // K, cout), lambda r: (r, 0))
    return pl.pallas_call(
        functools.partial(_final_body, K, float(rows)),
        grid=grid,
        in_specs=in_specs,
        out_specs=out_spec,
        out_shape=jax.ShapeDtypeStruct((rows // K, cout), jnp.float32),
    )(g, ctr, *prms)


def _branch_mlp(g, ctr, layers, K):
    rows = g.shape[0]
    wts = []
    for li, (W, bb, gamma, beta) in enumerate(layers):
        wt = W.T
        if li == 0:
            wt = jnp.pad(wt, ((0, CPAD - wt.shape[0]), (0, 0)))
        wts.append(wt)
    known = []
    for li, (W, bb, gamma, beta) in enumerate(layers):
        prms = list(known) + [wts[li], _small(bb)]
        sums = _run_stats(li + 1, g, ctr, prms)
        known += [wts[li], _small(bb), _small(gamma), _small(beta), sums]
    return _run_final(K, g, ctr, known)



def kernel(xyz, features, params):
    xt = xyz[:, :, 0]
    yt = xyz[:, :, 1]
    zt = xyz[:, :, 2]
    sx, sy, sz = _run_fps(xt, yt, zt)
    xyz_ss = jnp.stack([sx, sy, sz], axis=-1)

    idx1, idx2, idx3 = _run_ballq(xt, yt, zt, sx, sy, sz)

    tbl = jnp.concatenate(
        [features, xyz, jnp.zeros((B, N, CPAD - CIN - 3), jnp.float32)],
        axis=-1).reshape(B * N, CPAD)
    flat = jnp.concatenate([idx1.reshape(-1), idx2.reshape(-1),
                            idx3.reshape(-1)])
    rows_total = flat.shape[0]
    g_all = _make_sc_gather(rows_total)(tbl, flat)

    ctr4 = jnp.concatenate([xyz_ss, jnp.zeros((B, P, 1), jnp.float32)], -1)
    outs = []
    off = 0
    for (radius, K), branch in zip(RADII_K, params):
        rows = B * P * K
        g = lax.slice(g_all, (off, 0), (off + rows, CPAD))
        ctr = jnp.repeat(ctr4.reshape(B * P, 1, 4), K, axis=1).reshape(-1, 4)
        off += rows
        outs.append(_branch_mlp(g, ctr, branch, K))
    feat = jnp.concatenate([o.reshape(B, P, -1) for o in outs], axis=-1)
    return xyz_ss, feat

# --- scband reference (transcript-rebuilt; emitter-appended) ---
"""Pipeline reference for scband-point-net-set-abstraction-msg-40785009443184 (READ-ONLY COPY).

The authoritative reference and input builder live on the scoring server;
editing this copy changes nothing except your own understanding.
"""

import jax
import jax.numpy as jnp
import numpy as np
from jax import lax

NUM_POINT = 1024
RADII = [0.1, 0.2, 0.4]
NSAMPLES = [16, 32, 64]
IN_CHANNEL = 32
MLP_LIST = [[32, 32, 64], [64, 64, 128], [64, 96, 128]]
EPS = 1e-5


def make_params(key):
    params = []
    for branch in MLP_LIST:
        last = IN_CHANNEL + 3
        layers = []
        for out in branch:
            key, k1 = jax.random.split(key)
            W = jax.random.normal(k1, (out, last), dtype=jnp.float32) * (1.0 / np.sqrt(last))
            b = jnp.zeros((out,), jnp.float32)
            gamma = jnp.ones((out,), jnp.float32)
            beta = jnp.zeros((out,), jnp.float32)
            layers.append((W, b, gamma, beta))
            last = out
        params.append(tuple(layers))
    return tuple(params)


def setup_inputs(seed: int = 0) -> dict:
    key = jax.random.key(seed)
    k1, k2, k3 = jax.random.split(key, 3)
    xyz = jax.random.uniform(k1, (8, 4096, 3), dtype=jnp.float32)
    features = jax.random.normal(k2, (8, 4096, 32), dtype=jnp.float32)
    params = make_params(k3)
    return {"xyz": xyz, "features": features, "params": params}


def fps_indices(xyz, npoint):
    B, N, _ = xyz.shape

    def body(i, state):
        dists, farthest, idxs = state
        idxs = idxs.at[:, i].set(farthest)
        centroid = jnp.take_along_axis(xyz, farthest[:, None, None], axis=1)
        d = jnp.sum((xyz - centroid) ** 2, axis=-1)
        dists = jnp.minimum(dists, d)
        farthest = jnp.argmax(dists, axis=-1).astype(jnp.int32)
        return dists, farthest, idxs

    dists = jnp.full((B, N), 1e10, jnp.float32)
    farthest = jnp.zeros((B,), jnp.int32)
    idxs = jnp.zeros((B, npoint), jnp.int32)
    _, _, idxs = lax.fori_loop(0, npoint, body, (dists, farthest, idxs))
    return idxs


def _gather(pts, idx):
    # pts: (B, N, D), idx: (B, P, K) -> (B, P, K, D)
    return jax.vmap(lambda p, i: p[i])(pts, idx)


def forward(xyz, features, params):
    B, N, C = xyz.shape
    idx_fps = fps_indices(lax.stop_gradient(xyz), NUM_POINT)
    xyz_ss = jnp.take_along_axis(xyz, idx_fps[:, :, None], axis=1)  # (B, P, 3)
    outs = []
    for i, radius in enumerate(RADII):
        K = NSAMPLES[i]
        d2 = jnp.sum((lax.stop_gradient(xyz_ss)[:, :, None, :] - lax.stop_gradient(xyz)[:, None, :, :]) ** 2, axis=-1)
        mask = d2 < radius * radius
        cand = jnp.where(mask, jnp.arange(N, dtype=jnp.int32)[None, None, :], N)
        cand = jnp.sort(cand, axis=-1)[:, :, :K]
        idx = jnp.where(cand == N, -1, cand)
        # replace_minus_one: pad with first valid index
        idx = jnp.where(idx == -1, idx[:, :, :1], idx)
        gx = _gather(xyz, idx) - xyz_ss[:, :, None, :]  # (B, P, K, 3)
        gf = _gather(features, idx)  # (B, P, K, D)
        g = jnp.concatenate([gf, gx], axis=-1)  # (B, P, K, D+3)
        x = jnp.transpose(g, (0, 3, 2, 1))  # (B, C, K, P)
        for (W, b, gamma, beta) in params[i]:
            x = jnp.einsum('oc,bckp->bokp', W, x) + b[None, :, None, None]
            mean = jnp.mean(x, axis=(0, 2, 3), keepdims=True)
            var = jnp.mean((x - mean) ** 2, axis=(0, 2, 3), keepdims=True)
            x = (x - mean) / jnp.sqrt(var + EPS)
            x = gamma[None, :, None, None] * x + beta[None, :, None, None]
            x = jax.nn.relu(x)
        outs.append(jnp.max(x, axis=2))  # (B, C_out, P)
    feat = jnp.concatenate(outs, axis=1)
    return xyz_ss, jnp.transpose(feat, (0, 2, 1))


def reference(xyz, features, params):
    return forward(xyz, features, params)

if __name__ == "__main__":
    import jax
    _d = setup_inputs()
    print(jax.jit(kernel)(*tuple(_d.values())))

</pallas_src>

<mosaic_0001>
#map = affine_map<(d0, d1) -> (0, 0)>
#map1 = affine_map<(d0, d1) -> (0)>
module attributes {stable_mosaic.version = 14 : i64} {
  func.func @gather_k(%arg0: i32, %arg1: i32, %arg2: memref<32768x48xf32, #tpu.memory_space<hbm>>, %arg3: memref<917504xi32, #tpu.memory_space<hbm>>, %arg4: memref<917504x48xf32, #tpu.memory_space<hbm>>, %arg5: memref<128xi32, #tpu.memory_space<vmem>>, %arg6: memref<128x48xf32, #tpu.memory_space<vmem>>, %arg7: memref<!tpu.dma_semaphore, #tpu.memory_space<semaphore_mem>>) attributes {dimension_semantics = [#tpu.dimension_semantics<core_parallel>, #tpu.dimension_semantics<subcore_parallel>], iteration_bounds = array<i64: 2, 16>, scalar_prefetch = 0 : i64, scratch_operands = 3 : i64, tpu.core_type = #tpu.core_type<sc_vector_subcore>, window_params = [{transform_indices = #map}, {transform_indices = #map1}, {transform_indices = #map}]} {
    %mul3A = arith.constant 2 : i32
    %mul3A_0 = arith.muli %arg1, %mul3A : i32
    %add3A = arith.addi %mul3A_0, %arg0 : i32
    %mul3A_1 = arith.constant 28672 : i32
    %mul3A_2 = arith.muli %add3A, %mul3A_1 : i32
    %scan3A = arith.constant 0 : i32
    %scan3A_3 = arith.constant 0 : i32
    %scan3A_4 = arith.constant 224 : i32
    %scan3A_5 = arith.addi %scan3A_3, %scan3A_4 : i32
    %scan3A_6 = arith.constant 1 : i32
    scf.for %scan3A_8 = %scan3A_3 to %scan3A_5 step %scan3A_6  : i32 {
      %mul3A_9 = arith.constant 128 : i32
      %mul3A_10 = arith.muli %scan3A_8, %mul3A_9 : i32
      %add3A_11 = arith.addi %mul3A_2, %mul3A_10 : i32
      "tpu.region"() ({
        %run_scoped3A = tpu.sem_alloc : memref<!tpu.dma_semaphore, #tpu.memory_space<semaphore_mem>>
        %dma_start3A_16 = tpu.memref_slice %arg3[%add3A_11] : memref<917504xi32, #tpu.memory_space<hbm>> -> memref<128xi32, #tpu.memory_space<hbm>>
        %dma_start3A_17 = tpu.memref_slice %arg3[%add3A_11] : memref<917504xi32, #tpu.memory_space<hbm>> -> memref<128xi32, #tpu.memory_space<hbm>>
        tpu.enqueue_dma source(%dma_start3A_17 : memref<128xi32, #tpu.memory_space<hbm>>) target(%arg5 : memref<128xi32, #tpu.memory_space<vmem>>) target_semaphore(%run_scoped3A : memref<!tpu.dma_semaphore, #tpu.memory_space<semaphore_mem>>)
        %dma_wait3A_18 = tpu.memref_slice %arg3[%add3A_11] : memref<917504xi32, #tpu.memory_space<hbm>> -> memref<128xi32, #tpu.memory_space<hbm>>
        %dma_wait3A_19 = tpu.memref_slice %arg3[%add3A_11] : memref<917504xi32, #tpu.memory_space<hbm>> -> memref<128xi32, #tpu.memory_space<hbm>>
        tpu.wait_dma2 semaphore(%run_scoped3A : memref<!tpu.dma_semaphore, #tpu.memory_space<semaphore_mem>>) src(%dma_wait3A_19 : memref<128xi32, #tpu.memory_space<hbm>>) dst(%arg5 : memref<128xi32, #tpu.memory_space<vmem>>)
        tpu.yield
      }) : () -> ()
      %dma_start3A = arith.constant 0 : i32
      %dma_start3A_12 = arith.constant 0 : i32
      %dma_start3A_13 = tpu.memref_slice %arg2[%dma_start3A, %dma_start3A_12] : memref<32768x48xf32, #tpu.memory_space<hbm>> -> memref<32768x48xf32, #tpu.memory_space<hbm>>
      tpu.enqueue_indirect_dma source(%dma_start3A_13 : memref<32768x48xf32, #tpu.memory_space<hbm>>) target(%arg6 : memref<128x48xf32, #tpu.memory_space<vmem>>) offsets(%arg5 : memref<128xi32, #tpu.memory_space<vmem>>) semaphore(%arg7 : memref<!tpu.dma_semaphore, #tpu.memory_space<semaphore_mem>>)
      %dma_wait3A = arith.constant 0 : i32
      %dma_wait3A_14 = arith.constant 0 : i32
      %dma_wait3A_15 = tpu.memref_slice %arg2[%dma_wait3A, %dma_wait3A_14] : memref<32768x48xf32, #tpu.memory_space<hbm>> -> memref<32768x48xf32, #tpu.memory_space<hbm>>
      tpu.wait_indirect_dma semaphore(%arg7 : memref<!tpu.dma_semaphore, #tpu.memory_space<semaphore_mem>>) src(%dma_wait3A_15 : memref<32768x48xf32, #tpu.memory_space<hbm>>) dst(%arg6 : memref<128x48xf32, #tpu.memory_space<vmem>>)
      "tpu.region"() ({
        %run_scoped3A = tpu.sem_alloc : memref<!tpu.dma_semaphore, #tpu.memory_space<semaphore_mem>>
        %dma_start3A_16 = arith.constant 0 : i32
        %dma_start3A_17 = tpu.memref_slice %arg4[%add3A_11, %dma_start3A_16] : memref<917504x48xf32, #tpu.memory_space<hbm>> -> memref<128x48xf32, #tpu.memory_space<hbm>>
        %dma_start3A_18 = arith.constant 0 : i32
        %dma_start3A_19 = tpu.memref_slice %arg4[%add3A_11, %dma_start3A_18] : memref<917504x48xf32, #tpu.memory_space<hbm>> -> memref<128x48xf32, #tpu.memory_space<hbm>>
        tpu.enqueue_dma source(%arg6 : memref<128x48xf32, #tpu.memory_space<vmem>>) target(%dma_start3A_19 : memref<128x48xf32, #tpu.memory_space<hbm>>) target_semaphore(%run_scoped3A : memref<!tpu.dma_semaphore, #tpu.memory_space<semaphore_mem>>)
        %dma_wait3A_20 = arith.constant 0 : i32
        %dma_wait3A_21 = tpu.memref_slice %arg4[%add3A_11, %dma_wait3A_20] : memref<917504x48xf32, #tpu.memory_space<hbm>> -> memref<128x48xf32, #tpu.memory_space<hbm>>
        %dma_wait3A_22 = arith.constant 0 : i32
        %dma_wait3A_23 = tpu.memref_slice %arg4[%add3A_11, %dma_wait3A_22] : memref<917504x48xf32, #tpu.memory_space<hbm>> -> memref<128x48xf32, #tpu.memory_space<hbm>>
        tpu.wait_dma2 semaphore(%run_scoped3A : memref<!tpu.dma_semaphore, #tpu.memory_space<semaphore_mem>>) src(%arg6 : memref<128x48xf32, #tpu.memory_space<vmem>>) dst(%dma_wait3A_23 : memref<128x48xf32, #tpu.memory_space<hbm>>)
        tpu.yield
      }) : () -> ()
    }
    %scan3A_7 = arith.constant 224 : i32
    return
  }
}

module attributes {stable_mosaic.version = 14 : i64} {
  func.func @_fps_body(%arg0: memref<8x4096xf32, #tpu.memory_space<vmem>>, %arg1: memref<8x4096xf32, #tpu.memory_space<vmem>>, %arg2: memref<8x4096xf32, #tpu.memory_space<vmem>>, %arg3: memref<8x1024xf32, #tpu.memory_space<vmem>>, %arg4: memref<8x1024xf32, #tpu.memory_space<vmem>>, %arg5: memref<8x1024xf32, #tpu.memory_space<vmem>>) attributes {dimension_semantics = [], scalar_prefetch = 0 : i64, scratch_operands = 0 : i64, tpu.core_type = #tpu.core_type<tc>} {
    %get3A = arith.constant 0 : index
    %get3A_0 = arith.constant 0 : index
    %get3A_1 = vector.load %arg0[%get3A, %get3A_0] : memref<8x4096xf32, #tpu.memory_space<vmem>>, vector<8x4096xf32>
    %get3A_2 = arith.constant 0 : index
    %get3A_3 = arith.constant 0 : index
    %get3A_4 = vector.load %arg1[%get3A_2, %get3A_3] : memref<8x4096xf32, #tpu.memory_space<vmem>>, vector<8x4096xf32>
    %get3A_5 = arith.constant 0 : index
    %get3A_6 = arith.constant 0 : index
    %get3A_7 = vector.load %arg2[%get3A_5, %get3A_6] : memref<8x4096xf32, #tpu.memory_space<vmem>>, vector<8x4096xf32>
    %iota3A = tpu.iota {dimensions = array<i32: 1>} : vector<8x4096xi32>
    %iota3A_8 = tpu.iota {dimensions = array<i32: 1>} : vector<8x1024xi32>
    %broadcast_in_dim3A = arith.constant 1.000000e+10 : f32
    %broadcast_in_dim3A_9 = vector.broadcast %broadcast_in_dim3A : f32 to vector<8x4096xf32>
    %broadcast_in_dim3A_10 = arith.constant 0 : i32
    %broadcast_in_dim3A_11 = vector.broadcast %broadcast_in_dim3A_10 : i32 to vector<8x1xi32>
    %broadcast_in_dim3A_12 = arith.constant 0.000000e+00 : f32
    %broadcast_in_dim3A_13 = vector.broadcast %broadcast_in_dim3A_12 : f32 to vector<8x1024xf32>
    %scan3A = arith.constant 0 : i32
    %scan3A_14 = arith.constant 1024 : i32
    %scan3A_15 = arith.addi %scan3A, %scan3A_14 : i32
    %scan3A_16 = arith.constant 1 : i32
    %scan3A_17:5 = scf.for %scan3A_27 = %scan3A to %scan3A_15 step %scan3A_16 iter_args(%scan3A_28 = %broadcast_in_dim3A_9, %scan3A_29 = %broadcast_in_dim3A_11, %scan3A_30 = %broadcast_in_dim3A_13, %scan3A_31 = %broadcast_in_dim3A_13, %scan3A_32 = %broadcast_in_dim3A_13) -> (vector<8x4096xf32>, vector<8x1xi32>, vector<8x1024xf32>, vector<8x1024xf32>, vector<8x1024xf32>)  : i32 {
      %eq3A = vector.broadcast %scan3A_29 : vector<8x1xi32> to vector<8x4096xi32>
      %eq3A_33 = arith.cmpi eq, %iota3A, %eq3A : vector<8x4096xi32>
      %jit3A = arith.constant 0.000000e+00 : f32
      %broadcast_in_dim3A_34 = vector.broadcast %jit3A : f32 to vector<8x4096xf32>
      %select_n3A = arith.select %eq3A_33, %get3A_1, %broadcast_in_dim3A_34 : vector<8x4096xi1>, vector<8x4096xf32>
      %reduce_sum3A = arith.constant dense<0.000000e+00> : vector<8xf32>
      %reduce_sum3A_35 = vector.multi_reduction <add>, %select_n3A, %reduce_sum3A [1] : vector<8x4096xf32> to vector<8xf32>
      %broadcast_in_dim3A_36 = vector.shape_cast %reduce_sum3A_35 : vector<8xf32> to vector<8x1xf32>
      %jit3A_37 = arith.constant 0.000000e+00 : f32
      %broadcast_in_dim3A_38 = vector.broadcast %jit3A_37 : f32 to vector<8x4096xf32>
      %select_n3A_39 = arith.select %eq3A_33, %get3A_4, %broadcast_in_dim3A_38 : vector<8x4096xi1>, vector<8x4096xf32>
      %reduce_sum3A_40 = arith.constant dense<0.000000e+00> : vector<8xf32>
      %reduce_sum3A_41 = vector.multi_reduction <add>, %select_n3A_39, %reduce_sum3A_40 [1] : vector<8x4096xf32> to vector<8xf32>
      %broadcast_in_dim3A_42 = vector.shape_cast %reduce_sum3A_41 : vector<8xf32> to vector<8x1xf32>
      %jit3A_43 = arith.constant 0.000000e+00 : f32
      %broadcast_in_dim3A_44 = vector.broadcast %jit3A_43 : f32 to vector<8x4096xf32>
      %select_n3A_45 = arith.select %eq3A_33, %get3A_7, %broadcast_in_dim3A_44 : vector<8x4096xi1>, vector<8x4096xf32>
      %reduce_sum3A_46 = arith.constant dense<0.000000e+00> : vector<8xf32>
      %reduce_sum3A_47 = vector.multi_reduction <add>, %select_n3A_45, %reduce_sum3A_46 [1] : vector<8x4096xf32> to vector<8xf32>
      %broadcast_in_dim3A_48 = vector.shape_cast %reduce_sum3A_47 : vector<8xf32> to vector<8x1xf32>
      %eq3A_49 = vector.broadcast %scan3A_27 : i32 to vector<8x1024xi32>
      %eq3A_50 = arith.cmpi eq, %iota3A_8, %eq3A_49 : vector<8x1024xi32>
      %broadcast_in_dim3A_51 = vector.shape_cast %broadcast_in_dim3A_36 : vector<8x1xf32> to vector<8x1xf32>
      %broadcast_in_dim3A_52 = vector.broadcast %broadcast_in_dim3A_51 : vector<8x1xf32> to vector<8x1024xf32>
      %select_n3A_53 = arith.select %eq3A_50, %broadcast_in_dim3A_52, %scan3A_30 : vector<8x1024xi1>, vector<8x1024xf32>
      %broadcast_in_dim3A_54 = vector.shape_cast %broadcast_in_dim3A_42 : vector<8x1xf32> to vector<8x1xf32>
      %broadcast_in_dim3A_55 = vector.broadcast %broadcast_in_dim3A_54 : vector<8x1xf32> to vector<8x1024xf32>
      %select_n3A_56 = arith.select %eq3A_50, %broadcast_in_dim3A_55, %scan3A_31 : vector<8x1024xi1>, vector<8x1024xf32>
      %broadcast_in_dim3A_57 = vector.shape_cast %broadcast_in_dim3A_48 : vector<8x1xf32> to vector<8x1xf32>
      %broadcast_in_dim3A_58 = vector.broadcast %broadcast_in_dim3A_57 : vector<8x1xf32> to vector<8x1024xf32>
      %select_n3A_59 = arith.select %eq3A_50, %broadcast_in_dim3A_58, %scan3A_32 : vector<8x1024xi1>, vector<8x1024xf32>
      %sub3A = vector.broadcast %broadcast_in_dim3A_36 : vector<8x1xf32> to vector<8x4096xf32>
      %sub3A_60 = arith.subf %get3A_1, %sub3A : vector<8x4096xf32>
      %sub3A_61 = vector.broadcast %broadcast_in_dim3A_42 : vector<8x1xf32> to vector<8x4096xf32>
      %sub3A_62 = arith.subf %get3A_4, %sub3A_61 : vector<8x4096xf32>
      %sub3A_63 = vector.broadcast %broadcast_in_dim3A_48 : vector<8x1xf32> to vector<8x4096xf32>
      %sub3A_64 = arith.subf %get3A_7, %sub3A_63 : vector<8x4096xf32>
      %mul3A = arith.mulf %sub3A_60, %sub3A_60 : vector<8x4096xf32>
      %mul3A_65 = arith.mulf %sub3A_62, %sub3A_62 : vector<8x4096xf32>
      %add3A = arith.addf %mul3A, %mul3A_65 : vector<8x4096xf32>
      %mul3A_66 = arith.mulf %sub3A_64, %sub3A_64 : vector<8x4096xf32>
      %add3A_67 = arith.addf %add3A, %mul3A_66 : vector<8x4096xf32>
      %min3A = arith.minimumf %scan3A_28, %add3A_67 : vector<8x4096xf32>
      %reduce_max3A = arith.constant dense<0xFF800000> : vector<8xf32>
      %reduce_max3A_68 = vector.multi_reduction <maximumf>, %min3A, %reduce_max3A [1] : vector<8x4096xf32> to vector<8xf32>
      %broadcast_in_dim3A_69 = vector.shape_cast %reduce_max3A_68 : vector<8xf32> to vector<8x1xf32>
      %eq3A_70 = vector.broadcast %broadcast_in_dim3A_69 : vector<8x1xf32> to vector<8x4096xf32>
      %eq3A_71 = arith.cmpf oeq, %min3A, %eq3A_70 : vector<8x4096xf32>
      %jit3A_72 = arith.constant 4096 : i32
      %broadcast_in_dim3A_73 = vector.broadcast %jit3A_72 : i32 to vector<8x4096xi32>
      %select_n3A_74 = arith.select %eq3A_71, %iota3A, %broadcast_in_dim3A_73 : vector<8x4096xi1>, vector<8x4096xi32>
      %reduce_min3A = arith.constant dense<2147483647> : vector<8xi32>
      %reduce_min3A_75 = vector.multi_reduction <minsi>, %select_n3A_74, %reduce_min3A [1] : vector<8x4096xi32> to vector<8xi32>
      %broadcast_in_dim3A_76 = vector.shape_cast %reduce_min3A_75 : vector<8xi32> to vector<8x1xi32>
      scf.yield %min3A, %broadcast_in_dim3A_76, %select_n3A_53, %select_n3A_56, %select_n3A_59 : vector<8x4096xf32>, vector<8x1xi32>, vector<8x1024xf32>, vector<8x1024xf32>, vector<8x1024xf32>
    }
    %scan3A_18 = arith.constant 1024 : i32
    %swap3A = arith.constant 0 : index
    %swap3A_19 = arith.constant 0 : index
    %swap3A_20 = vector.load %arg3[%swap3A, %swap3A_19] : memref<8x1024xf32, #tpu.memory_space<vmem>>, vector<8x1024xf32>
    tpu.vector_store %arg3[%swap3A, %swap3A_19], %scan3A_17#2 {strides = array<i32>} : memref<8x1024xf32, #tpu.memory_space<vmem>>, vector<8x1024xf32>,
    %swap3A_21 = arith.constant 0 : index
    %swap3A_22 = arith.constant 0 : index
    %swap3A_23 = vector.load %arg4[%swap3A_21, %swap3A_22] : memref<8x1024xf32, #tpu.memory_space<vmem>>, vector<8x1024xf32>
    tpu.vector_store %arg4[%swap3A_21, %swap3A_22], %scan3A_17#3 {strides = array<i32>} : memref<8x1024xf32, #tpu.memory_space<vmem>>, vector<8x1024xf32>,
    %swap3A_24 = arith.constant 0 : index
    %swap3A_25 = arith.constant 0 : index
    %swap3A_26 = vector.load %arg5[%swap3A_24, %swap3A_25] : memref<8x1024xf32, #tpu.memory_space<vmem>>, vector<8x1024xf32>
    tpu.vector_store %arg5[%swap3A_24, %swap3A_25], %scan3A_17#4 {strides = array<i32>} : memref<8x1024xf32, #tpu.memory_space<vmem>>, vector<8x1024xf32>,
    return
  }
}

module attributes {stable_mosaic.version = 14 : i64} {
  func.func @_ballq_body(%arg0: i32, %arg1: i32, %arg2: memref<1x1x4096xf32, #tpu.memory_space<vmem>>, %arg3: memref<1x1x4096xf32, #tpu.memory_space<vmem>>, %arg4: memref<1x1x4096xf32, #tpu.memory_space<vmem>>, %arg5: memref<1x1x128x1xf32, #tpu.memory_space<vmem>>, %arg6: memref<1x1x128x1xf32, #tpu.memory_space<vmem>>, %arg7: memref<1x1x128x1xf32, #tpu.memory_space<vmem>>, %arg8: memref<1x128x16xi32, #tpu.memory_space<vmem>>, %arg9: memref<1x128x32xi32, #tpu.memory_space<vmem>>, %arg10: memref<1x128x64xi32, #tpu.memory_space<vmem>>) attributes {dimension_semantics = [#tpu.dimension_semantics<arbitrary>, #tpu.dimension_semantics<arbitrary>], iteration_bounds = array<i64: 8, 8>, scalar_prefetch = 0 : i64, scratch_operands = 0 : i64, tpu.core_type = #tpu.core_type<tc>, window_params = [{transform_indices = @transform_0, window_bounds = array<i64: 1, 1, 4096>}, {transform_indices = @transform_1, window_bounds = array<i64: 1, 1, 4096>}, {transform_indices = @transform_2, window_bounds = array<i64: 1, 1, 4096>}, {transform_indices = @transform_3, window_bounds = array<i64: 1, 1, 128, 1>}, {transform_indices = @transform_4, window_bounds = array<i64: 1, 1, 128, 1>}, {transform_indices = @transform_5, window_bounds = array<i64: 1, 1, 128, 1>}, {transform_indices = @transform_6, window_bounds = array<i64: 1, 128, 16>}, {transform_indices = @transform_7, window_bounds = array<i64: 1, 128, 32>}, {transform_indices = @transform_8, window_bounds = array<i64: 1, 128, 64>}]} {
    %get3A = arith.constant 0 : index
    %get3A_0 = arith.constant 0 : index
    %get3A_1 = arith.constant 0 : index
    %get3A_2 = vector.load %arg2[%get3A, %get3A_0, %get3A_1] : memref<1x1x4096xf32, #tpu.memory_space<vmem>>, vector<1x1x4096xf32>
    %get3A_3 = vector.shape_cast %get3A_2 : vector<1x1x4096xf32> to vector<1x4096xf32>
    %get3A_4 = arith.constant 0 : index
    %get3A_5 = arith.constant 0 : index
    %get3A_6 = arith.constant 0 : index
    %get3A_7 = vector.load %arg3[%get3A_4, %get3A_5, %get3A_6] : memref<1x1x4096xf32, #tpu.memory_space<vmem>>, vector<1x1x4096xf32>
    %get3A_8 = vector.shape_cast %get3A_7 : vector<1x1x4096xf32> to vector<1x4096xf32>
    %get3A_9 = arith.constant 0 : index
    %get3A_10 = arith.constant 0 : index
    %get3A_11 = arith.constant 0 : index
    %get3A_12 = vector.load %arg4[%get3A_9, %get3A_10, %get3A_11] : memref<1x1x4096xf32, #tpu.memory_space<vmem>>, vector<1x1x4096xf32>
    %get3A_13 = vector.shape_cast %get3A_12 : vector<1x1x4096xf32> to vector<1x4096xf32>
    %get3A_14 = arith.constant 0 : index
    %get3A_15 = arith.constant 0 : index
    %get3A_16 = arith.constant 0 : index
    %get3A_17 = arith.constant 0 : index
    %get3A_18 = vector.load %arg5[%get3A_14, %get3A_15, %get3A_16, %get3A_17] : memref<1x1x128x1xf32, #tpu.memory_space<vmem>>, vector<1x1x128x1xf32>
    %get3A_19 = vector.shape_cast %get3A_18 : vector<1x1x128x1xf32> to vector<128x1xf32>
    %get3A_20 = arith.constant 0 : index
    %get3A_21 = arith.constant 0 : index
    %get3A_22 = arith.constant 0 : index
    %get3A_23 = arith.constant 0 : index
    %get3A_24 = vector.load %arg6[%get3A_20, %get3A_21, %get3A_22, %get3A_23] : memref<1x1x128x1xf32, #tpu.memory_space<vmem>>, vector<1x1x128x1xf32>
    %get3A_25 = vector.shape_cast %get3A_24 : vector<1x1x128x1xf32> to vector<128x1xf32>
    %get3A_26 = arith.constant 0 : index
    %get3A_27 = arith.constant 0 : index
    %get3A_28 = arith.constant 0 : index
    %get3A_29 = arith.constant 0 : index
    %get3A_30 = vector.load %arg7[%get3A_26, %get3A_27, %get3A_28, %get3A_29] : memref<1x1x128x1xf32, #tpu.memory_space<vmem>>, vector<1x1x128x1xf32>
    %get3A_31 = vector.shape_cast %get3A_30 : vector<1x1x128x1xf32> to vector<128x1xf32>
    %sub3A = vector.broadcast %get3A_19 : vector<128x1xf32> to vector<128x4096xf32>
    %sub3A_32 = vector.broadcast %get3A_3 : vector<1x4096xf32> to vector<128x4096xf32>
    %sub3A_33 = arith.subf %sub3A, %sub3A_32 : vector<128x4096xf32>
    %sub3A_34 = vector.broadcast %get3A_25 : vector<128x1xf32> to vector<128x4096xf32>
    %sub3A_35 = vector.broadcast %get3A_8 : vector<1x4096xf32> to vector<128x4096xf32>
    %sub3A_36 = arith.subf %sub3A_34, %sub3A_35 : vector<128x4096xf32>
    %sub3A_37 = vector.broadcast %get3A_31 : vector<128x1xf32> to vector<128x4096xf32>
    %sub3A_38 = vector.broadcast %get3A_13 : vector<1x4096xf32> to vector<128x4096xf32>
    %sub3A_39 = arith.subf %sub3A_37, %sub3A_38 : vector<128x4096xf32>
    %mul3A = arith.mulf %sub3A_33, %sub3A_33 : vector<128x4096xf32>
    %mul3A_40 = arith.mulf %sub3A_36, %sub3A_36 : vector<128x4096xf32>
    %add3A = arith.addf %mul3A, %mul3A_40 : vector<128x4096xf32>
    %mul3A_41 = arith.mulf %sub3A_39, %sub3A_39 : vector<128x4096xf32>
    %add3A_42 = arith.addf %add3A, %mul3A_41 : vector<128x4096xf32>
    %mul3A_43 = arith.constant 4096 : i32
    %mul3A_44 = arith.muli %arg0, %mul3A_43 : i32
    %lt3A = arith.constant 0.00999999977 : f32
    %lt3A_45 = vector.broadcast %lt3A : f32 to vector<128x4096xf32>
    %lt3A_46 = arith.cmpf olt, %add3A_42, %lt3A_45 : vector<128x4096xf32>
    %convert_element_type3A = arith.extui %lt3A_46 : vector<128x4096xi1> to vector<128x4096xi32>
    %convert_element_type3A_47 = arith.sitofp %convert_element_type3A : vector<128x4096xi32> to vector<128x4096xf32>
    %broadcast_in_dim3A = arith.constant 0.000000e+00 : f32
    %broadcast_in_dim3A_48 = vector.broadcast %broadcast_in_dim3A : f32 to vector<128x1xf32>
    %slice3A = vector.extract_strided_slice %convert_element_type3A_47 {offsets = [0, 0], sizes = [128, 4095], strides = [1, 1]} : vector<128x4096xf32> to vector<128x4095xf32>
    %concatenate3A = tpu.concatenate %broadcast_in_dim3A_48, %slice3A in 1 : vector<128x1xf32>, vector<128x4095xf32> -> vector<128x4096xf32>
    %add3A_49 = arith.addf %convert_element_type3A_47, %concatenate3A : vector<128x4096xf32>
    %broadcast_in_dim3A_50 = arith.constant 0.000000e+00 : f32
    %broadcast_in_dim3A_51 = vector.broadcast %broadcast_in_dim3A_50 : f32 to vector<128x2xf32>
    %slice3A_52 = vector.extract_strided_slice %add3A_49 {offsets = [0, 0], sizes = [128, 4094], strides = [1, 1]} : vector<128x4096xf32> to vector<128x4094xf32>
    %concatenate3A_53 = tpu.concatenate %broadcast_in_dim3A_51, %slice3A_52 in 1 : vector<128x2xf32>, vector<128x4094xf32> -> vector<128x4096xf32>
    %add3A_54 = arith.addf %add3A_49, %concatenate3A_53 : vector<128x4096xf32>
    %broadcast_in_dim3A_55 = arith.constant 0.000000e+00 : f32
    %broadcast_in_dim3A_56 = vector.broadcast %broadcast_in_dim3A_55 : f32 to vector<128x4xf32>
    %slice3A_57 = vector.extract_strided_slice %add3A_54 {offsets = [0, 0], sizes = [128, 4092], strides = [1, 1]} : vector<128x4096xf32> to vector<128x4092xf32>
    %concatenate3A_58 = tpu.concatenate %broadcast_in_dim3A_56, %slice3A_57 in 1 : vector<128x4xf32>, vector<128x4092xf32> -> vector<128x4096xf32>
    %add3A_59 = arith.addf %add3A_54, %concatenate3A_58 : vector<128x4096xf32>
    %broadcast_in_dim3A_60 = arith.constant 0.000000e+00 : f32
    %broadcast_in_dim3A_61 = vector.broadcast %broadcast_in_dim3A_60 : f32 to vector<128x8xf32>
    %slice3A_62 = vector.extract_strided_slice %add3A_59 {offsets = [0, 0], sizes = [128, 4088], strides = [1, 1]} : vector<128x4096xf32> to vector<128x4088xf32>
    %concatenate3A_63 = tpu.concatenate %broadcast_in_dim3A_61, %slice3A_62 in 1 : vector<128x8xf32>, vector<128x4088xf32> -> vector<128x4096xf32>
    %add3A_64 = arith.addf %add3A_59, %concatenate3A_63 : vector<128x4096xf32>
    %broadcast_in_dim3A_65 = arith.constant 0.000000e+00 : f32
    %broadcast_in_dim3A_66 = vector.broadcast %broadcast_in_dim3A_65 : f32 to vector<128x16xf32>
    %slice3A_67 = vector.extract_strided_slice %add3A_64 {offsets = [0, 0], sizes = [128, 4080], strides = [1, 1]} : vector<128x4096xf32> to vector<128x4080xf32>
    %concatenate3A_68 = tpu.concatenate %broadcast_in_dim3A_66, %slice3A_67 in 1 : vector<128x16xf32>, vector<128x4080xf32> -> vector<128x4096xf32>
    %add3A_69 = arith.addf %add3A_64, %concatenate3A_68 : vector<128x4096xf32>
    %broadcast_in_dim3A_70 = arith.constant 0.000000e+00 : f32
    %broadcast_in_dim3A_71 = vector.broadcast %broadcast_in_dim3A_70 : f32 to vector<128x32xf32>
    %slice3A_72 = vector.extract_strided_slice %add3A_69 {offsets = [0, 0], sizes = [128, 4064], strides = [1, 1]} : vector<128x4096xf32> to vector<128x4064xf32>
    %concatenate3A_73 = tpu.concatenate %broadcast_in_dim3A_71, %slice3A_72 in 1 : vector<128x32xf32>, vector<128x4064xf32> -> vector<128x4096xf32>
    %add3A_74 = arith.addf %add3A_69, %concatenate3A_73 : vector<128x4096xf32>
    %broadcast_in_dim3A_75 = arith.constant 0.000000e+00 : f32
    %broadcast_in_dim3A_76 = vector.broadcast %broadcast_in_dim3A_75 : f32 to vector<128x64xf32>
    %slice3A_77 = vector.extract_strided_slice %add3A_74 {offsets = [0, 0], sizes = [128, 4032], strides = [1, 1]} : vector<128x4096xf32> to vector<128x4032xf32>
    %concatenate3A_78 = tpu.concatenate %broadcast_in_dim3A_76, %slice3A_77 in 1 : vector<128x64xf32>, vector<128x4032xf32> -> vector<128x4096xf32>
    %add3A_79 = arith.addf %add3A_74, %concatenate3A_78 : vector<128x4096xf32>
    %broadcast_in_dim3A_80 = arith.constant 0.000000e+00 : f32
    %broadcast_in_dim3A_81 = vector.broadcast %broadcast_in_dim3A_80 : f32 to vector<128x128xf32>
    %slice3A_82 = vector.extract_strided_slice %add3A_79 {offsets = [0, 0], sizes = [128, 3968], strides = [1, 1]} : vector<128x4096xf32> to vector<128x3968xf32>
    %concatenate3A_83 = tpu.concatenate %broadcast_in_dim3A_81, %slice3A_82 in 1 : vector<128x128xf32>, vector<128x3968xf32> -> vector<128x4096xf32>
    %add3A_84 = arith.addf %add3A_79, %concatenate3A_83 : vector<128x4096xf32>
    %broadcast_in_dim3A_85 = arith.constant 0.000000e+00 : f32
    %broadcast_in_dim3A_86 = vector.broadcast %broadcast_in_dim3A_85 : f32 to vector<128x256xf32>
    %slice3A_87 = vector.extract_strided_slice %add3A_84 {offsets = [0, 0], sizes = [128, 3840], strides = [1, 1]} : vector<128x4096xf32> to vector<128x3840xf32>
    %concatenate3A_88 = tpu.concatenate %broadcast_in_dim3A_86, %slice3A_87 in 1 : vector<128x256xf32>, vector<128x3840xf32> -> vector<128x4096xf32>
    %add3A_89 = arith.addf %add3A_84, %concatenate3A_88 : vector<128x4096xf32>
    %broadcast_in_dim3A_90 = arith.constant 0.000000e+00 : f32
    %broadcast_in_dim3A_91 = vector.broadcast %broadcast_in_dim3A_90 : f32 to vector<128x512xf32>
    %slice3A_92 = vector.extract_strided_slice %add3A_89 {offsets = [0, 0], sizes = [128, 3584], strides = [1, 1]} : vector<128x4096xf32> to vector<128x3584xf32>
    %concatenate3A_93 = tpu.concatenate %broadcast_in_dim3A_91, %slice3A_92 in 1 : vector<128x512xf32>, vector<128x3584xf32> -> vector<128x4096xf32>
    %add3A_94 = arith.addf %add3A_89, %concatenate3A_93 : vector<128x4096xf32>
    %broadcast_in_dim3A_95 = arith.constant 0.000000e+00 : f32
    %broadcast_in_dim3A_96 = vector.broadcast %broadcast_in_dim3A_95 : f32 to vector<128x1024xf32>
    %slice3A_97 = vector.extract_strided_slice %add3A_94 {offsets = [0, 0], sizes = [128, 3072], strides = [1, 1]} : vector<128x4096xf32> to vector<128x3072xf32>
    %concatenate3A_98 = tpu.concatenate %broadcast_in_dim3A_96, %slice3A_97 in 1 : vector<128x1024xf32>, vector<128x3072xf32> -> vector<128x4096xf32>
    %add3A_99 = arith.addf %add3A_94, %concatenate3A_98 : vector<128x4096xf32>
    %broadcast_in_dim3A_100 = arith.constant 0.000000e+00 : f32
    %broadcast_in_dim3A_101 = vector.broadcast %broadcast_in_dim3A_100 : f32 to vector<128x2048xf32>
    %slice3A_102 = vector.extract_strided_slice %add3A_99 {offsets = [0, 0], sizes = [128, 2048], strides = [1, 1]} : vector<128x4096xf32> to vector<128x2048xf32>
    %concatenate3A_103 = tpu.concatenate %broadcast_in_dim3A_101, %slice3A_102 in 1 : vector<128x2048xf32>, vector<128x2048xf32> -> vector<128x4096xf32>
    %add3A_104 = arith.addf %add3A_99, %concatenate3A_103 : vector<128x4096xf32>
    %slice3A_105 = vector.extract_strided_slice %add3A_104 {offsets = [0, 4095], sizes = [128, 1], strides = [1, 1]} : vector<128x4096xf32> to vector<128x1xf32>
    %le3A = arith.constant 0.000000e+00 : f32
    %le3A_106 = vector.broadcast %le3A : f32 to vector<128x4096xf32>
    %le3A_107 = arith.cmpf ole, %add3A_104, %le3A_106 : vector<128x4096xf32>
    %convert_element_type3A_108 = arith.extui %le3A_107 : vector<128x4096xi1> to vector<128x4096xi32>
    %convert_element_type3A_109 = arith.sitofp %convert_element_type3A_108 : vector<128x4096xi32> to vector<128x4096xf32>
    %reduce_sum3A = arith.constant dense<0.000000e+00> : vector<128xf32>
    %reduce_sum3A_110 = vector.multi_reduction <add>, %convert_element_type3A_109, %reduce_sum3A [1] : vector<128x4096xf32> to vector<128xf32>
    %broadcast_in_dim3A_111 = vector.shape_cast %reduce_sum3A_110 : vector<128xf32> to vector<128x1xf32>
    %iota3A = tpu.iota {dimensions = array<i32: 1>} : vector<128x16xi32>
    %broadcast_in_dim3A_112 = arith.constant 0.000000e+00 : f32
    %broadcast_in_dim3A_113 = vector.broadcast %broadcast_in_dim3A_112 : f32 to vector<128x16xf32>
    %scan3A = arith.constant 0 : i32
    %scan3A_114 = arith.constant 16 : i32
    %scan3A_115 = arith.addi %scan3A, %scan3A_114 : i32
    %scan3A_116 = arith.constant 1 : i32
    %scan3A_117 = scf.for %scan3A_311 = %scan3A to %scan3A_115 step %scan3A_116 iter_args(%scan3A_312 = %broadcast_in_dim3A_113) -> (vector<128x16xf32>)  : i32 {
      %convert_element_type3A_313 = arith.sitofp %scan3A_311 : i32 to f32
      %le3A_314 = vector.broadcast %convert_element_type3A_313 : f32 to vector<128x4096xf32>
      %le3A_315 = arith.cmpf ole, %add3A_104, %le3A_314 : vector<128x4096xf32>
      %convert_element_type3A_316 = arith.extui %le3A_315 : vector<128x4096xi1> to vector<128x4096xi32>
      %convert_element_type3A_317 = arith.sitofp %convert_element_type3A_316 : vector<128x4096xi32> to vector<128x4096xf32>
      %reduce_sum3A_318 = arith.constant dense<0.000000e+00> : vector<128xf32>
      %reduce_sum3A_319 = vector.multi_reduction <add>, %convert_element_type3A_317, %reduce_sum3A_318 [1] : vector<128x4096xf32> to vector<128xf32>
      %broadcast_in_dim3A_320 = vector.shape_cast %reduce_sum3A_319 : vector<128xf32> to vector<128x1xf32>
      %lt3A_321 = vector.broadcast %convert_element_type3A_313 : f32 to vector<128x1xf32>
      %lt3A_322 = arith.cmpf olt, %lt3A_321, %slice3A_105 : vector<128x1xf32>
      %select_n3A = arith.select %lt3A_322, %broadcast_in_dim3A_320, %broadcast_in_dim3A_111 : vector<128x1xi1>, vector<128x1xf32>
      %eq3A = vector.broadcast %scan3A_311 : i32 to vector<128x16xi32>
      %eq3A_323 = arith.cmpi eq, %iota3A, %eq3A : vector<128x16xi32>
      %broadcast_in_dim3A_324 = vector.shape_cast %select_n3A : vector<128x1xf32> to vector<128x1xf32>
      %broadcast_in_dim3A_325 = vector.broadcast %broadcast_in_dim3A_324 : vector<128x1xf32> to vector<128x16xf32>
      %select_n3A_326 = arith.select %eq3A_323, %broadcast_in_dim3A_325, %scan3A_312 : vector<128x16xi1>, vector<128x16xf32>
      scf.yield %select_n3A_326 : vector<128x16xf32>
    }
    %scan3A_118 = arith.constant 16 : i32
    %convert_element_type3A_119 = arith.fptosi %scan3A_117 : vector<128x16xf32> to vector<128x16xi32>
    %add3A_120 = vector.broadcast %mul3A_44 : i32 to vector<128x16xi32>
    %add3A_121 = arith.addi %convert_element_type3A_119, %add3A_120 : vector<128x16xi32>
    %swap3A = arith.constant 0 : index
    %swap3A_122 = arith.constant 0 : index
    %swap3A_123 = arith.constant 0 : index
    %swap3A_124 = vector.load %arg8[%swap3A, %swap3A_122, %swap3A_123] : memref<1x128x16xi32, #tpu.memory_space<vmem>>, vector<1x128x16xi32>
    %swap3A_125 = vector.shape_cast %swap3A_124 : vector<1x128x16xi32> to vector<128x16xi32>
    %swap3A_126 = vector.shape_cast %add3A_121 : vector<128x16xi32> to vector<1x128x16xi32>
    tpu.vector_store %arg8[%swap3A, %swap3A_122, %swap3A_123], %swap3A_126 {strides = array<i32>} : memref<1x128x16xi32, #tpu.memory_space<vmem>>, vector<1x128x16xi32>,
    %lt3A_127 = arith.constant 4.000000e-02 : f32
    %lt3A_128 = vector.broadcast %lt3A_127 : f32 to vector<128x4096xf32>
    %lt3A_129 = arith.cmpf olt, %add3A_42, %lt3A_128 : vector<128x4096xf32>
    %convert_element_type3A_130 = arith.extui %lt3A_129 : vector<128x4096xi1> to vector<128x4096xi32>
    %convert_element_type3A_131 = arith.sitofp %convert_element_type3A_130 : vector<128x4096xi32> to vector<128x4096xf32>
    %broadcast_in_dim3A_132 = arith.constant 0.000000e+00 : f32
    %broadcast_in_dim3A_133 = vector.broadcast %broadcast_in_dim3A_132 : f32 to vector<128x1xf32>
    %slice3A_134 = vector.extract_strided_slice %convert_element_type3A_131 {offsets = [0, 0], sizes = [128, 4095], strides = [1, 1]} : vector<128x4096xf32> to vector<128x4095xf32>
    %concatenate3A_135 = tpu.concatenate %broadcast_in_dim3A_133, %slice3A_134 in 1 : vector<128x1xf32>, vector<128x4095xf32> -> vector<128x4096xf32>
    %add3A_136 = arith.addf %convert_element_type3A_131, %concatenate3A_135 : vector<128x4096xf32>
    %broadcast_in_dim3A_137 = arith.constant 0.000000e+00 : f32
    %broadcast_in_dim3A_138 = vector.broadcast %broadcast_in_dim3A_137 : f32 to vector<128x2xf32>
    %slice3A_139 = vector.extract_strided_slice %add3A_136 {offsets = [0, 0], sizes = [128, 4094], strides = [1, 1]} : vector<128x4096xf32> to vector<128x4094xf32>
    %concatenate3A_140 = tpu.concatenate %broadcast_in_dim3A_138, %slice3A_139 in 1 : vector<128x2xf32>, vector<128x4094xf32> -> vector<128x4096xf32>
    %add3A_141 = arith.addf %add3A_136, %concatenate3A_140 : vector<128x4096xf32>
    %broadcast_in_dim3A_142 = arith.constant 0.000000e+00 : f32
    %broadcast_in_dim3A_143 = vector.broadcast %broadcast_in_dim3A_142 : f32 to vector<128x4xf32>
    %slice3A_144 = vector.extract_strided_slice %add3A_141 {offsets = [0, 0], sizes = [128, 4092], strides = [1, 1]} : vector<128x4096xf32> to vector<128x4092xf32>
    %concatenate3A_145 = tpu.concatenate %broadcast_in_dim3A_143, %slice3A_144 in 1 : vector<128x4xf32>, vector<128x4092xf32> -> vector<128x4096xf32>
    %add3A_146 = arith.addf %add3A_141, %concatenate3A_145 : vector<128x4096xf32>
    %broadcast_in_dim3A_147 = arith.constant 0.000000e+00 : f32
    %broadcast_in_dim3A_148 = vector.broadcast %broadcast_in_dim3A_147 : f32 to vector<128x8xf32>
    %slice3A_149 = vector.extract_strided_slice %add3A_146 {offsets = [0, 0], sizes = [128, 4088], strides = [1, 1]} : vector<128x4096xf32> to vector<128x4088xf32>
    %concatenate3A_150 = tpu.concatenate %broadcast_in_dim3A_148, %slice3A_149 in 1 : vector<128x8xf32>, vector<128x4088xf32> -> vector<128x4096xf32>
    %add3A_151 = arith.addf %add3A_146, %concatenate3A_150 : vector<128x4096xf32>
    %broadcast_in_dim3A_152 = arith.constant 0.000000e+00 : f32
    %broadcast_in_dim3A_153 = vector.broadcast %broadcast_in_dim3A_152 : f32 to vector<128x16xf32>
    %slice3A_154 = vector.extract_strided_slice %add3A_151 {offsets = [0, 0], sizes = [128, 4080], strides = [1, 1]} : vector<128x4096xf32> to vector<128x4080xf32>
    %concatenate3A_155 = tpu.concatenate %broadcast_in_dim3A_153, %slice3A_154 in 1 : vector<128x16xf32>, vector<128x4080xf32> -> vector<128x4096xf32>
    %add3A_156 = arith.addf %add3A_151, %concatenate3A_155 : vector<128x4096xf32>
    %broadcast_in_dim3A_157 = arith.constant 0.000000e+00 : f32
    %broadcast_in_dim3A_158 = vector.broadcast %broadcast_in_dim3A_157 : f32 to vector<128x32xf32>
    %slice3A_159 = vector.extract_strided_slice %add3A_156 {offsets = [0, 0], sizes = [128, 4064], strides = [1, 1]} : vector<128x4096xf32> to vector<128x4064xf32>
    %concatenate3A_160 = tpu.concatenate %broadcast_in_dim3A_158, %slice3A_159 in 1 : vector<128x32xf32>, vector<128x4064xf32> -> vector<128x4096xf32>
    %add3A_161 = arith.addf %add3A_156, %concatenate3A_160 : vector<128x4096xf32>
    %broadcast_in_dim3A_162 = arith.constant 0.000000e+00 : f32
    %broadcast_in_dim3A_163 = vector.broadcast %broadcast_in_dim3A_162 : f32 to vector<128x64xf32>
    %slice3A_164 = vector.extract_strided_slice %add3A_161 {offsets = [0, 0], sizes = [128, 4032], strides = [1, 1]} : vector<128x4096xf32> to vector<128x4032xf32>
    %concatenate3A_165 = tpu.concatenate %broadcast_in_dim3A_163, %slice3A_164 in 1 : vector<128x64xf32>, vector<128x4032xf32> -> vector<128x4096xf32>
    %add3A_166 = arith.addf %add3A_161, %concatenate3A_165 : vector<128x4096xf32>
    %broadcast_in_dim3A_167 = arith.constant 0.000000e+00 : f32
    %broadcast_in_dim3A_168 = vector.broadcast %broadcast_in_dim3A_167 : f32 to vector<128x128xf32>
    %slice3A_169 = vector.extract_strided_slice %add3A_166 {offsets = [0, 0], sizes = [128, 3968], strides = [1, 1]} : vector<128x4096xf32> to vector<128x3968xf32>
    %concatenate3A_170 = tpu.concatenate %broadcast_in_dim3A_168, %slice3A_169 in 1 : vector<128x128xf32>, vector<128x3968xf32> -> vector<128x4096xf32>
    %add3A_171 = arith.addf %add3A_166, %concatenate3A_170 : vector<128x4096xf32>
    %broadcast_in_dim3A_172 = arith.constant 0.000000e+00 : f32
    %broadcast_in_dim3A_173 = vector.broadcast %broadcast_in_dim3A_172 : f32 to vector<128x256xf32>
    %slice3A_174 = vector.extract_strided_slice %add3A_171 {offsets = [0, 0], sizes = [128, 3840], strides = [1, 1]} : vector<128x4096xf32> to vector<128x3840xf32>
    %concatenate3A_175 = tpu.concatenate %broadcast_in_dim3A_173, %slice3A_174 in 1 : vector<128x256xf32>, vector<128x3840xf32> -> vector<128x4096xf32>
    %add3A_176 = arith.addf %add3A_171, %concatenate3A_175 : vector<128x4096xf32>
    %broadcast_in_dim3A_177 = arith.constant 0.000000e+00 : f32
    %broadcast_in_dim3A_178 = vector.broadcast %broadcast_in_dim3A_177 : f32 to vector<128x512xf32>
    %slice3A_179 = vector.extract_strided_slice %add3A_176 {offsets = [0, 0], sizes = [128, 3584], strides = [1, 1]} : vector<128x4096xf32> to vector<128x3584xf32>
    %concatenate3A_180 = tpu.concatenate %broadcast_in_dim3A_178, %slice3A_179 in 1 : vector<128x512xf32>, vector<128x3584xf32> -> vector<128x4096xf32>
    %add3A_181 = arith.addf %add3A_176, %concatenate3A_180 : vector<128x4096xf32>
    %broadcast_in_dim3A_182 = arith.constant 0.000000e+00 : f32
    %broadcast_in_dim3A_183 = vector.broadcast %broadcast_in_dim3A_182 : f32 to vector<128x1024xf32>
    %slice3A_184 = vector.extract_strided_slice %add3A_181 {offsets = [0, 0], sizes = [128, 3072], strides = [1, 1]} : vector<128x4096xf32> to vector<128x3072xf32>
    %concatenate3A_185 = tpu.concatenate %broadcast_in_dim3A_183, %slice3A_184 in 1 : vector<128x1024xf32>, vector<128x3072xf32> -> vector<128x4096xf32>
    %add3A_186 = arith.addf %add3A_181, %concatenate3A_185 : vector<128x4096xf32>
    %broadcast_in_dim3A_187 = arith.constant 0.000000e+00 : f32
    %broadcast_in_dim3A_188 = vector.broadcast %broadcast_in_dim3A_187 : f32 to vector<128x2048xf32>
    %slice3A_189 = vector.extract_strided_slice %add3A_186 {offsets = [0, 0], sizes = [128, 2048], strides = [1, 1]} : vector<128x4096xf32> to vector<128x2048xf32>
    %concatenate3A_190 = tpu.concatenate %broadcast_in_dim3A_188, %slice3A_189 in 1 : vector<128x2048xf32>, vector<128x2048xf32> -> vector<128x4096xf32>
    %add3A_191 = arith.addf %add3A_186, %concatenate3A_190 : vector<128x4096xf32>
    %slice3A_192 = vector.extract_strided_slice %add3A_191 {offsets = [0, 4095], sizes = [128, 1], strides = [1, 1]} : vector<128x4096xf32> to vector<128x1xf32>
    %le3A_193 = arith.constant 0.000000e+00 : f32
    %le3A_194 = vector.broadcast %le3A_193 : f32 to vector<128x4096xf32>
    %le3A_195 = arith.cmpf ole, %add3A_191, %le3A_194 : vector<128x4096xf32>
    %convert_element_type3A_196 = arith.extui %le3A_195 : vector<128x4096xi1> to vector<128x4096xi32>
    %convert_element_type3A_197 = arith.sitofp %convert_element_type3A_196 : vector<128x4096xi32> to vector<128x4096xf32>
    %reduce_sum3A_198 = arith.constant dense<0.000000e+00> : vector<128xf32>
    %reduce_sum3A_199 = vector.multi_reduction <add>, %convert_element_type3A_197, %reduce_sum3A_198 [1] : vector<128x4096xf32> to vector<128xf32>
    %broadcast_in_dim3A_200 = vector.shape_cast %reduce_sum3A_199 : vector<128xf32> to vector<128x1xf32>
    %iota3A_201 = tpu.iota {dimensions = array<i32: 1>} : vector<128x32xi32>
    %broadcast_in_dim3A_202 = arith.constant 0.000000e+00 : f32
    %broadcast_in_dim3A_203 = vector.broadcast %broadcast_in_dim3A_202 : f32 to vector<128x32xf32>
    %scan3A_204 = arith.constant 0 : i32
    %scan3A_205 = arith.constant 32 : i32
    %scan3A_206 = arith.addi %scan3A_204, %scan3A_205 : i32
    %scan3A_207 = arith.constant 1 : i32
    %scan3A_208 = scf.for %scan3A_311 = %scan3A_204 to %scan3A_206 step %scan3A_207 iter_args(%scan3A_312 = %broadcast_in_dim3A_203) -> (vector<128x32xf32>)  : i32 {
      %convert_element_type3A_313 = arith.sitofp %scan3A_311 : i32 to f32
      %le3A_314 = vector.broadcast %convert_element_type3A_313 : f32 to vector<128x4096xf32>
      %le3A_315 = arith.cmpf ole, %add3A_191, %le3A_314 : vector<128x4096xf32>
      %convert_element_type3A_316 = arith.extui %le3A_315 : vector<128x4096xi1> to vector<128x4096xi32>
      %convert_element_type3A_317 = arith.sitofp %convert_element_type3A_316 : vector<128x4096xi32> to vector<128x4096xf32>
      %reduce_sum3A_318 = arith.constant dense<0.000000e+00> : vector<128xf32>
      %reduce_sum3A_319 = vector.multi_reduction <add>, %convert_element_type3A_317, %reduce_sum3A_318 [1] : vector<128x4096xf32> to vector<128xf32>
      %broadcast_in_dim3A_320 = vector.shape_cast %reduce_sum3A_319 : vector<128xf32> to vector<128x1xf32>
      %lt3A_321 = vector.broadcast %convert_element_type3A_313 : f32 to vector<128x1xf32>
      %lt3A_322 = arith.cmpf olt, %lt3A_321, %slice3A_192 : vector<128x1xf32>
      %select_n3A = arith.select %lt3A_322, %broadcast_in_dim3A_320, %broadcast_in_dim3A_200 : vector<128x1xi1>, vector<128x1xf32>
      %eq3A = vector.broadcast %scan3A_311 : i32 to vector<128x32xi32>
      %eq3A_323 = arith.cmpi eq, %iota3A_201, %eq3A : vector<128x32xi32>
      %broadcast_in_dim3A_324 = vector.shape_cast %select_n3A : vector<128x1xf32> to vector<128x1xf32>
      %broadcast_in_dim3A_325 = vector.broadcast %broadcast_in_dim3A_324 : vector<128x1xf32> to vector<128x32xf32>
      %select_n3A_326 = arith.select %eq3A_323, %broadcast_in_dim3A_325, %scan3A_312 : vector<128x32xi1>, vector<128x32xf32>
      scf.yield %select_n3A_326 : vector<128x32xf32>
    }
    %scan3A_209 = arith.constant 32 : i32
    %convert_element_type3A_210 = arith.fptosi %scan3A_208 : vector<128x32xf32> to vector<128x32xi32>
    %add3A_211 = vector.broadcast %mul3A_44 : i32 to vector<128x32xi32>
    %add3A_212 = arith.addi %convert_element_type3A_210, %add3A_211 : vector<128x32xi32>
    %swap3A_213 = arith.constant 0 : index
    %swap3A_214 = arith.constant 0 : index
    %swap3A_215 = arith.constant 0 : index
    %swap3A_216 = vector.load %arg9[%swap3A_213, %swap3A_214, %swap3A_215] : memref<1x128x32xi32, #tpu.memory_space<vmem>>, vector<1x128x32xi32>
    %swap3A_217 = vector.shape_cast %swap3A_216 : vector<1x128x32xi32> to vector<128x32xi32>
    %swap3A_218 = vector.shape_cast %add3A_212 : vector<128x32xi32> to vector<1x128x32xi32>
    tpu.vector_store %arg9[%swap3A_213, %swap3A_214, %swap3A_215], %swap3A_218 {strides = array<i32>} : memref<1x128x32xi32, #tpu.memory_space<vmem>>, vector<1x128x32xi32>,
    %lt3A_219 = arith.constant 1.600000e-01 : f32
    %lt3A_220 = vector.broadcast %lt3A_219 : f32 to vector<128x4096xf32>
    %lt3A_221 = arith.cmpf olt, %add3A_42, %lt3A_220 : vector<128x4096xf32>
    %convert_element_type3A_222 = arith.extui %lt3A_221 : vector<128x4096xi1> to vector<128x4096xi32>
    %convert_element_type3A_223 = arith.sitofp %convert_element_type3A_222 : vector<128x4096xi32> to vector<128x4096xf32>
    %broadcast_in_dim3A_224 = arith.constant 0.000000e+00 : f32
    %broadcast_in_dim3A_225 = vector.broadcast %broadcast_in_dim3A_224 : f32 to vector<128x1xf32>
    %slice3A_226 = vector.extract_strided_slice %convert_element_type3A_223 {offsets = [0, 0], sizes = [128, 4095], strides = [1, 1]} : vector<128x4096xf32> to vector<128x4095xf32>
    %concatenate3A_227 = tpu.concatenate %broadcast_in_dim3A_225, %slice3A_226 in 1 : vector<128x1xf32>, vector<128x4095xf32> -> vector<128x4096xf32>
    %add3A_228 = arith.addf %convert_element_type3A_223, %concatenate3A_227 : vector<128x4096xf32>
    %broadcast_in_dim3A_229 = arith.constant 0.000000e+00 : f32
    %broadcast_in_dim3A_230 = vector.broadcast %broadcast_in_dim3A_229 : f32 to vector<128x2xf32>
    %slice3A_231 = vector.extract_strided_slice %add3A_228 {offsets = [0, 0], sizes = [128, 4094], strides = [1, 1]} : vector<128x4096xf32> to vector<128x4094xf32>
    %concatenate3A_232 = tpu.concatenate %broadcast_in_dim3A_230, %slice3A_231 in 1 : vector<128x2xf32>, vector<128x4094xf32> -> vector<128x4096xf32>
    %add3A_233 = arith.addf %add3A_228, %concatenate3A_232 : vector<128x4096xf32>
    %broadcast_in_dim3A_234 = arith.constant 0.000000e+00 : f32
    %broadcast_in_dim3A_235 = vector.broadcast %broadcast_in_dim3A_234 : f32 to vector<128x4xf32>
    %slice3A_236 = vector.extract_strided_slice %add3A_233 {offsets = [0, 0], sizes = [128, 4092], strides = [1, 1]} : vector<128x4096xf32> to vector<128x4092xf32>
    %concatenate3A_237 = tpu.concatenate %broadcast_in_dim3A_235, %slice3A_236 in 1 : vector<128x4xf32>, vector<128x4092xf32> -> vector<128x4096xf32>
    %add3A_238 = arith.addf %add3A_233, %concatenate3A_237 : vector<128x4096xf32>
    %broadcast_in_dim3A_239 = arith.constant 0.000000e+00 : f32
    %broadcast_in_dim3A_240 = vector.broadcast %broadcast_in_dim3A_239 : f32 to vector<128x8xf32>
    %slice3A_241 = vector.extract_strided_slice %add3A_238 {offsets = [0, 0], sizes = [128, 4088], strides = [1, 1]} : vector<128x4096xf32> to vector<128x4088xf32>
    %concatenate3A_242 = tpu.concatenate %broadcast_in_dim3A_240, %slice3A_241 in 1 : vector<128x8xf32>, vector<128x4088xf32> -> vector<128x4096xf32>
    %add3A_243 = arith.addf %add3A_238, %concatenate3A_242 : vector<128x4096xf32>
    %broadcast_in_dim3A_244 = arith.constant 0.000000e+00 : f32
    %broadcast_in_dim3A_245 = vector.broadcast %broadcast_in_dim3A_244 : f32 to vector<128x16xf32>
    %slice3A_246 = vector.extract_strided_slice %add3A_243 {offsets = [0, 0], sizes = [128, 4080], strides = [1, 1]} : vector<128x4096xf32> to vector<128x4080xf32>
    %concatenate3A_247 = tpu.concatenate %broadcast_in_dim3A_245, %slice3A_246 in 1 : vector<128x16xf32>, vector<128x4080xf32> -> vector<128x4096xf32>
    %add3A_248 = arith.addf %add3A_243, %concatenate3A_247 : vector<128x4096xf32>
    %broadcast_in_dim3A_249 = arith.constant 0.000000e+00 : f32
    %broadcast_in_dim3A_250 = vector.broadcast %broadcast_in_dim3A_249 : f32 to vector<128x32xf32>
    %slice3A_251 = vector.extract_strided_slice %add3A_248 {offsets = [0, 0], sizes = [128, 4064], strides = [1, 1]} : vector<128x4096xf32> to vector<128x4064xf32>
    %concatenate3A_252 = tpu.concatenate %broadcast_in_dim3A_250, %slice3A_251 in 1 : vector<128x32xf32>, vector<128x4064xf32> -> vector<128x4096xf32>
    %add3A_253 = arith.addf %add3A_248, %concatenate3A_252 : vector<128x4096xf32>
    %broadcast_in_dim3A_254 = arith.constant 0.000000e+00 : f32
    %broadcast_in_dim3A_255 = vector.broadcast %broadcast_in_dim3A_254 : f32 to vector<128x64xf32>
    %slice3A_256 = vector.extract_strided_slice %add3A_253 {offsets = [0, 0], sizes = [128, 4032], strides = [1, 1]} : vector<128x4096xf32> to vector<128x4032xf32>
    %concatenate3A_257 = tpu.concatenate %broadcast_in_dim3A_255, %slice3A_256 in 1 : vector<128x64xf32>, vector<128x4032xf32> -> vector<128x4096xf32>
    %add3A_258 = arith.addf %add3A_253, %concatenate3A_257 : vector<128x4096xf32>
    %broadcast_in_dim3A_259 = arith.constant 0.000000e+00 : f32
    %broadcast_in_dim3A_260 = vector.broadcast %broadcast_in_dim3A_259 : f32 to vector<128x128xf32>
    %slice3A_261 = vector.extract_strided_slice %add3A_258 {offsets = [0, 0], sizes = [128, 3968], strides = [1, 1]} : vector<128x4096xf32> to vector<128x3968xf32>
    %concatenate3A_262 = tpu.concatenate %broadcast_in_dim3A_260, %slice3A_261 in 1 : vector<128x128xf32>, vector<128x3968xf32> -> vector<128x4096xf32>
    %add3A_263 = arith.addf %add3A_258, %concatenate3A_262 : vector<128x4096xf32>
    %broadcast_in_dim3A_264 = arith.constant 0.000000e+00 : f32
    %broadcast_in_dim3A_265 = vector.broadcast %broadcast_in_dim3A_264 : f32 to vector<128x256xf32>
    %slice3A_266 = vector.extract_strided_slice %add3A_263 {offsets = [0, 0], sizes = [128, 3840], strides = [1, 1]} : vector<128x4096xf32> to vector<128x3840xf32>
    %concatenate3A_267 = tpu.concatenate %broadcast_in_dim3A_265, %slice3A_266 in 1 : vector<128x256xf32>, vector<128x3840xf32> -> vector<128x4096xf32>
    %add3A_268 = arith.addf %add3A_263, %concatenate3A_267 : vector<128x4096xf32>
    %broadcast_in_dim3A_269 = arith.constant 0.000000e+00 : f32
    %broadcast_in_dim3A_270 = vector.broadcast %broadcast_in_dim3A_269 : f32 to vector<128x512xf32>
    %slice3A_271 = vector.extract_strided_slice %add3A_268 {offsets = [0, 0], sizes = [128, 3584], strides = [1, 1]} : vector<128x4096xf32> to vector<128x3584xf32>
    %concatenate3A_272 = tpu.concatenate %broadcast_in_dim3A_270, %slice3A_271 in 1 : vector<128x512xf32>, vector<128x3584xf32> -> vector<128x4096xf32>
    %add3A_273 = arith.addf %add3A_268, %concatenate3A_272 : vector<128x4096xf32>
    %broadcast_in_dim3A_274 = arith.constant 0.000000e+00 : f32
    %broadcast_in_dim3A_275 = vector.broadcast %broadcast_in_dim3A_274 : f32 to vector<128x1024xf32>
    %slice3A_276 = vector.extract_strided_slice %add3A_273 {offsets = [0, 0], sizes = [128, 3072], strides = [1, 1]} : vector<128x4096xf32> to vector<128x3072xf32>
    %concatenate3A_277 = tpu.concatenate %broadcast_in_dim3A_275, %slice3A_276 in 1 : vector<128x1024xf32>, vector<128x3072xf32> -> vector<128x4096xf32>
    %add3A_278 = arith.addf %add3A_273, %concatenate3A_277 : vector<128x4096xf32>
    %broadcast_in_dim3A_279 = arith.constant 0.000000e+00 : f32
    %broadcast_in_dim3A_280 = vector.broadcast %broadcast_in_dim3A_279 : f32 to vector<128x2048xf32>
    %slice3A_281 = vector.extract_strided_slice %add3A_278 {offsets = [0, 0], sizes = [128, 2048], strides = [1, 1]} : vector<128x4096xf32> to vector<128x2048xf32>
    %concatenate3A_282 = tpu.concatenate %broadcast_in_dim3A_280, %slice3A_281 in 1 : vector<128x2048xf32>, vector<128x2048xf32> -> vector<128x4096xf32>
    %add3A_283 = arith.addf %add3A_278, %concatenate3A_282 : vector<128x4096xf32>
    %slice3A_284 = vector.extract_strided_slice %add3A_283 {offsets = [0, 4095], sizes = [128, 1], strides = [1, 1]} : vector<128x4096xf32> to vector<128x1xf32>
    %le3A_285 = arith.constant 0.000000e+00 : f32
    %le3A_286 = vector.broadcast %le3A_285 : f32 to vector<128x4096xf32>
    %le3A_287 = arith.cmpf ole, %add3A_283, %le3A_286 : vector<128x4096xf32>
    %convert_element_type3A_288 = arith.extui %le3A_287 : vector<128x4096xi1> to vector<128x4096xi32>
    %convert_element_type3A_289 = arith.sitofp %convert_element_type3A_288 : vector<128x4096xi32> to vector<128x4096xf32>
    %reduce_sum3A_290 = arith.constant dense<0.000000e+00> : vector<128xf32>
    %reduce_sum3A_291 = vector.multi_reduction <add>, %convert_element_type3A_289, %reduce_sum3A_290 [1] : vector<128x4096xf32> to vector<128xf32>
    %broadcast_in_dim3A_292 = vector.shape_cast %reduce_sum3A_291 : vector<128xf32> to vector<128x1xf32>
    %iota3A_293 = tpu.iota {dimensions = array<i32: 1>} : vector<128x64xi32>
    %broadcast_in_dim3A_294 = arith.constant 0.000000e+00 : f32
    %broadcast_in_dim3A_295 = vector.broadcast %broadcast_in_dim3A_294 : f32 to vector<128x64xf32>
    %scan3A_296 = arith.constant 0 : i32
    %scan3A_297 = arith.constant 64 : i32
    %scan3A_298 = arith.addi %scan3A_296, %scan3A_297 : i32
    %scan3A_299 = arith.constant 1 : i32
    %scan3A_300 = scf.for %scan3A_311 = %scan3A_296 to %scan3A_298 step %scan3A_299 iter_args(%scan3A_312 = %broadcast_in_dim3A_295) -> (vector<128x64xf32>)  : i32 {
      %convert_element_type3A_313 = arith.sitofp %scan3A_311 : i32 to f32
      %le3A_314 = vector.broadcast %convert_element_type3A_313 : f32 to vector<128x4096xf32>
      %le3A_315 = arith.cmpf ole, %add3A_283, %le3A_314 : vector<128x4096xf32>
      %convert_element_type3A_316 = arith.extui %le3A_315 : vector<128x4096xi1> to vector<128x4096xi32>
      %convert_element_type3A_317 = arith.sitofp %convert_element_type3A_316 : vector<128x4096xi32> to vector<128x4096xf32>
      %reduce_sum3A_318 = arith.constant dense<0.000000e+00> : vector<128xf32>
      %reduce_sum3A_319 = vector.multi_reduction <add>, %convert_element_type3A_317, %reduce_sum3A_318 [1] : vector<128x4096xf32> to vector<128xf32>
      %broadcast_in_dim3A_320 = vector.shape_cast %reduce_sum3A_319 : vector<128xf32> to vector<128x1xf32>
      %lt3A_321 = vector.broadcast %convert_element_type3A_313 : f32 to vector<128x1xf32>
      %lt3A_322 = arith.cmpf olt, %lt3A_321, %slice3A_284 : vector<128x1xf32>
      %select_n3A = arith.select %lt3A_322, %broadcast_in_dim3A_320, %broadcast_in_dim3A_292 : vector<128x1xi1>, vector<128x1xf32>
      %eq3A = vector.broadcast %scan3A_311 : i32 to vector<128x64xi32>
      %eq3A_323 = arith.cmpi eq, %iota3A_293, %eq3A : vector<128x64xi32>
      %broadcast_in_dim3A_324 = vector.shape_cast %select_n3A : vector<128x1xf32> to vector<128x1xf32>
      %broadcast_in_dim3A_325 = vector.broadcast %broadcast_in_dim3A_324 : vector<128x1xf32> to vector<128x64xf32>
      %select_n3A_326 = arith.select %eq3A_323, %broadcast_in_dim3A_325, %scan3A_312 : vector<128x64xi1>, vector<128x64xf32>
      scf.yield %select_n3A_326 : vector<128x64xf32>
    }
    %scan3A_301 = arith.constant 64 : i32
    %convert_element_type3A_302 = arith.fptosi %scan3A_300 : vector<128x64xf32> to vector<128x64xi32>
    %add3A_303 = vector.broadcast %mul3A_44 : i32 to vector<128x64xi32>
    %add3A_304 = arith.addi %convert_element_type3A_302, %add3A_303 : vector<128x64xi32>
    %swap3A_305 = arith.constant 0 : index
    %swap3A_306 = arith.constant 0 : index
    %swap3A_307 = arith.constant 0 : index
    %swap3A_308 = vector.load %arg10[%swap3A_305, %swap3A_306, %swap3A_307] : memref<1x128x64xi32, #tpu.memory_space<vmem>>, vector<1x128x64xi32>
    %swap3A_309 = vector.shape_cast %swap3A_308 : vector<1x128x64xi32> to vector<128x64xi32>
    %swap3A_310 = vector.shape_cast %add3A_304 : vector<128x64xi32> to vector<1x128x64xi32>
    tpu.vector_store %arg10[%swap3A_305, %swap3A_306, %swap3A_307], %swap3A_310 {strides = array<i32>} : memref<1x128x64xi32, #tpu.memory_space<vmem>>, vector<1x128x64xi32>,
    return
  }
  func.func @transform_0(%arg0: i32, %arg1: i32) -> (i32, i32, i32) {
    %c0_i32 = arith.constant 0 : i32
    %c0_i32_0 = arith.constant 0 : i32
    %c0_i32_1 = arith.constant 0 : i32
    return %arg0, %c0_i32, %c0_i32_0 : i32, i32, i32
  }
  func.func @transform_1(%arg0: i32, %arg1: i32) -> (i32, i32, i32) {
    %c0_i32 = arith.constant 0 : i32
    %c0_i32_0 = arith.constant 0 : i32
    %c0_i32_1 = arith.constant 0 : i32
    return %arg0, %c0_i32, %c0_i32_0 : i32, i32, i32
  }
  func.func @transform_2(%arg0: i32, %arg1: i32) -> (i32, i32, i32) {
    %c0_i32 = arith.constant 0 : i32
    %c0_i32_0 = arith.constant 0 : i32
    %c0_i32_1 = arith.constant 0 : i32
    return %arg0, %c0_i32, %c0_i32_0 : i32, i32, i32
  }
  func.func @transform_3(%arg0: i32, %arg1: i32) -> (i32, i32, i32, i32) {
    %c0_i32 = arith.constant 0 : i32
    %c0_i32_0 = arith.constant 0 : i32
    %c0_i32_1 = arith.constant 0 : i32
    return %arg0, %arg1, %c0_i32, %c0_i32_0 : i32, i32, i32, i32
  }
  func.func @transform_4(%arg0: i32, %arg1: i32) -> (i32, i32, i32, i32) {
    %c0_i32 = arith.constant 0 : i32
    %c0_i32_0 = arith.constant 0 : i32
    %c0_i32_1 = arith.constant 0 : i32
    return %arg0, %arg1, %c0_i32, %c0_i32_0 : i32, i32, i32, i32
  }
  func.func @transform_5(%arg0: i32, %arg1: i32) -> (i32, i32, i32, i32) {
    %c0_i32 = arith.constant 0 : i32
    %c0_i32_0 = arith.constant 0 : i32
    %c0_i32_1 = arith.constant 0 : i32
    return %arg0, %arg1, %c0_i32, %c0_i32_0 : i32, i32, i32, i32
  }
  func.func @transform_6(%arg0: i32, %arg1: i32) -> (i32, i32, i32) {
    %c0_i32 = arith.constant 0 : i32
    %c0_i32_0 = arith.constant 0 : i32
    return %arg0, %arg1, %c0_i32 : i32, i32, i32
  }
  func.func @transform_7(%arg0: i32, %arg1: i32) -> (i32, i32, i32) {
    %c0_i32 = arith.constant 0 : i32
    %c0_i32_0 = arith.constant 0 : i32
    return %arg0, %arg1, %c0_i32 : i32, i32, i32
  }
  func.func @transform_8(%arg0: i32, %arg1: i32) -> (i32, i32, i32) {
    %c0_i32 = arith.constant 0 : i32
    %c0_i32_0 = arith.constant 0 : i32
    return %arg0, %arg1, %c0_i32 : i32, i32, i32
  }
}

module attributes {stable_mosaic.version = 14 : i64} {
  func.func @_stats_body(%arg0: i32, %arg1: memref<4096x48xf32, #tpu.memory_space<vmem>>, %arg2: memref<4096x4xf32, #tpu.memory_space<vmem>>, %arg3: memref<48x32xf32, #tpu.memory_space<vmem>>, %arg4: memref<1x32xf32, #tpu.memory_space<vmem>>, %arg5: memref<8x32xf32, #tpu.memory_space<vmem>>) attributes {dimension_semantics = [#tpu.dimension_semantics<arbitrary>], iteration_bounds = array<i64: 32>, scalar_prefetch = 0 : i64, scratch_operands = 0 : i64, tpu.core_type = #tpu.core_type<tc>, window_params = [{transform_indices = @transform_0, window_bounds = array<i64: 4096, 48>}, {transform_indices = @transform_1, window_bounds = array<i64: 4096, 4>}, {pipeline_mode = #tpu.pipeline_mode<synchronous>, transform_indices = @transform_2, window_bounds = array<i64: 48, 32>}, {pipeline_mode = #tpu.pipeline_mode<synchronous>, transform_indices = @transform_3, window_bounds = array<i64: 1, 32>}, {pipeline_mode = #tpu.pipeline_mode<synchronous>, transform_indices = @transform_4, window_bounds = array<i64: 8, 32>}]} {
    %get3A = arith.constant 0 : index
    %get3A_0 = arith.constant 0 : index
    %get3A_1 = vector.load %arg1[%get3A, %get3A_0] : memref<4096x48xf32, #tpu.memory_space<vmem>>, vector<4096x48xf32>
    %get3A_2 = arith.constant 0 : index
    %get3A_3 = arith.constant 0 : index
    %get3A_4 = vector.load %arg2[%get3A_2, %get3A_3] : memref<4096x4xf32, #tpu.memory_space<vmem>>, vector<4096x4xf32>
    %broadcast_in_dim3A = arith.constant 0.000000e+00 : f32
    %broadcast_in_dim3A_5 = vector.broadcast %broadcast_in_dim3A : f32 to vector<4096x32xf32>
    %broadcast_in_dim3A_6 = arith.constant 0.000000e+00 : f32
    %broadcast_in_dim3A_7 = vector.broadcast %broadcast_in_dim3A_6 : f32 to vector<4096x12xf32>
    %concatenate3A = tpu.concatenate %broadcast_in_dim3A_5, %get3A_4, %broadcast_in_dim3A_7 in 1 : vector<4096x32xf32>, vector<4096x4xf32>, vector<4096x12xf32> -> vector<4096x48xf32>
    %sub3A = arith.subf %get3A_1, %concatenate3A : vector<4096x48xf32>
    %get3A_8 = arith.constant 0 : index
    %get3A_9 = arith.constant 0 : index
    %get3A_10 = vector.load %arg3[%get3A_8, %get3A_9] : memref<48x32xf32, #tpu.memory_space<vmem>>, vector<48x32xf32>
    %get3A_11 = arith.constant 0 : index
    %get3A_12 = arith.constant 0 : index
    %get3A_13 = vector.load %arg4[%get3A_11, %get3A_12] : memref<1x32xf32, #tpu.memory_space<vmem>>, vector<1x32xf32>
    %dot_general3A = arith.constant dense<0.000000e+00> : vector<4096x32xf32>
    %dot_general3A_14 = tpu.matmul %sub3A, %get3A_10, %dot_general3A {dimension_numbers = #tpu.dot_dimension_numbers<[1], [0], [0], [1], [0, 0, 1, 1], [], []>, transpose_lhs_hint = false} : vector<4096x48xf32>, vector<48x32xf32>, vector<4096x32xf32> -> vector<4096x32xf32>
    %add3A = vector.broadcast %get3A_13 : vector<1x32xf32> to vector<4096x32xf32>
    %add3A_15 = arith.addf %dot_general3A_14, %add3A : vector<4096x32xf32>
    %reduce_sum3A = arith.constant dense<0.000000e+00> : vector<32xf32>
    %reduce_sum3A_16 = vector.multi_reduction <add>, %add3A_15, %reduce_sum3A [0] : vector<4096x32xf32> to vector<32xf32>
    %broadcast_in_dim3A_17 = vector.shape_cast %reduce_sum3A_16 : vector<32xf32> to vector<1x32xf32>
    %mul3A = arith.mulf %add3A_15, %add3A_15 : vector<4096x32xf32>
    %reduce_sum3A_18 = arith.constant dense<0.000000e+00> : vector<32xf32>
    %reduce_sum3A_19 = vector.multi_reduction <add>, %mul3A, %reduce_sum3A_18 [0] : vector<4096x32xf32> to vector<32xf32>
    %broadcast_in_dim3A_20 = vector.shape_cast %reduce_sum3A_19 : vector<32xf32> to vector<1x32xf32>
    %eq3A = arith.constant 0 : i32
    %eq3A_21 = arith.cmpi eq, %arg0, %eq3A : i32
    %convert_element_type3A = arith.extui %eq3A_21 : i1 to i32
    %cond3A = arith.constant 0 : i32
    %cond3A_22 = arith.cmpi ne, %convert_element_type3A, %cond3A : i32
    scf.if %cond3A_22 {
      %broadcast_in_dim3A_36 = arith.constant 0.000000e+00 : f32
      %broadcast_in_dim3A_37 = vector.broadcast %broadcast_in_dim3A_36 : f32 to vector<8x32xf32>
      %swap3A_38 = arith.constant 0 : index
      %swap3A_39 = arith.constant 0 : index
      %swap3A_40 = vector.load %arg5[%swap3A_38, %swap3A_39] : memref<8x32xf32, #tpu.memory_space<vmem>>, vector<8x32xf32>
      tpu.vector_store %arg5[%swap3A_38, %swap3A_39], %broadcast_in_dim3A_37 {strides = array<i32>} : memref<8x32xf32, #tpu.memory_space<vmem>>, vector<8x32xf32>,
    } else {
    }
    %get3A_23 = arith.constant 0 : index
    %get3A_24 = arith.constant 0 : index
    %get3A_25 = vector.load %arg5[%get3A_23, %get3A_24] : memref<8x32xf32, #tpu.memory_space<vmem>>, vector<1x32xf32>
    %add3A_26 = arith.addf %get3A_25, %broadcast_in_dim3A_17 : vector<1x32xf32>
    %swap3A = arith.constant 0 : index
    %swap3A_27 = arith.constant 0 : index
    %swap3A_28 = vector.load %arg5[%swap3A, %swap3A_27] : memref<8x32xf32, #tpu.memory_space<vmem>>, vector<1x32xf32>
    tpu.vector_store %arg5[%swap3A, %swap3A_27], %add3A_26 {strides = array<i32>} : memref<8x32xf32, #tpu.memory_space<vmem>>, vector<1x32xf32>,
    %get3A_29 = arith.constant 1 : index
    %get3A_30 = arith.constant 0 : index
    %get3A_31 = vector.load %arg5[%get3A_29, %get3A_30] : memref<8x32xf32, #tpu.memory_space<vmem>>, vector<1x32xf32>
    %add3A_32 = arith.addf %get3A_31, %broadcast_in_dim3A_20 : vector<1x32xf32>
    %swap3A_33 = arith.constant 1 : index
    %swap3A_34 = arith.constant 0 : index
    %swap3A_35 = vector.load %arg5[%swap3A_33, %swap3A_34] : memref<8x32xf32, #tpu.memory_space<vmem>>, vector<1x32xf32>
    tpu.vector_store %arg5[%swap3A_33, %swap3A_34], %add3A_32 {strides = array<i32>} : memref<8x32xf32, #tpu.memory_space<vmem>>, vector<1x32xf32>,
    return
  }
  func.func @transform_0(%arg0: i32) -> (i32, i32) {
    %c0_i32 = arith.constant 0 : i32
    %c0_i32_0 = arith.constant 0 : i32
    return %arg0, %c0_i32 : i32, i32
  }
  func.func @transform_1(%arg0: i32) -> (i32, i32) {
    %c0_i32 = arith.constant 0 : i32
    %c0_i32_0 = arith.constant 0 : i32
    return %arg0, %c0_i32 : i32, i32
  }
  func.func @transform_2(%arg0: i32) -> (i32, i32) {
    %c0_i32 = arith.constant 0 : i32
    %c0_i32_0 = arith.constant 0 : i32
    %c0_i32_1 = arith.constant 0 : i32
    return %c0_i32, %c0_i32_0 : i32, i32
  }
  func.func @transform_3(%arg0: i32) -> (i32, i32) {
    %c0_i32 = arith.constant 0 : i32
    %c0_i32_0 = arith.constant 0 : i32
    %c0_i32_1 = arith.constant 0 : i32
    return %c0_i32, %c0_i32_0 : i32, i32
  }
  func.func @transform_4(%arg0: i32) -> (i32, i32) {
    %c0_i32 = arith.constant 0 : i32
    %c0_i32_0 = arith.constant 0 : i32
    %c0_i32_1 = arith.constant 0 : i32
    return %c0_i32, %c0_i32_0 : i32, i32
  }
}

module attributes {stable_mosaic.version = 14 : i64} {
  func.func @_stats_body(%arg0: i32, %arg1: memref<4096x48xf32, #tpu.memory_space<vmem>>, %arg2: memref<4096x4xf32, #tpu.memory_space<vmem>>, %arg3: memref<48x32xf32, #tpu.memory_space<vmem>>, %arg4: memref<1x32xf32, #tpu.memory_space<vmem>>, %arg5: memref<1x32xf32, #tpu.memory_space<vmem>>, %arg6: memref<1x32xf32, #tpu.memory_space<vmem>>, %arg7: memref<8x32xf32, #tpu.memory_space<vmem>>, %arg8: memref<32x32xf32, #tpu.memory_space<vmem>>, %arg9: memref<1x32xf32, #tpu.memory_space<vmem>>, %arg10: memref<8x32xf32, #tpu.memory_space<vmem>>) attributes {dimension_semantics = [#tpu.dimension_semantics<arbitrary>], iteration_bounds = array<i64: 32>, scalar_prefetch = 0 : i64, scratch_operands = 0 : i64, tpu.core_type = #tpu.core_type<tc>, window_params = [{transform_indices = @transform_0, window_bounds = array<i64: 4096, 48>}, {transform_indices = @transform_1, window_bounds = array<i64: 4096, 4>}, {pipeline_mode = #tpu.pipeline_mode<synchronous>, transform_indices = @transform_2, window_bounds = array<i64: 48, 32>}, {pipeline_mode = #tpu.pipeline_mode<synchronous>, transform_indices = @transform_3, window_bounds = array<i64: 1, 32>}, {pipeline_mode = #tpu.pipeline_mode<synchronous>, transform_indices = @transform_4, window_bounds = array<i64: 1, 32>}, {pipeline_mode = #tpu.pipeline_mode<synchronous>, transform_indices = @transform_5, window_bounds = array<i64: 1, 32>}, {pipeline_mode = #tpu.pipeline_mode<synchronous>, transform_indices = @transform_6, window_bounds = array<i64: 8, 32>}, {pipeline_mode = #tpu.pipeline_mode<synchronous>, transform_indices = @transform_7, window_bounds = array<i64: 32, 32>}, {pipeline_mode = #tpu.pipeline_mode<synchronous>, transform_indices = @transform_8, window_bounds = array<i64: 1, 32>}, {pipeline_mode = #tpu.pipeline_mode<synchronous>, transform_indices = @transform_9, window_bounds = array<i64: 8, 32>}]} {
    %get3A = arith.constant 0 : index
    %get3A_0 = arith.constant 0 : index
    %get3A_1 = vector.load %arg1[%get3A, %get3A_0] : memref<4096x48xf32, #tpu.memory_space<vmem>>, vector<4096x48xf32>
    %get3A_2 = arith.constant 0 : index
    %get3A_3 = arith.constant 0 : index
    %get3A_4 = vector.load %arg2[%get3A_2, %get3A_3] : memref<4096x4xf32, #tpu.memory_space<vmem>>, vector<4096x4xf32>
    %broadcast_in_dim3A = arith.constant 0.000000e+00 : f32
    %broadcast_in_dim3A_5 = vector.broadcast %broadcast_in_dim3A : f32 to vector<4096x32xf32>
    %broadcast_in_dim3A_6 = arith.constant 0.000000e+00 : f32
    %broadcast_in_dim3A_7 = vector.broadcast %broadcast_in_dim3A_6 : f32 to vector<4096x12xf32>
    %concatenate3A = tpu.concatenate %broadcast_in_dim3A_5, %get3A_4, %broadcast_in_dim3A_7 in 1 : vector<4096x32xf32>, vector<4096x4xf32>, vector<4096x12xf32> -> vector<4096x48xf32>
    %sub3A = arith.subf %get3A_1, %concatenate3A : vector<4096x48xf32>
    %get3A_8 = arith.constant 0 : index
    %get3A_9 = arith.constant 0 : index
    %get3A_10 = vector.load %arg3[%get3A_8, %get3A_9] : memref<48x32xf32, #tpu.memory_space<vmem>>, vector<48x32xf32>
    %get3A_11 = arith.constant 0 : index
    %get3A_12 = arith.constant 0 : index
    %get3A_13 = vector.load %arg4[%get3A_11, %get3A_12] : memref<1x32xf32, #tpu.memory_space<vmem>>, vector<1x32xf32>
    %dot_general3A = arith.constant dense<0.000000e+00> : vector<4096x32xf32>
    %dot_general3A_14 = tpu.matmul %sub3A, %get3A_10, %dot_general3A {dimension_numbers = #tpu.dot_dimension_numbers<[1], [0], [0], [1], [0, 0, 1, 1], [], []>, transpose_lhs_hint = false} : vector<4096x48xf32>, vector<48x32xf32>, vector<4096x32xf32> -> vector<4096x32xf32>
    %add3A = vector.broadcast %get3A_13 : vector<1x32xf32> to vector<4096x32xf32>
    %add3A_15 = arith.addf %dot_general3A_14, %add3A : vector<4096x32xf32>
    %get3A_16 = arith.constant 0 : index
    %get3A_17 = arith.constant 0 : index
    %get3A_18 = vector.load %arg5[%get3A_16, %get3A_17] : memref<1x32xf32, #tpu.memory_space<vmem>>, vector<1x32xf32>
    %get3A_19 = arith.constant 0 : index
    %get3A_20 = arith.constant 0 : index
    %get3A_21 = vector.load %arg6[%get3A_19, %get3A_20] : memref<1x32xf32, #tpu.memory_space<vmem>>, vector<1x32xf32>
    %get3A_22 = arith.constant 0 : index
    %get3A_23 = arith.constant 0 : index
    %get3A_24 = vector.load %arg7[%get3A_22, %get3A_23] : memref<8x32xf32, #tpu.memory_space<vmem>>, vector<8x32xf32>
    %slice3A = vector.extract_strided_slice %get3A_24 {offsets = [0, 0], sizes = [1, 32], strides = [1, 1]} : vector<8x32xf32> to vector<1x32xf32>
    %div3A = arith.constant 1.310720e+05 : f32
    %div3A_25 = vector.broadcast %div3A : f32 to vector<1x32xf32>
    %div3A_26 = arith.divf %slice3A, %div3A_25 : vector<1x32xf32>
    %slice3A_27 = vector.extract_strided_slice %get3A_24 {offsets = [1, 0], sizes = [1, 32], strides = [1, 1]} : vector<8x32xf32> to vector<1x32xf32>
    %div3A_28 = arith.constant 1.310720e+05 : f32
    %div3A_29 = vector.broadcast %div3A_28 : f32 to vector<1x32xf32>
    %div3A_30 = arith.divf %slice3A_27, %div3A_29 : vector<1x32xf32>
    %mul3A = arith.mulf %div3A_26, %div3A_26 : vector<1x32xf32>
    %sub3A_31 = arith.subf %div3A_30, %mul3A : vector<1x32xf32>
    %max3A = arith.constant 0.000000e+00 : f32
    %max3A_32 = vector.broadcast %max3A : f32 to vector<1x32xf32>
    %max3A_33 = arith.maximumf %sub3A_31, %max3A_32 : vector<1x32xf32>
    %add3A_34 = arith.constant 9.99999974E-6 : f32
    %add3A_35 = vector.broadcast %add3A_34 : f32 to vector<1x32xf32>
    %add3A_36 = arith.addf %max3A_33, %add3A_35 : vector<1x32xf32>
    %rsqrt3A = math.rsqrt %add3A_36 : vector<1x32xf32>
    %sub3A_37 = vector.broadcast %div3A_26 : vector<1x32xf32> to vector<4096x32xf32>
    %sub3A_38 = arith.subf %add3A_15, %sub3A_37 : vector<4096x32xf32>
    %mul3A_39 = vector.broadcast %rsqrt3A : vector<1x32xf32> to vector<4096x32xf32>
    %mul3A_40 = arith.mulf %sub3A_38, %mul3A_39 : vector<4096x32xf32>
    %mul3A_41 = vector.broadcast %get3A_18 : vector<1x32xf32> to vector<4096x32xf32>
    %mul3A_42 = arith.mulf %mul3A_40, %mul3A_41 : vector<4096x32xf32>
    %add3A_43 = vector.broadcast %get3A_21 : vector<1x32xf32> to vector<4096x32xf32>
    %add3A_44 = arith.addf %mul3A_42, %add3A_43 : vector<4096x32xf32>
    %max3A_45 = arith.constant 0.000000e+00 : f32
    %max3A_46 = vector.broadcast %max3A_45 : f32 to vector<4096x32xf32>
    %max3A_47 = arith.maximumf %add3A_44, %max3A_46 : vector<4096x32xf32>
    %get3A_48 = arith.constant 0 : index
    %get3A_49 = arith.constant 0 : index
    %get3A_50 = vector.load %arg8[%get3A_48, %get3A_49] : memref<32x32xf32, #tpu.memory_space<vmem>>, vector<32x32xf32>
    %get3A_51 = arith.constant 0 : index
    %get3A_52 = arith.constant 0 : index
    %get3A_53 = vector.load %arg9[%get3A_51, %get3A_52] : memref<1x32xf32, #tpu.memory_space<vmem>>, vector<1x32xf32>
    %dot_general3A_54 = arith.constant dense<0.000000e+00> : vector<4096x32xf32>
    %dot_general3A_55 = tpu.matmul %max3A_47, %get3A_50, %dot_general3A_54 {dimension_numbers = #tpu.dot_dimension_numbers<[1], [0], [0], [1], [0, 0, 1, 1], [], []>, transpose_lhs_hint = false} : vector<4096x32xf32>, vector<32x32xf32>, vector<4096x32xf32> -> vector<4096x32xf32>
    %add3A_56 = vector.broadcast %get3A_53 : vector<1x32xf32> to vector<4096x32xf32>
    %add3A_57 = arith.addf %dot_general3A_55, %add3A_56 : vector<4096x32xf32>
    %reduce_sum3A = arith.constant dense<0.000000e+00> : vector<32xf32>
    %reduce_sum3A_58 = vector.multi_reduction <add>, %add3A_57, %reduce_sum3A [0] : vector<4096x32xf32> to vector<32xf32>
    %broadcast_in_dim3A_59 = vector.shape_cast %reduce_sum3A_58 : vector<32xf32> to vector<1x32xf32>
    %mul3A_60 = arith.mulf %add3A_57, %add3A_57 : vector<4096x32xf32>
    %reduce_sum3A_61 = arith.constant dense<0.000000e+00> : vector<32xf32>
    %reduce_sum3A_62 = vector.multi_reduction <add>, %mul3A_60, %reduce_sum3A_61 [0] : vector<4096x32xf32> to vector<32xf32>
    %broadcast_in_dim3A_63 = vector.shape_cast %reduce_sum3A_62 : vector<32xf32> to vector<1x32xf32>
    %eq3A = arith.constant 0 : i32
    %eq3A_64 = arith.cmpi eq, %arg0, %eq3A : i32
    %convert_element_type3A = arith.extui %eq3A_64 : i1 to i32
    %cond3A = arith.constant 0 : i32
    %cond3A_65 = arith.cmpi ne, %convert_element_type3A, %cond3A : i32
    scf.if %cond3A_65 {
      %broadcast_in_dim3A_79 = arith.constant 0.000000e+00 : f32
      %broadcast_in_dim3A_80 = vector.broadcast %broadcast_in_dim3A_79 : f32 to vector<8x32xf32>
      %swap3A_81 = arith.constant 0 : index
      %swap3A_82 = arith.constant 0 : index
      %swap3A_83 = vector.load %arg10[%swap3A_81, %swap3A_82] : memref<8x32xf32, #tpu.memory_space<vmem>>, vector<8x32xf32>
      tpu.vector_store %arg10[%swap3A_81, %swap3A_82], %broadcast_in_dim3A_80 {strides = array<i32>} : memref<8x32xf32, #tpu.memory_space<vmem>>, vector<8x32xf32>,
    } else {
    }
    %get3A_66 = arith.constant 0 : index
    %get3A_67 = arith.constant 0 : index
    %get3A_68 = vector.load %arg10[%get3A_66, %get3A_67] : memref<8x32xf32, #tpu.memory_space<vmem>>, vector<1x32xf32>
    %add3A_69 = arith.addf %get3A_68, %broadcast_in_dim3A_59 : vector<1x32xf32>
    %swap3A = arith.constant 0 : index
    %swap3A_70 = arith.constant 0 : index
    %swap3A_71 = vector.load %arg10[%swap3A, %swap3A_70] : memref<8x32xf32, #tpu.memory_space<vmem>>, vector<1x32xf32>
    tpu.vector_store %arg10[%swap3A, %swap3A_70], %add3A_69 {strides = array<i32>} : memref<8x32xf32, #tpu.memory_space<vmem>>, vector<1x32xf32>,
    %get3A_72 = arith.constant 1 : index
    %get3A_73 = arith.constant 0 : index
    %get3A_74 = vector.load %arg10[%get3A_72, %get3A_73] : memref<8x32xf32, #tpu.memory_space<vmem>>, vector<1x32xf32>
    %add3A_75 = arith.addf %get3A_74, %broadcast_in_dim3A_63 : vector<1x32xf32>
    %swap3A_76 = arith.constant 1 : index
    %swap3A_77 = arith.constant 0 : index
    %swap3A_78 = vector.load %arg10[%swap3A_76, %swap3A_77] : memref<8x32xf32, #tpu.memory_space<vmem>>, vector<1x32xf32>
    tpu.vector_store %arg10[%swap3A_76, %swap3A_77], %add3A_75 {strides = array<i32>} : memref<8x32xf32, #tpu.memory_space<vmem>>, vector<1x32xf32>,
    return
  }
  func.func @transform_0(%arg0: i32) -> (i32, i32) {
    %c0_i32 = arith.constant 0 : i32
    %c0_i32_0 = arith.constant 0 : i32
    return %arg0, %c0_i32 : i32, i32
  }
  func.func @transform_1(%arg0: i32) -> (i32, i32) {
    %c0_i32 = arith.constant 0 : i32
    %c0_i32_0 = arith.constant 0 : i32
    return %arg0, %c0_i32 : i32, i32
  }
  func.func @transform_2(%arg0: i32) -> (i32, i32) {
    %c0_i32 = arith.constant 0 : i32
    %c0_i32_0 = arith.constant 0 : i32
    %c0_i32_1 = arith.constant 0 : i32
    return %c0_i32, %c0_i32_0 : i32, i32
  }
  func.func @transform_3(%arg0: i32) -> (i32, i32) {
    %c0_i32 = arith.constant 0 : i32
    %c0_i32_0 = arith.constant 0 : i32
    %c0_i32_1 = arith.constant 0 : i32
    return %c0_i32, %c0_i32_0 : i32, i32
  }
  func.func @transform_4(%arg0: i32) -> (i32, i32) {
    %c0_i32 = arith.constant 0 : i32
    %c0_i32_0 = arith.constant 0 : i32
    %c0_i32_1 = arith.constant 0 : i32
    return %c0_i32, %c0_i32_0 : i32, i32
  }
  func.func @transform_5(%arg0: i32) -> (i32, i32) {
    %c0_i32 = arith.constant 0 : i32
    %c0_i32_0 = arith.constant 0 : i32
    %c0_i32_1 = arith.constant 0 : i32
    return %c0_i32, %c0_i32_0 : i32, i32
  }
  func.func @transform_6(%arg0: i32) -> (i32, i32) {
    %c0_i32 = arith.constant 0 : i32
    %c0_i32_0 = arith.constant 0 : i32
    %c0_i32_1 = arith.constant 0 : i32
    return %c0_i32, %c0_i32_0 : i32, i32
  }
  func.func @transform_7(%arg0: i32) -> (i32, i32) {
    %c0_i32 = arith.constant 0 : i32
    %c0_i32_0 = arith.constant 0 : i32
    %c0_i32_1 = arith.constant 0 : i32
    return %c0_i32, %c0_i32_0 : i32, i32
  }
  func.func @transform_8(%arg0: i32) -> (i32, i32) {
    %c0_i32 = arith.constant 0 : i32
    %c0_i32_0 = arith.constant 0 : i32
    %c0_i32_1 = arith.constant 0 : i32
    return %c0_i32, %c0_i32_0 : i32, i32
  }
  func.func @transform_9(%arg0: i32) -> (i32, i32) {
    %c0_i32 = arith.constant 0 : i32
    %c0_i32_0 = arith.constant 0 : i32
    %c0_i32_1 = arith.constant 0 : i32
    return %c0_i32, %c0_i32_0 : i32, i32
  }
}

module attributes {stable_mosaic.version = 14 : i64} {
  func.func @_stats_body(%arg0: i32, %arg1: memref<4096x48xf32, #tpu.memory_space<vmem>>, %arg2: memref<4096x4xf32, #tpu.memory_space<vmem>>, %arg3: memref<48x32xf32, #tpu.memory_space<vmem>>, %arg4: memref<1x32xf32, #tpu.memory_space<vmem>>, %arg5: memref<1x32xf32, #tpu.memory_space<vmem>>, %arg6: memref<1x32xf32, #tpu.memory_space<vmem>>, %arg7: memref<8x32xf32, #tpu.memory_space<vmem>>, %arg8: memref<32x32xf32, #tpu.memory_space<vmem>>, %arg9: memref<1x32xf32, #tpu.memory_space<vmem>>, %arg10: memref<1x32xf32, #tpu.memory_space<vmem>>, %arg11: memref<1x32xf32, #tpu.memory_space<vmem>>, %arg12: memref<8x32xf32, #tpu.memory_space<vmem>>, %arg13: memref<32x64xf32, #tpu.memory_space<vmem>>, %arg14: memref<1x64xf32, #tpu.memory_space<vmem>>, %arg15: memref<8x64xf32, #tpu.memory_space<vmem>>) attributes {dimension_semantics = [#tpu.dimension_semantics<arbitrary>], iteration_bounds = array<i64: 32>, scalar_prefetch = 0 : i64, scratch_operands = 0 : i64, tpu.core_type = #tpu.core_type<tc>, window_params = [{transform_indices = @transform_0, window_bounds = array<i64: 4096, 48>}, {transform_indices = @transform_1, window_bounds = array<i64: 4096, 4>}, {pipeline_mode = #tpu.pipeline_mode<synchronous>, transform_indices = @transform_2, window_bounds = array<i64: 48, 32>}, {pipeline_mode = #tpu.pipeline_mode<synchronous>, transform_indices = @transform_3, window_bounds = array<i64: 1, 32>}, {pipeline_mode = #tpu.pipeline_mode<synchronous>, transform_indices = @transform_4, window_bounds = array<i64: 1, 32>}, {pipeline_mode = #tpu.pipeline_mode<synchronous>, transform_indices = @transform_5, window_bounds = array<i64: 1, 32>}, {pipeline_mode = #tpu.pipeline_mode<synchronous>, transform_indices = @transform_6, window_bounds = array<i64: 8, 32>}, {pipeline_mode = #tpu.pipeline_mode<synchronous>, transform_indices = @transform_7, window_bounds = array<i64: 32, 32>}, {pipeline_mode = #tpu.pipeline_mode<synchronous>, transform_indices = @transform_8, window_bounds = array<i64: 1, 32>}, {pipeline_mode = #tpu.pipeline_mode<synchronous>, transform_indices = @transform_9, window_bounds = array<i64: 1, 32>}, {pipeline_mode = #tpu.pipeline_mode<synchronous>, transform_indices = @transform_10, window_bounds = array<i64: 1, 32>}, {pipeline_mode = #tpu.pipeline_mode<synchronous>, transform_indices = @transform_11, window_bounds = array<i64: 8, 32>}, {pipeline_mode = #tpu.pipeline_mode<synchronous>, transform_indices = @transform_12, window_bounds = array<i64: 32, 64>}, {pipeline_mode = #tpu.pipeline_mode<synchronous>, transform_indices = @transform_13, window_bounds = array<i64: 1, 64>}, {pipeline_mode = #tpu.pipeline_mode<synchronous>, transform_indices = @transform_14, window_bounds = array<i64: 8, 64>}]} {
    %get3A = arith.constant 0 : index
    %get3A_0 = arith.constant 0 : index
    %get3A_1 = vector.load %arg1[%get3A, %get3A_0] : memref<4096x48xf32, #tpu.memory_space<vmem>>, vector<4096x48xf32>
    %get3A_2 = arith.constant 0 : index
    %get3A_3 = arith.constant 0 : index
    %get3A_4 = vector.load %arg2[%get3A_2, %get3A_3] : memref<4096x4xf32, #tpu.memory_space<vmem>>, vector<4096x4xf32>
    %broadcast_in_dim3A = arith.constant 0.000000e+00 : f32
    %broadcast_in_dim3A_5 = vector.broadcast %broadcast_in_dim3A : f32 to vector<4096x32xf32>
    %broadcast_in_dim3A_6 = arith.constant 0.000000e+00 : f32
    %broadcast_in_dim3A_7 = vector.broadcast %broadcast_in_dim3A_6 : f32 to vector<4096x12xf32>
    %concatenate3A = tpu.concatenate %broadcast_in_dim3A_5, %get3A_4, %broadcast_in_dim3A_7 in 1 : vector<4096x32xf32>, vector<4096x4xf32>, vector<4096x12xf32> -> vector<4096x48xf32>
    %sub3A = arith.subf %get3A_1, %concatenate3A : vector<4096x48xf32>
    %get3A_8 = arith.constant 0 : index
    %get3A_9 = arith.constant 0 : index
    %get3A_10 = vector.load %arg3[%get3A_8, %get3A_9] : memref<48x32xf32, #tpu.memory_space<vmem>>, vector<48x32xf32>
    %get3A_11 = arith.constant 0 : index
    %get3A_12 = arith.constant 0 : index
    %get3A_13 = vector.load %arg4[%get3A_11, %get3A_12] : memref<1x32xf32, #tpu.memory_space<vmem>>, vector<1x32xf32>
    %dot_general3A = arith.constant dense<0.000000e+00> : vector<4096x32xf32>
    %dot_general3A_14 = tpu.matmul %sub3A, %get3A_10, %dot_general3A {dimension_numbers = #tpu.dot_dimension_numbers<[1], [0], [0], [1], [0, 0, 1, 1], [], []>, transpose_lhs_hint = false} : vector<4096x48xf32>, vector<48x32xf32>, vector<4096x32xf32> -> vector<4096x32xf32>
    %add3A = vector.broadcast %get3A_13 : vector<1x32xf32> to vector<4096x32xf32>
    %add3A_15 = arith.addf %dot_general3A_14, %add3A : vector<4096x32xf32>
    %get3A_16 = arith.constant 0 : index
    %get3A_17 = arith.constant 0 : index
    %get3A_18 = vector.load %arg5[%get3A_16, %get3A_17] : memref<1x32xf32, #tpu.memory_space<vmem>>, vector<1x32xf32>
    %get3A_19 = arith.constant 0 : index
    %get3A_20 = arith.constant 0 : index
    %get3A_21 = vector.load %arg6[%get3A_19, %get3A_20] : memref<1x32xf32, #tpu.memory_space<vmem>>, vector<1x32xf32>
    %get3A_22 = arith.constant 0 : index
    %get3A_23 = arith.constant 0 : index
    %get3A_24 = vector.load %arg7[%get3A_22, %get3A_23] : memref<8x32xf32, #tpu.memory_space<vmem>>, vector<8x32xf32>
    %slice3A = vector.extract_strided_slice %get3A_24 {offsets = [0, 0], sizes = [1, 32], strides = [1, 1]} : vector<8x32xf32> to vector<1x32xf32>
    %div3A = arith.constant 1.310720e+05 : f32
    %div3A_25 = vector.broadcast %div3A : f32 to vector<1x32xf32>
    %div3A_26 = arith.divf %slice3A, %div3A_25 : vector<1x32xf32>
    %slice3A_27 = vector.extract_strided_slice %get3A_24 {offsets = [1, 0], sizes = [1, 32], strides = [1, 1]} : vector<8x32xf32> to vector<1x32xf32>
    %div3A_28 = arith.constant 1.310720e+05 : f32
    %div3A_29 = vector.broadcast %div3A_28 : f32 to vector<1x32xf32>
    %div3A_30 = arith.divf %slice3A_27, %div3A_29 : vector<1x32xf32>
    %mul3A = arith.mulf %div3A_26, %div3A_26 : vector<1x32xf32>
    %sub3A_31 = arith.subf %div3A_30, %mul3A : vector<1x32xf32>
    %max3A = arith.constant 0.000000e+00 : f32
    %max3A_32 = vector.broadcast %max3A : f32 to vector<1x32xf32>
    %max3A_33 = arith.maximumf %sub3A_31, %max3A_32 : vector<1x32xf32>
    %add3A_34 = arith.constant 9.99999974E-6 : f32
    %add3A_35 = vector.broadcast %add3A_34 : f32 to vector<1x32xf32>
    %add3A_36 = arith.addf %max3A_33, %add3A_35 : vector<1x32xf32>
    %rsqrt3A = math.rsqrt %add3A_36 : vector<1x32xf32>
    %sub3A_37 = vector.broadcast %div3A_26 : vector<1x32xf32> to vector<4096x32xf32>
    %sub3A_38 = arith.subf %add3A_15, %sub3A_37 : vector<4096x32xf32>
    %mul3A_39 = vector.broadcast %rsqrt3A : vector<1x32xf32> to vector<4096x32xf32>
    %mul3A_40 = arith.mulf %sub3A_38, %mul3A_39 : vector<4096x32xf32>
    %mul3A_41 = vector.broadcast %get3A_18 : vector<1x32xf32> to vector<4096x32xf32>
    %mul3A_42 = arith.mulf %mul3A_40, %mul3A_41 : vector<4096x32xf32>
    %add3A_43 = vector.broadcast %get3A_21 : vector<1x32xf32> to vector<4096x32xf32>
    %add3A_44 = arith.addf %mul3A_42, %add3A_43 : vector<4096x32xf32>
    %max3A_45 = arith.constant 0.000000e+00 : f32
    %max3A_46 = vector.broadcast %max3A_45 : f32 to vector<4096x32xf32>
    %max3A_47 = arith.maximumf %add3A_44, %max3A_46 : vector<4096x32xf32>
    %get3A_48 = arith.constant 0 : index
    %get3A_49 = arith.constant 0 : index
    %get3A_50 = vector.load %arg8[%get3A_48, %get3A_49] : memref<32x32xf32, #tpu.memory_space<vmem>>, vector<32x32xf32>
    %get3A_51 = arith.constant 0 : index
    %get3A_52 = arith.constant 0 : index
    %get3A_53 = vector.load %arg9[%get3A_51, %get3A_52] : memref<1x32xf32, #tpu.memory_space<vmem>>, vector<1x32xf32>
    %dot_general3A_54 = arith.constant dense<0.000000e+00> : vector<4096x32xf32>
    %dot_general3A_55 = tpu.matmul %max3A_47, %get3A_50, %dot_general3A_54 {dimension_numbers = #tpu.dot_dimension_numbers<[1], [0], [0], [1], [0, 0, 1, 1], [], []>, transpose_lhs_hint = false} : vector<4096x32xf32>, vector<32x32xf32>, vector<4096x32xf32> -> vector<4096x32xf32>
    %add3A_56 = vector.broadcast %get3A_53 : vector<1x32xf32> to vector<4096x32xf32>
    %add3A_57 = arith.addf %dot_general3A_55, %add3A_56 : vector<4096x32xf32>
    %get3A_58 = arith.constant 0 : index
    %get3A_59 = arith.constant 0 : index
    %get3A_60 = vector.load %arg10[%get3A_58, %get3A_59] : memref<1x32xf32, #tpu.memory_space<vmem>>, vector<1x32xf32>
    %get3A_61 = arith.constant 0 : index
    %get3A_62 = arith.constant 0 : index
    %get3A_63 = vector.load %arg11[%get3A_61, %get3A_62] : memref<1x32xf32, #tpu.memory_space<vmem>>, vector<1x32xf32>
    %get3A_64 = arith.constant 0 : index
    %get3A_65 = arith.constant 0 : index
    %get3A_66 = vector.load %arg12[%get3A_64, %get3A_65] : memref<8x32xf32, #tpu.memory_space<vmem>>, vector<8x32xf32>
    %slice3A_67 = vector.extract_strided_slice %get3A_66 {offsets = [0, 0], sizes = [1, 32], strides = [1, 1]} : vector<8x32xf32> to vector<1x32xf32>
    %div3A_68 = arith.constant 1.310720e+05 : f32
    %div3A_69 = vector.broadcast %div3A_68 : f32 to vector<1x32xf32>
    %div3A_70 = arith.divf %slice3A_67, %div3A_69 : vector<1x32xf32>
    %slice3A_71 = vector.extract_strided_slice %get3A_66 {offsets = [1, 0], sizes = [1, 32], strides = [1, 1]} : vector<8x32xf32> to vector<1x32xf32>
    %div3A_72 = arith.constant 1.310720e+05 : f32
    %div3A_73 = vector.broadcast %div3A_72 : f32 to vector<1x32xf32>
    %div3A_74 = arith.divf %slice3A_71, %div3A_73 : vector<1x32xf32>
    %mul3A_75 = arith.mulf %div3A_70, %div3A_70 : vector<1x32xf32>
    %sub3A_76 = arith.subf %div3A_74, %mul3A_75 : vector<1x32xf32>
    %max3A_77 = arith.constant 0.000000e+00 : f32
    %max3A_78 = vector.broadcast %max3A_77 : f32 to vector<1x32xf32>
    %max3A_79 = arith.maximumf %sub3A_76, %max3A_78 : vector<1x32xf32>
    %add3A_80 = arith.constant 9.99999974E-6 : f32
    %add3A_81 = vector.broadcast %add3A_80 : f32 to vector<1x32xf32>
    %add3A_82 = arith.addf %max3A_79, %add3A_81 : vector<1x32xf32>
    %rsqrt3A_83 = math.rsqrt %add3A_82 : vector<1x32xf32>
    %sub3A_84 = vector.broadcast %div3A_70 : vector<1x32xf32> to vector<4096x32xf32>
    %sub3A_85 = arith.subf %add3A_57, %sub3A_84 : vector<4096x32xf32>
    %mul3A_86 = vector.broadcast %rsqrt3A_83 : vector<1x32xf32> to vector<4096x32xf32>
    %mul3A_87 = arith.mulf %sub3A_85, %mul3A_86 : vector<4096x32xf32>
    %mul3A_88 = vector.broadcast %get3A_60 : vector<1x32xf32> to vector<4096x32xf32>
    %mul3A_89 = arith.mulf %mul3A_87, %mul3A_88 : vector<4096x32xf32>
    %add3A_90 = vector.broadcast %get3A_63 : vector<1x32xf32> to vector<4096x32xf32>
    %add3A_91 = arith.addf %mul3A_89, %add3A_90 : vector<4096x32xf32>
    %max3A_92 = arith.constant 0.000000e+00 : f32
    %max3A_93 = vector.broadcast %max3A_92 : f32 to vector<4096x32xf32>
    %max3A_94 = arith.maximumf %add3A_91, %max3A_93 : vector<4096x32xf32>
    %get3A_95 = arith.constant 0 : index
    %get3A_96 = arith.constant 0 : index
    %get3A_97 = vector.load %arg13[%get3A_95, %get3A_96] : memref<32x64xf32, #tpu.memory_space<vmem>>, vector<32x64xf32>
    %get3A_98 = arith.constant 0 : index
    %get3A_99 = arith.constant 0 : index
    %get3A_100 = vector.load %arg14[%get3A_98, %get3A_99] : memref<1x64xf32, #tpu.memory_space<vmem>>, vector<1x64xf32>
    %dot_general3A_101 = arith.constant dense<0.000000e+00> : vector<4096x64xf32>
    %dot_general3A_102 = tpu.matmul %max3A_94, %get3A_97, %dot_general3A_101 {dimension_numbers = #tpu.dot_dimension_numbers<[1], [0], [0], [1], [0, 0, 1, 1], [], []>, transpose_lhs_hint = false} : vector<4096x32xf32>, vector<32x64xf32>, vector<4096x64xf32> -> vector<4096x64xf32>
    %add3A_103 = vector.broadcast %get3A_100 : vector<1x64xf32> to vector<4096x64xf32>
    %add3A_104 = arith.addf %dot_general3A_102, %add3A_103 : vector<4096x64xf32>
    %reduce_sum3A = arith.constant dense<0.000000e+00> : vector<64xf32>
    %reduce_sum3A_105 = vector.multi_reduction <add>, %add3A_104, %reduce_sum3A [0] : vector<4096x64xf32> to vector<64xf32>
    %broadcast_in_dim3A_106 = vector.shape_cast %reduce_sum3A_105 : vector<64xf32> to vector<1x64xf32>
    %mul3A_107 = arith.mulf %add3A_104, %add3A_104 : vector<4096x64xf32>
    %reduce_sum3A_108 = arith.constant dense<0.000000e+00> : vector<64xf32>
    %reduce_sum3A_109 = vector.multi_reduction <add>, %mul3A_107, %reduce_sum3A_108 [0] : vector<4096x64xf32> to vector<64xf32>
    %broadcast_in_dim3A_110 = vector.shape_cast %reduce_sum3A_109 : vector<64xf32> to vector<1x64xf32>
    %eq3A = arith.constant 0 : i32
    %eq3A_111 = arith.cmpi eq, %arg0, %eq3A : i32
    %convert_element_type3A = arith.extui %eq3A_111 : i1 to i32
    %cond3A = arith.constant 0 : i32
    %cond3A_112 = arith.cmpi ne, %convert_element_type3A, %cond3A : i32
    scf.if %cond3A_112 {
      %broadcast_in_dim3A_126 = arith.constant 0.000000e+00 : f32
      %broadcast_in_dim3A_127 = vector.broadcast %broadcast_in_dim3A_126 : f32 to vector<8x64xf32>
      %swap3A_128 = arith.constant 0 : index
      %swap3A_129 = arith.constant 0 : index
      %swap3A_130 = vector.load %arg15[%swap3A_128, %swap3A_129] : memref<8x64xf32, #tpu.memory_space<vmem>>, vector<8x64xf32>
      tpu.vector_store %arg15[%swap3A_128, %swap3A_129], %broadcast_in_dim3A_127 {strides = array<i32>} : memref<8x64xf32, #tpu.memory_space<vmem>>, vector<8x64xf32>,
    } else {
    }
    %get3A_113 = arith.constant 0 : index
    %get3A_114 = arith.constant 0 : index
    %get3A_115 = vector.load %arg15[%get3A_113, %get3A_114] : memref<8x64xf32, #tpu.memory_space<vmem>>, vector<1x64xf32>
    %add3A_116 = arith.addf %get3A_115, %broadcast_in_dim3A_106 : vector<1x64xf32>
    %swap3A = arith.constant 0 : index
    %swap3A_117 = arith.constant 0 : index
    %swap3A_118 = vector.load %arg15[%swap3A, %swap3A_117] : memref<8x64xf32, #tpu.memory_space<vmem>>, vector<1x64xf32>
    tpu.vector_store %arg15[%swap3A, %swap3A_117], %add3A_116 {strides = array<i32>} : memref<8x64xf32, #tpu.memory_space<vmem>>, vector<1x64xf32>,
    %get3A_119 = arith.constant 1 : index
    %get3A_120 = arith.constant 0 : index
    %get3A_121 = vector.load %arg15[%get3A_119, %get3A_120] : memref<8x64xf32, #tpu.memory_space<vmem>>, vector<1x64xf32>
    %add3A_122 = arith.addf %get3A_121, %broadcast_in_dim3A_110 : vector<1x64xf32>
    %swap3A_123 = arith.constant 1 : index
    %swap3A_124 = arith.constant 0 : index
    %swap3A_125 = vector.load %arg15[%swap3A_123, %swap3A_124] : memref<8x64xf32, #tpu.memory_space<vmem>>, vector<1x64xf32>
    tpu.vector_store %arg15[%swap3A_123, %swap3A_124], %add3A_122 {strides = array<i32>} : memref<8x64xf32, #tpu.memory_space<vmem>>, vector<1x64xf32>,
    return
  }
  func.func @transform_0(%arg0: i32) -> (i32, i32) {
    %c0_i32 = arith.constant 0 : i32
    %c0_i32_0 = arith.constant 0 : i32
    return %arg0, %c0_i32 : i32, i32
  }
  func.func @transform_1(%arg0: i32) -> (i32, i32) {
    %c0_i32 = arith.constant 0 : i32
    %c0_i32_0 = arith.constant 0 : i32
    return %arg0, %c0_i32 : i32, i32
  }
  func.func @transform_2(%arg0: i32) -> (i32, i32) {
    %c0_i32 = arith.constant 0 : i32
    %c0_i32_0 = arith.constant 0 : i32
    %c0_i32_1 = arith.constant 0 : i32
    return %c0_i32, %c0_i32_0 : i32, i32
  }
  func.func @transform_3(%arg0: i32) -> (i32, i32) {
    %c0_i32 = arith.constant 0 : i32
    %c0_i32_0 = arith.constant 0 : i32
    %c0_i32_1 = arith.constant 0 : i32
    return %c0_i32, %c0_i32_0 : i32, i32
  }
  func.func @transform_4(%arg0: i32) -> (i32, i32) {
    %c0_i32 = arith.constant 0 : i32
    %c0_i32_0 = arith.constant 0 : i32
    %c0_i32_1 = arith.constant 0 : i32
    return %c0_i32, %c0_i32_0 : i32, i32
  }
  func.func @transform_5(%arg0: i32) -> (i32, i32) {
    %c0_i32 = arith.constant 0 : i32
    %c0_i32_0 = arith.constant 0 : i32
    %c0_i32_1 = arith.constant 0 : i32
    return %c0_i32, %c0_i32_0 : i32, i32
  }
  func.func @transform_6(%arg0: i32) -> (i32, i32) {
    %c0_i32 = arith.constant 0 : i32
    %c0_i32_0 = arith.constant 0 : i32
    %c0_i32_1 = arith.constant 0 : i32
    return %c0_i32, %c0_i32_0 : i32, i32
  }
  func.func @transform_7(%arg0: i32) -> (i32, i32) {
    %c0_i32 = arith.constant 0 : i32
    %c0_i32_0 = arith.constant 0 : i32
    %c0_i32_1 = arith.constant 0 : i32
    return %c0_i32, %c0_i32_0 : i32, i32
  }
  func.func @transform_8(%arg0: i32) -> (i32, i32) {
    %c0_i32 = arith.constant 0 : i32
    %c0_i32_0 = arith.constant 0 : i32
    %c0_i32_1 = arith.constant 0 : i32
    return %c0_i32, %c0_i32_0 : i32, i32
  }
  func.func @transform_9(%arg0: i32) -> (i32, i32) {
    %c0_i32 = arith.constant 0 : i32
    %c0_i32_0 = arith.constant 0 : i32
    %c0_i32_1 = arith.constant 0 : i32
    return %c0_i32, %c0_i32_0 : i32, i32
  }
  func.func @transform_10(%arg0: i32) -> (i32, i32) {
    %c0_i32 = arith.constant 0 : i32
    %c0_i32_0 = arith.constant 0 : i32
    %c0_i32_1 = arith.constant 0 : i32
    return %c0_i32, %c0_i32_0 : i32, i32
  }
  func.func @transform_11(%arg0: i32) -> (i32, i32) {
    %c0_i32 = arith.constant 0 : i32
    %c0_i32_0 = arith.constant 0 : i32
    %c0_i32_1 = arith.constant 0 : i32
    return %c0_i32, %c0_i32_0 : i32, i32
  }
  func.func @transform_12(%arg0: i32) -> (i32, i32) {
    %c0_i32 = arith.constant 0 : i32
    %c0_i32_0 = arith.constant 0 : i32
    %c0_i32_1 = arith.constant 0 : i32
    return %c0_i32, %c0_i32_0 : i32, i32
  }
  func.func @transform_13(%arg0: i32) -> (i32, i32) {
    %c0_i32 = arith.constant 0 : i32
    %c0_i32_0 = arith.constant 0 : i32
    %c0_i32_1 = arith.constant 0 : i32
    return %c0_i32, %c0_i32_0 : i32, i32
  }
  func.func @transform_14(%arg0: i32) -> (i32, i32) {
    %c0_i32 = arith.constant 0 : i32
    %c0_i32_0 = arith.constant 0 : i32
    %c0_i32_1 = arith.constant 0 : i32
    return %c0_i32, %c0_i32_0 : i32, i32
  }
}

module attributes {stable_mosaic.version = 14 : i64} {
  func.func @_final_body(%arg0: i32, %arg1: memref<4096x48xf32, #tpu.memory_space<vmem>>, %arg2: memref<4096x4xf32, #tpu.memory_space<vmem>>, %arg3: memref<48x32xf32, #tpu.memory_space<vmem>>, %arg4: memref<1x32xf32, #tpu.memory_space<vmem>>, %arg5: memref<1x32xf32, #tpu.memory_space<vmem>>, %arg6: memref<1x32xf32, #tpu.memory_space<vmem>>, %arg7: memref<8x32xf32, #tpu.memory_space<vmem>>, %arg8: memref<32x32xf32, #tpu.memory_space<vmem>>, %arg9: memref<1x32xf32, #tpu.memory_space<vmem>>, %arg10: memref<1x32xf32, #tpu.memory_space<vmem>>, %arg11: memref<1x32xf32, #tpu.memory_space<vmem>>, %arg12: memref<8x32xf32, #tpu.memory_space<vmem>>, %arg13: memref<32x64xf32, #tpu.memory_space<vmem>>, %arg14: memref<1x64xf32, #tpu.memory_space<vmem>>, %arg15: memref<1x64xf32, #tpu.memory_space<vmem>>, %arg16: memref<1x64xf32, #tpu.memory_space<vmem>>, %arg17: memref<8x64xf32, #tpu.memory_space<vmem>>, %arg18: memref<256x64xf32, #tpu.memory_space<vmem>>) attributes {dimension_semantics = [#tpu.dimension_semantics<arbitrary>], iteration_bounds = array<i64: 32>, scalar_prefetch = 0 : i64, scratch_operands = 0 : i64, tpu.core_type = #tpu.core_type<tc>, window_params = [{transform_indices = @transform_0, window_bounds = array<i64: 4096, 48>}, {transform_indices = @transform_1, window_bounds = array<i64: 4096, 4>}, {pipeline_mode = #tpu.pipeline_mode<synchronous>, transform_indices = @transform_2, window_bounds = array<i64: 48, 32>}, {pipeline_mode = #tpu.pipeline_mode<synchronous>, transform_indices = @transform_3, window_bounds = array<i64: 1, 32>}, {pipeline_mode = #tpu.pipeline_mode<synchronous>, transform_indices = @transform_4, window_bounds = array<i64: 1, 32>}, {pipeline_mode = #tpu.pipeline_mode<synchronous>, transform_indices = @transform_5, window_bounds = array<i64: 1, 32>}, {pipeline_mode = #tpu.pipeline_mode<synchronous>, transform_indices = @transform_6, window_bounds = array<i64: 8, 32>}, {pipeline_mode = #tpu.pipeline_mode<synchronous>, transform_indices = @transform_7, window_bounds = array<i64: 32, 32>}, {pipeline_mode = #tpu.pipeline_mode<synchronous>, transform_indices = @transform_8, window_bounds = array<i64: 1, 32>}, {pipeline_mode = #tpu.pipeline_mode<synchronous>, transform_indices = @transform_9, window_bounds = array<i64: 1, 32>}, {pipeline_mode = #tpu.pipeline_mode<synchronous>, transform_indices = @transform_10, window_bounds = array<i64: 1, 32>}, {pipeline_mode = #tpu.pipeline_mode<synchronous>, transform_indices = @transform_11, window_bounds = array<i64: 8, 32>}, {pipeline_mode = #tpu.pipeline_mode<synchronous>, transform_indices = @transform_12, window_bounds = array<i64: 32, 64>}, {pipeline_mode = #tpu.pipeline_mode<synchronous>, transform_indices = @transform_13, window_bounds = array<i64: 1, 64>}, {pipeline_mode = #tpu.pipeline_mode<synchronous>, transform_indices = @transform_14, window_bounds = array<i64: 1, 64>}, {pipeline_mode = #tpu.pipeline_mode<synchronous>, transform_indices = @transform_15, window_bounds = array<i64: 1, 64>}, {pipeline_mode = #tpu.pipeline_mode<synchronous>, transform_indices = @transform_16, window_bounds = array<i64: 8, 64>}, {transform_indices = @transform_17, window_bounds = array<i64: 256, 64>}]} {
    %get3A = arith.constant 0 : index
    %get3A_0 = arith.constant 0 : index
    %get3A_1 = vector.load %arg1[%get3A, %get3A_0] : memref<4096x48xf32, #tpu.memory_space<vmem>>, vector<4096x48xf32>
    %get3A_2 = arith.constant 0 : index
    %get3A_3 = arith.constant 0 : index
    %get3A_4 = vector.load %arg2[%get3A_2, %get3A_3] : memref<4096x4xf32, #tpu.memory_space<vmem>>, vector<4096x4xf32>
    %broadcast_in_dim3A = arith.constant 0.000000e+00 : f32
    %broadcast_in_dim3A_5 = vector.broadcast %broadcast_in_dim3A : f32 to vector<4096x32xf32>
    %broadcast_in_dim3A_6 = arith.constant 0.000000e+00 : f32
    %broadcast_in_dim3A_7 = vector.broadcast %broadcast_in_dim3A_6 : f32 to vector<4096x12xf32>
    %concatenate3A = tpu.concatenate %broadcast_in_dim3A_5, %get3A_4, %broadcast_in_dim3A_7 in 1 : vector<4096x32xf32>, vector<4096x4xf32>, vector<4096x12xf32> -> vector<4096x48xf32>
    %sub3A = arith.subf %get3A_1, %concatenate3A : vector<4096x48xf32>
    %get3A_8 = arith.constant 0 : index
    %get3A_9 = arith.constant 0 : index
    %get3A_10 = vector.load %arg3[%get3A_8, %get3A_9] : memref<48x32xf32, #tpu.memory_space<vmem>>, vector<48x32xf32>
    %get3A_11 = arith.constant 0 : index
    %get3A_12 = arith.constant 0 : index
    %get3A_13 = vector.load %arg4[%get3A_11, %get3A_12] : memref<1x32xf32, #tpu.memory_space<vmem>>, vector<1x32xf32>
    %get3A_14 = arith.constant 0 : index
    %get3A_15 = arith.constant 0 : index
    %get3A_16 = vector.load %arg5[%get3A_14, %get3A_15] : memref<1x32xf32, #tpu.memory_space<vmem>>, vector<1x32xf32>
    %get3A_17 = arith.constant 0 : index
    %get3A_18 = arith.constant 0 : index
    %get3A_19 = vector.load %arg6[%get3A_17, %get3A_18] : memref<1x32xf32, #tpu.memory_space<vmem>>, vector<1x32xf32>
    %get3A_20 = arith.constant 0 : index
    %get3A_21 = arith.constant 0 : index
    %get3A_22 = vector.load %arg7[%get3A_20, %get3A_21] : memref<8x32xf32, #tpu.memory_space<vmem>>, vector<8x32xf32>
    %slice3A = vector.extract_strided_slice %get3A_22 {offsets = [0, 0], sizes = [1, 32], strides = [1, 1]} : vector<8x32xf32> to vector<1x32xf32>
    %div3A = arith.constant 1.310720e+05 : f32
    %div3A_23 = vector.broadcast %div3A : f32 to vector<1x32xf32>
    %div3A_24 = arith.divf %slice3A, %div3A_23 : vector<1x32xf32>
    %slice3A_25 = vector.extract_strided_slice %get3A_22 {offsets = [1, 0], sizes = [1, 32], strides = [1, 1]} : vector<8x32xf32> to vector<1x32xf32>
    %div3A_26 = arith.constant 1.310720e+05 : f32
    %div3A_27 = vector.broadcast %div3A_26 : f32 to vector<1x32xf32>
    %div3A_28 = arith.divf %slice3A_25, %div3A_27 : vector<1x32xf32>
    %mul3A = arith.mulf %div3A_24, %div3A_24 : vector<1x32xf32>
    %sub3A_29 = arith.subf %div3A_28, %mul3A : vector<1x32xf32>
    %max3A = arith.constant 0.000000e+00 : f32
    %max3A_30 = vector.broadcast %max3A : f32 to vector<1x32xf32>
    %max3A_31 = arith.maximumf %sub3A_29, %max3A_30 : vector<1x32xf32>
    %add3A = arith.constant 9.99999974E-6 : f32
    %add3A_32 = vector.broadcast %add3A : f32 to vector<1x32xf32>
    %add3A_33 = arith.addf %max3A_31, %add3A_32 : vector<1x32xf32>
    %rsqrt3A = math.rsqrt %add3A_33 : vector<1x32xf32>
    %dot_general3A = arith.constant dense<0.000000e+00> : vector<4096x32xf32>
    %dot_general3A_34 = tpu.matmul %sub3A, %get3A_10, %dot_general3A {dimension_numbers = #tpu.dot_dimension_numbers<[1], [0], [0], [1], [0, 0, 1, 1], [], []>, transpose_lhs_hint = false} : vector<4096x48xf32>, vector<48x32xf32>, vector<4096x32xf32> -> vector<4096x32xf32>
    %add3A_35 = vector.broadcast %get3A_13 : vector<1x32xf32> to vector<4096x32xf32>
    %add3A_36 = arith.addf %dot_general3A_34, %add3A_35 : vector<4096x32xf32>
    %sub3A_37 = vector.broadcast %div3A_24 : vector<1x32xf32> to vector<4096x32xf32>
    %sub3A_38 = arith.subf %add3A_36, %sub3A_37 : vector<4096x32xf32>
    %mul3A_39 = vector.broadcast %rsqrt3A : vector<1x32xf32> to vector<4096x32xf32>
    %mul3A_40 = arith.mulf %sub3A_38, %mul3A_39 : vector<4096x32xf32>
    %mul3A_41 = vector.broadcast %get3A_16 : vector<1x32xf32> to vector<4096x32xf32>
    %mul3A_42 = arith.mulf %mul3A_40, %mul3A_41 : vector<4096x32xf32>
    %add3A_43 = vector.broadcast %get3A_19 : vector<1x32xf32> to vector<4096x32xf32>
    %add3A_44 = arith.addf %mul3A_42, %add3A_43 : vector<4096x32xf32>
    %max3A_45 = arith.constant 0.000000e+00 : f32
    %max3A_46 = vector.broadcast %max3A_45 : f32 to vector<4096x32xf32>
    %max3A_47 = arith.maximumf %add3A_44, %max3A_46 : vector<4096x32xf32>
    %get3A_48 = arith.constant 0 : index
    %get3A_49 = arith.constant 0 : index
    %get3A_50 = vector.load %arg8[%get3A_48, %get3A_49] : memref<32x32xf32, #tpu.memory_space<vmem>>, vector<32x32xf32>
    %get3A_51 = arith.constant 0 : index
    %get3A_52 = arith.constant 0 : index
    %get3A_53 = vector.load %arg9[%get3A_51, %get3A_52] : memref<1x32xf32, #tpu.memory_space<vmem>>, vector<1x32xf32>
    %get3A_54 = arith.constant 0 : index
    %get3A_55 = arith.constant 0 : index
    %get3A_56 = vector.load %arg10[%get3A_54, %get3A_55] : memref<1x32xf32, #tpu.memory_space<vmem>>, vector<1x32xf32>
    %get3A_57 = arith.constant 0 : index
    %get3A_58 = arith.constant 0 : index
    %get3A_59 = vector.load %arg11[%get3A_57, %get3A_58] : memref<1x32xf32, #tpu.memory_space<vmem>>, vector<1x32xf32>
    %get3A_60 = arith.constant 0 : index
    %get3A_61 = arith.constant 0 : index
    %get3A_62 = vector.load %arg12[%get3A_60, %get3A_61] : memref<8x32xf32, #tpu.memory_space<vmem>>, vector<8x32xf32>
    %slice3A_63 = vector.extract_strided_slice %get3A_62 {offsets = [0, 0], sizes = [1, 32], strides = [1, 1]} : vector<8x32xf32> to vector<1x32xf32>
    %div3A_64 = arith.constant 1.310720e+05 : f32
    %div3A_65 = vector.broadcast %div3A_64 : f32 to vector<1x32xf32>
    %div3A_66 = arith.divf %slice3A_63, %div3A_65 : vector<1x32xf32>
    %slice3A_67 = vector.extract_strided_slice %get3A_62 {offsets = [1, 0], sizes = [1, 32], strides = [1, 1]} : vector<8x32xf32> to vector<1x32xf32>
    %div3A_68 = arith.constant 1.310720e+05 : f32
    %div3A_69 = vector.broadcast %div3A_68 : f32 to vector<1x32xf32>
    %div3A_70 = arith.divf %slice3A_67, %div3A_69 : vector<1x32xf32>
    %mul3A_71 = arith.mulf %div3A_66, %div3A_66 : vector<1x32xf32>
    %sub3A_72 = arith.subf %div3A_70, %mul3A_71 : vector<1x32xf32>
    %max3A_73 = arith.constant 0.000000e+00 : f32
    %max3A_74 = vector.broadcast %max3A_73 : f32 to vector<1x32xf32>
    %max3A_75 = arith.maximumf %sub3A_72, %max3A_74 : vector<1x32xf32>
    %add3A_76 = arith.constant 9.99999974E-6 : f32
    %add3A_77 = vector.broadcast %add3A_76 : f32 to vector<1x32xf32>
    %add3A_78 = arith.addf %max3A_75, %add3A_77 : vector<1x32xf32>
    %rsqrt3A_79 = math.rsqrt %add3A_78 : vector<1x32xf32>
    %dot_general3A_80 = arith.constant dense<0.000000e+00> : vector<4096x32xf32>
    %dot_general3A_81 = tpu.matmul %max3A_47, %get3A_50, %dot_general3A_80 {dimension_numbers = #tpu.dot_dimension_numbers<[1], [0], [0], [1], [0, 0, 1, 1], [], []>, transpose_lhs_hint = false} : vector<4096x32xf32>, vector<32x32xf32>, vector<4096x32xf32> -> vector<4096x32xf32>
    %add3A_82 = vector.broadcast %get3A_53 : vector<1x32xf32> to vector<4096x32xf32>
    %add3A_83 = arith.addf %dot_general3A_81, %add3A_82 : vector<4096x32xf32>
    %sub3A_84 = vector.broadcast %div3A_66 : vector<1x32xf32> to vector<4096x32xf32>
    %sub3A_85 = arith.subf %add3A_83, %sub3A_84 : vector<4096x32xf32>
    %mul3A_86 = vector.broadcast %rsqrt3A_79 : vector<1x32xf32> to vector<4096x32xf32>
    %mul3A_87 = arith.mulf %sub3A_85, %mul3A_86 : vector<4096x32xf32>
    %mul3A_88 = vector.broadcast %get3A_56 : vector<1x32xf32> to vector<4096x32xf32>
    %mul3A_89 = arith.mulf %mul3A_87, %mul3A_88 : vector<4096x32xf32>
    %add3A_90 = vector.broadcast %get3A_59 : vector<1x32xf32> to vector<4096x32xf32>
    %add3A_91 = arith.addf %mul3A_89, %add3A_90 : vector<4096x32xf32>
    %max3A_92 = arith.constant 0.000000e+00 : f32
    %max3A_93 = vector.broadcast %max3A_92 : f32 to vector<4096x32xf32>
    %max3A_94 = arith.maximumf %add3A_91, %max3A_93 : vector<4096x32xf32>
    %get3A_95 = arith.constant 0 : index
    %get3A_96 = arith.constant 0 : index
    %get3A_97 = vector.load %arg13[%get3A_95, %get3A_96] : memref<32x64xf32, #tpu.memory_space<vmem>>, vector<32x64xf32>
    %get3A_98 = arith.constant 0 : index
    %get3A_99 = arith.constant 0 : index
    %get3A_100 = vector.load %arg14[%get3A_98, %get3A_99] : memref<1x64xf32, #tpu.memory_space<vmem>>, vector<1x64xf32>
    %get3A_101 = arith.constant 0 : index
    %get3A_102 = arith.constant 0 : index
    %get3A_103 = vector.load %arg15[%get3A_101, %get3A_102] : memref<1x64xf32, #tpu.memory_space<vmem>>, vector<1x64xf32>
    %get3A_104 = arith.constant 0 : index
    %get3A_105 = arith.constant 0 : index
    %get3A_106 = vector.load %arg16[%get3A_104, %get3A_105] : memref<1x64xf32, #tpu.memory_space<vmem>>, vector<1x64xf32>
    %get3A_107 = arith.constant 0 : index
    %get3A_108 = arith.constant 0 : index
    %get3A_109 = vector.load %arg17[%get3A_107, %get3A_108] : memref<8x64xf32, #tpu.memory_space<vmem>>, vector<8x64xf32>
    %slice3A_110 = vector.extract_strided_slice %get3A_109 {offsets = [0, 0], sizes = [1, 64], strides = [1, 1]} : vector<8x64xf32> to vector<1x64xf32>
    %div3A_111 = arith.constant 1.310720e+05 : f32
    %div3A_112 = vector.broadcast %div3A_111 : f32 to vector<1x64xf32>
    %div3A_113 = arith.divf %slice3A_110, %div3A_112 : vector<1x64xf32>
    %slice3A_114 = vector.extract_strided_slice %get3A_109 {offsets = [1, 0], sizes = [1, 64], strides = [1, 1]} : vector<8x64xf32> to vector<1x64xf32>
    %div3A_115 = arith.constant 1.310720e+05 : f32
    %div3A_116 = vector.broadcast %div3A_115 : f32 to vector<1x64xf32>
    %div3A_117 = arith.divf %slice3A_114, %div3A_116 : vector<1x64xf32>
    %mul3A_118 = arith.mulf %div3A_113, %div3A_113 : vector<1x64xf32>
    %sub3A_119 = arith.subf %div3A_117, %mul3A_118 : vector<1x64xf32>
    %max3A_120 = arith.constant 0.000000e+00 : f32
    %max3A_121 = vector.broadcast %max3A_120 : f32 to vector<1x64xf32>
    %max3A_122 = arith.maximumf %sub3A_119, %max3A_121 : vector<1x64xf32>
    %add3A_123 = arith.constant 9.99999974E-6 : f32
    %add3A_124 = vector.broadcast %add3A_123 : f32 to vector<1x64xf32>
    %add3A_125 = arith.addf %max3A_122, %add3A_124 : vector<1x64xf32>
    %rsqrt3A_126 = math.rsqrt %add3A_125 : vector<1x64xf32>
    %dot_general3A_127 = arith.constant dense<0.000000e+00> : vector<4096x64xf32>
    %dot_general3A_128 = tpu.matmul %max3A_94, %get3A_97, %dot_general3A_127 {dimension_numbers = #tpu.dot_dimension_numbers<[1], [0], [0], [1], [0, 0, 1, 1], [], []>, transpose_lhs_hint = false} : vector<4096x32xf32>, vector<32x64xf32>, vector<4096x64xf32> -> vector<4096x64xf32>
    %add3A_129 = vector.broadcast %get3A_100 : vector<1x64xf32> to vector<4096x64xf32>
    %add3A_130 = arith.addf %dot_general3A_128, %add3A_129 : vector<4096x64xf32>
    %sub3A_131 = vector.broadcast %div3A_113 : vector<1x64xf32> to vector<4096x64xf32>
    %sub3A_132 = arith.subf %add3A_130, %sub3A_131 : vector<4096x64xf32>
    %mul3A_133 = vector.broadcast %rsqrt3A_126 : vector<1x64xf32> to vector<4096x64xf32>
    %mul3A_134 = arith.mulf %sub3A_132, %mul3A_133 : vector<4096x64xf32>
    %mul3A_135 = vector.broadcast %get3A_103 : vector<1x64xf32> to vector<4096x64xf32>
    %mul3A_136 = arith.mulf %mul3A_134, %mul3A_135 : vector<4096x64xf32>
    %add3A_137 = vector.broadcast %get3A_106 : vector<1x64xf32> to vector<4096x64xf32>
    %add3A_138 = arith.addf %mul3A_136, %add3A_137 : vector<4096x64xf32>
    %max3A_139 = arith.constant 0.000000e+00 : f32
    %max3A_140 = vector.broadcast %max3A_139 : f32 to vector<4096x64xf32>
    %max3A_141 = arith.maximumf %add3A_138, %max3A_140 : vector<4096x64xf32>
    %reshape3A = vector.shape_cast %max3A_141 : vector<4096x64xf32> to vector<256x16x64xf32>
    %reduce_max3A = arith.constant dense<0xFF800000> : vector<256x64xf32>
    %reduce_max3A_142 = vector.multi_reduction <maximumf>, %reshape3A, %reduce_max3A [1] : vector<256x16x64xf32> to vector<256x64xf32>
    %swap3A = arith.constant 0 : index
    %swap3A_143 = arith.constant 0 : index
    %swap3A_144 = vector.load %arg18[%swap3A, %swap3A_143] : memref<256x64xf32, #tpu.memory_space<vmem>>, vector<256x64xf32>
    tpu.vector_store %arg18[%swap3A, %swap3A_143], %reduce_max3A_142 {strides = array<i32>} : memref<256x64xf32, #tpu.memory_space<vmem>>, vector<256x64xf32>,
    return
  }
  func.func @transform_0(%arg0: i32) -> (i32, i32) {
    %c0_i32 = arith.constant 0 : i32
    %c0_i32_0 = arith.constant 0 : i32
    return %arg0, %c0_i32 : i32, i32
  }
  func.func @transform_1(%arg0: i32) -> (i32, i32) {
    %c0_i32 = arith.constant 0 : i32
    %c0_i32_0 = arith.constant 0 : i32
    return %arg0, %c0_i32 : i32, i32
  }
  func.func @transform_2(%arg0: i32) -> (i32, i32) {
    %c0_i32 = arith.constant 0 : i32
    %c0_i32_0 = arith.constant 0 : i32
    %c0_i32_1 = arith.constant 0 : i32
    return %c0_i32, %c0_i32_0 : i32, i32
  }
  func.func @transform_3(%arg0: i32) -> (i32, i32) {
    %c0_i32 = arith.constant 0 : i32
    %c0_i32_0 = arith.constant 0 : i32
    %c0_i32_1 = arith.constant 0 : i32
    return %c0_i32, %c0_i32_0 : i32, i32
  }
  func.func @transform_4(%arg0: i32) -> (i32, i32) {
    %c0_i32 = arith.constant 0 : i32
    %c0_i32_0 = arith.constant 0 : i32
    %c0_i32_1 = arith.constant 0 : i32
    return %c0_i32, %c0_i32_0 : i32, i32
  }
  func.func @transform_5(%arg0: i32) -> (i32, i32) {
    %c0_i32 = arith.constant 0 : i32
    %c0_i32_0 = arith.constant 0 : i32
    %c0_i32_1 = arith.constant 0 : i32
    return %c0_i32, %c0_i32_0 : i32, i32
  }
  func.func @transform_6(%arg0: i32) -> (i32, i32) {
    %c0_i32 = arith.constant 0 : i32
    %c0_i32_0 = arith.constant 0 : i32
    %c0_i32_1 = arith.constant 0 : i32
    return %c0_i32, %c0_i32_0 : i32, i32
  }
  func.func @transform_7(%arg0: i32) -> (i32, i32) {
    %c0_i32 = arith.constant 0 : i32
    %c0_i32_0 = arith.constant 0 : i32
    %c0_i32_1 = arith.constant 0 : i32
    return %c0_i32, %c0_i32_0 : i32, i32
  }
  func.func @transform_8(%arg0: i32) -> (i32, i32) {
    %c0_i32 = arith.constant 0 : i32
    %c0_i32_0 = arith.constant 0 : i32
    %c0_i32_1 = arith.constant 0 : i32
    return %c0_i32, %c0_i32_0 : i32, i32
  }
  func.func @transform_9(%arg0: i32) -> (i32, i32) {
    %c0_i32 = arith.constant 0 : i32
    %c0_i32_0 = arith.constant 0 : i32
    %c0_i32_1 = arith.constant 0 : i32
    return %c0_i32, %c0_i32_0 : i32, i32
  }
  func.func @transform_10(%arg0: i32) -> (i32, i32) {
    %c0_i32 = arith.constant 0 : i32
    %c0_i32_0 = arith.constant 0 : i32
    %c0_i32_1 = arith.constant 0 : i32
    return %c0_i32, %c0_i32_0 : i32, i32
  }
  func.func @transform_11(%arg0: i32) -> (i32, i32) {
    %c0_i32 = arith.constant 0 : i32
    %c0_i32_0 = arith.constant 0 : i32
    %c0_i32_1 = arith.constant 0 : i32
    return %c0_i32, %c0_i32_0 : i32, i32
  }
  func.func @transform_12(%arg0: i32) -> (i32, i32) {
    %c0_i32 = arith.constant 0 : i32
    %c0_i32_0 = arith.constant 0 : i32
    %c0_i32_1 = arith.constant 0 : i32
    return %c0_i32, %c0_i32_0 : i32, i32
  }
  func.func @transform_13(%arg0: i32) -> (i32, i32) {
    %c0_i32 = arith.constant 0 : i32
    %c0_i32_0 = arith.constant 0 : i32
    %c0_i32_1 = arith.constant 0 : i32
    return %c0_i32, %c0_i32_0 : i32, i32
  }
  func.func @transform_14(%arg0: i32) -> (i32, i32) {
    %c0_i32 = arith.constant 0 : i32
    %c0_i32_0 = arith.constant 0 : i32
    %c0_i32_1 = arith.constant 0 : i32
    return %c0_i32, %c0_i32_0 : i32, i32
  }
  func.func @transform_15(%arg0: i32) -> (i32, i32) {
    %c0_i32 = arith.constant 0 : i32
    %c0_i32_0 = arith.constant 0 : i32
    %c0_i32_1 = arith.constant 0 : i32
    return %c0_i32, %c0_i32_0 : i32, i32
  }
  func.func @transform_16(%arg0: i32) -> (i32, i32) {
    %c0_i32 = arith.constant 0 : i32
    %c0_i32_0 = arith.constant 0 : i32
    %c0_i32_1 = arith.constant 0 : i32
    return %c0_i32, %c0_i32_0 : i32, i32
  }
  func.func @transform_17(%arg0: i32) -> (i32, i32) {
    %c0_i32 = arith.constant 0 : i32
    %c0_i32_0 = arith.constant 0 : i32
    return %arg0, %c0_i32 : i32, i32
  }
}

module attributes {stable_mosaic.version = 14 : i64} {
  func.func @_stats_body(%arg0: i32, %arg1: memref<4096x48xf32, #tpu.memory_space<vmem>>, %arg2: memref<4096x4xf32, #tpu.memory_space<vmem>>, %arg3: memref<48x64xf32, #tpu.memory_space<vmem>>, %arg4: memref<1x64xf32, #tpu.memory_space<vmem>>, %arg5: memref<8x64xf32, #tpu.memory_space<vmem>>) attributes {dimension_semantics = [#tpu.dimension_semantics<arbitrary>], iteration_bounds = array<i64: 64>, scalar_prefetch = 0 : i64, scratch_operands = 0 : i64, tpu.core_type = #tpu.core_type<tc>, window_params = [{transform_indices = @transform_0, window_bounds = array<i64: 4096, 48>}, {transform_indices = @transform_1, window_bounds = array<i64: 4096, 4>}, {pipeline_mode = #tpu.pipeline_mode<synchronous>, transform_indices = @transform_2, window_bounds = array<i64: 48, 64>}, {pipeline_mode = #tpu.pipeline_mode<synchronous>, transform_indices = @transform_3, window_bounds = array<i64: 1, 64>}, {pipeline_mode = #tpu.pipeline_mode<synchronous>, transform_indices = @transform_4, window_bounds = array<i64: 8, 64>}]} {
    %get3A = arith.constant 0 : index
    %get3A_0 = arith.constant 0 : index
    %get3A_1 = vector.load %arg1[%get3A, %get3A_0] : memref<4096x48xf32, #tpu.memory_space<vmem>>, vector<4096x48xf32>
    %get3A_2 = arith.constant 0 : index
    %get3A_3 = arith.constant 0 : index
    %get3A_4 = vector.load %arg2[%get3A_2, %get3A_3] : memref<4096x4xf32, #tpu.memory_space<vmem>>, vector<4096x4xf32>
    %broadcast_in_dim3A = arith.constant 0.000000e+00 : f32
    %broadcast_in_dim3A_5 = vector.broadcast %broadcast_in_dim3A : f32 to vector<4096x32xf32>
    %broadcast_in_dim3A_6 = arith.constant 0.000000e+00 : f32
    %broadcast_in_dim3A_7 = vector.broadcast %broadcast_in_dim3A_6 : f32 to vector<4096x12xf32>
    %concatenate3A = tpu.concatenate %broadcast_in_dim3A_5, %get3A_4, %broadcast_in_dim3A_7 in 1 : vector<4096x32xf32>, vector<4096x4xf32>, vector<4096x12xf32> -> vector<4096x48xf32>
    %sub3A = arith.subf %get3A_1, %concatenate3A : vector<4096x48xf32>
    %get3A_8 = arith.constant 0 : index
    %get3A_9 = arith.constant 0 : index
    %get3A_10 = vector.load %arg3[%get3A_8, %get3A_9] : memref<48x64xf32, #tpu.memory_space<vmem>>, vector<48x64xf32>
    %get3A_11 = arith.constant 0 : index
    %get3A_12 = arith.constant 0 : index
    %get3A_13 = vector.load %arg4[%get3A_11, %get3A_12] : memref<1x64xf32, #tpu.memory_space<vmem>>, vector<1x64xf32>
    %dot_general3A = arith.constant dense<0.000000e+00> : vector<4096x64xf32>
    %dot_general3A_14 = tpu.matmul %sub3A, %get3A_10, %dot_general3A {dimension_numbers = #tpu.dot_dimension_numbers<[1], [0], [0], [1], [0, 0, 1, 1], [], []>, transpose_lhs_hint = false} : vector<4096x48xf32>, vector<48x64xf32>, vector<4096x64xf32> -> vector<4096x64xf32>
    %add3A = vector.broadcast %get3A_13 : vector<1x64xf32> to vector<4096x64xf32>
    %add3A_15 = arith.addf %dot_general3A_14, %add3A : vector<4096x64xf32>
    %reduce_sum3A = arith.constant dense<0.000000e+00> : vector<64xf32>
    %reduce_sum3A_16 = vector.multi_reduction <add>, %add3A_15, %reduce_sum3A [0] : vector<4096x64xf32> to vector<64xf32>
    %broadcast_in_dim3A_17 = vector.shape_cast %reduce_sum3A_16 : vector<64xf32> to vector<1x64xf32>
    %mul3A = arith.mulf %add3A_15, %add3A_15 : vector<4096x64xf32>
    %reduce_sum3A_18 = arith.constant dense<0.000000e+00> : vector<64xf32>
    %reduce_sum3A_19 = vector.multi_reduction <add>, %mul3A, %reduce_sum3A_18 [0] : vector<4096x64xf32> to vector<64xf32>
    %broadcast_in_dim3A_20 = vector.shape_cast %reduce_sum3A_19 : vector<64xf32> to vector<1x64xf32>
    %eq3A = arith.constant 0 : i32
    %eq3A_21 = arith.cmpi eq, %arg0, %eq3A : i32
    %convert_element_type3A = arith.extui %eq3A_21 : i1 to i32
    %cond3A = arith.constant 0 : i32
    %cond3A_22 = arith.cmpi ne, %convert_element_type3A, %cond3A : i32
    scf.if %cond3A_22 {
      %broadcast_in_dim3A_36 = arith.constant 0.000000e+00 : f32
      %broadcast_in_dim3A_37 = vector.broadcast %broadcast_in_dim3A_36 : f32 to vector<8x64xf32>
      %swap3A_38 = arith.constant 0 : index
      %swap3A_39 = arith.constant 0 : index
      %swap3A_40 = vector.load %arg5[%swap3A_38, %swap3A_39] : memref<8x64xf32, #tpu.memory_space<vmem>>, vector<8x64xf32>
      tpu.vector_store %arg5[%swap3A_38, %swap3A_39], %broadcast_in_dim3A_37 {strides = array<i32>} : memref<8x64xf32, #tpu.memory_space<vmem>>, vector<8x64xf32>,
    } else {
    }
    %get3A_23 = arith.constant 0 : index
    %get3A_24 = arith.constant 0 : index
    %get3A_25 = vector.load %arg5[%get3A_23, %get3A_24] : memref<8x64xf32, #tpu.memory_space<vmem>>, vector<1x64xf32>
    %add3A_26 = arith.addf %get3A_25, %broadcast_in_dim3A_17 : vector<1x64xf32>
    %swap3A = arith.constant 0 : index
    %swap3A_27 = arith.constant 0 : index
    %swap3A_28 = vector.load %arg5[%swap3A, %swap3A_27] : memref<8x64xf32, #tpu.memory_space<vmem>>, vector<1x64xf32>
    tpu.vector_store %arg5[%swap3A, %swap3A_27], %add3A_26 {strides = array<i32>} : memref<8x64xf32, #tpu.memory_space<vmem>>, vector<1x64xf32>,
    %get3A_29 = arith.constant 1 : index
    %get3A_30 = arith.constant 0 : index
    %get3A_31 = vector.load %arg5[%get3A_29, %get3A_30] : memref<8x64xf32, #tpu.memory_space<vmem>>, vector<1x64xf32>
    %add3A_32 = arith.addf %get3A_31, %broadcast_in_dim3A_20 : vector<1x64xf32>
    %swap3A_33 = arith.constant 1 : index
    %swap3A_34 = arith.constant 0 : index
    %swap3A_35 = vector.load %arg5[%swap3A_33, %swap3A_34] : memref<8x64xf32, #tpu.memory_space<vmem>>, vector<1x64xf32>
    tpu.vector_store %arg5[%swap3A_33, %swap3A_34], %add3A_32 {strides = array<i32>} : memref<8x64xf32, #tpu.memory_space<vmem>>, vector<1x64xf32>,
    return
  }
  func.func @transform_0(%arg0: i32) -> (i32, i32) {
    %c0_i32 = arith.constant 0 : i32
    %c0_i32_0 = arith.constant 0 : i32
    return %arg0, %c0_i32 : i32, i32
  }
  func.func @transform_1(%arg0: i32) -> (i32, i32) {
    %c0_i32 = arith.constant 0 : i32
    %c0_i32_0 = arith.constant 0 : i32
    return %arg0, %c0_i32 : i32, i32
  }
  func.func @transform_2(%arg0: i32) -> (i32, i32) {
    %c0_i32 = arith.constant 0 : i32
    %c0_i32_0 = arith.constant 0 : i32
    %c0_i32_1 = arith.constant 0 : i32
    return %c0_i32, %c0_i32_0 : i32, i32
  }
  func.func @transform_3(%arg0: i32) -> (i32, i32) {
    %c0_i32 = arith.constant 0 : i32
    %c0_i32_0 = arith.constant 0 : i32
    %c0_i32_1 = arith.constant 0 : i32
    return %c0_i32, %c0_i32_0 : i32, i32
  }
  func.func @transform_4(%arg0: i32) -> (i32, i32) {
    %c0_i32 = arith.constant 0 : i32
    %c0_i32_0 = arith.constant 0 : i32
    %c0_i32_1 = arith.constant 0 : i32
    return %c0_i32, %c0_i32_0 : i32, i32
  }
}

module attributes {stable_mosaic.version = 14 : i64} {
  func.func @_stats_body(%arg0: i32, %arg1: memref<4096x48xf32, #tpu.memory_space<vmem>>, %arg2: memref<4096x4xf32, #tpu.memory_space<vmem>>, %arg3: memref<48x64xf32, #tpu.memory_space<vmem>>, %arg4: memref<1x64xf32, #tpu.memory_space<vmem>>, %arg5: memref<1x64xf32, #tpu.memory_space<vmem>>, %arg6: memref<1x64xf32, #tpu.memory_space<vmem>>, %arg7: memref<8x64xf32, #tpu.memory_space<vmem>>, %arg8: memref<64x64xf32, #tpu.memory_space<vmem>>, %arg9: memref<1x64xf32, #tpu.memory_space<vmem>>, %arg10: memref<8x64xf32, #tpu.memory_space<vmem>>) attributes {dimension_semantics = [#tpu.dimension_semantics<arbitrary>], iteration_bounds = array<i64: 64>, scalar_prefetch = 0 : i64, scratch_operands = 0 : i64, tpu.core_type = #tpu.core_type<tc>, window_params = [{transform_indices = @transform_0, window_bounds = array<i64: 4096, 48>}, {transform_indices = @transform_1, window_bounds = array<i64: 4096, 4>}, {pipeline_mode = #tpu.pipeline_mode<synchronous>, transform_indices = @transform_2, window_bounds = array<i64: 48, 64>}, {pipeline_mode = #tpu.pipeline_mode<synchronous>, transform_indices = @transform_3, window_bounds = array<i64: 1, 64>}, {pipeline_mode = #tpu.pipeline_mode<synchronous>, transform_indices = @transform_4, window_bounds = array<i64: 1, 64>}, {pipeline_mode = #tpu.pipeline_mode<synchronous>, transform_indices = @transform_5, window_bounds = array<i64: 1, 64>}, {pipeline_mode = #tpu.pipeline_mode<synchronous>, transform_indices = @transform_6, window_bounds = array<i64: 8, 64>}, {pipeline_mode = #tpu.pipeline_mode<synchronous>, transform_indices = @transform_7, window_bounds = array<i64: 64, 64>}, {pipeline_mode = #tpu.pipeline_mode<synchronous>, transform_indices = @transform_8, window_bounds = array<i64: 1, 64>}, {pipeline_mode = #tpu.pipeline_mode<synchronous>, transform_indices = @transform_9, window_bounds = array<i64: 8, 64>}]} {
    %get3A = arith.constant 0 : index
    %get3A_0 = arith.constant 0 : index
    %get3A_1 = vector.load %arg1[%get3A, %get3A_0] : memref<4096x48xf32, #tpu.memory_space<vmem>>, vector<4096x48xf32>
    %get3A_2 = arith.constant 0 : index
    %get3A_3 = arith.constant 0 : index
    %get3A_4 = vector.load %arg2[%get3A_2, %get3A_3] : memref<4096x4xf32, #tpu.memory_space<vmem>>, vector<4096x4xf32>
    %broadcast_in_dim3A = arith.constant 0.000000e+00 : f32
    %broadcast_in_dim3A_5 = vector.broadcast %broadcast_in_dim3A : f32 to vector<4096x32xf32>
    %broadcast_in_dim3A_6 = arith.constant 0.000000e+00 : f32
    %broadcast_in_dim3A_7 = vector.broadcast %broadcast_in_dim3A_6 : f32 to vector<4096x12xf32>
    %concatenate3A = tpu.concatenate %broadcast_in_dim3A_5, %get3A_4, %broadcast_in_dim3A_7 in 1 : vector<4096x32xf32>, vector<4096x4xf32>, vector<4096x12xf32> -> vector<4096x48xf32>
    %sub3A = arith.subf %get3A_1, %concatenate3A : vector<4096x48xf32>
    %get3A_8 = arith.constant 0 : index
    %get3A_9 = arith.constant 0 : index
    %get3A_10 = vector.load %arg3[%get3A_8, %get3A_9] : memref<48x64xf32, #tpu.memory_space<vmem>>, vector<48x64xf32>
    %get3A_11 = arith.constant 0 : index
    %get3A_12 = arith.constant 0 : index
    %get3A_13 = vector.load %arg4[%get3A_11, %get3A_12] : memref<1x64xf32, #tpu.memory_space<vmem>>, vector<1x64xf32>
    %dot_general3A = arith.constant dense<0.000000e+00> : vector<4096x64xf32>
    %dot_general3A_14 = tpu.matmul %sub3A, %get3A_10, %dot_general3A {dimension_numbers = #tpu.dot_dimension_numbers<[1], [0], [0], [1], [0, 0, 1, 1], [], []>, transpose_lhs_hint = false} : vector<4096x48xf32>, vector<48x64xf32>, vector<4096x64xf32> -> vector<4096x64xf32>
    %add3A = vector.broadcast %get3A_13 : vector<1x64xf32> to vector<4096x64xf32>
    %add3A_15 = arith.addf %dot_general3A_14, %add3A : vector<4096x64xf32>
    %get3A_16 = arith.constant 0 : index
    %get3A_17 = arith.constant 0 : index
    %get3A_18 = vector.load %arg5[%get3A_16, %get3A_17] : memref<1x64xf32, #tpu.memory_space<vmem>>, vector<1x64xf32>
    %get3A_19 = arith.constant 0 : index
    %get3A_20 = arith.constant 0 : index
    %get3A_21 = vector.load %arg6[%get3A_19, %get3A_20] : memref<1x64xf32, #tpu.memory_space<vmem>>, vector<1x64xf32>
    %get3A_22 = arith.constant 0 : index
    %get3A_23 = arith.constant 0 : index
    %get3A_24 = vector.load %arg7[%get3A_22, %get3A_23] : memref<8x64xf32, #tpu.memory_space<vmem>>, vector<8x64xf32>
    %slice3A = vector.extract_strided_slice %get3A_24 {offsets = [0, 0], sizes = [1, 64], strides = [1, 1]} : vector<8x64xf32> to vector<1x64xf32>
    %div3A = arith.constant 2.621440e+05 : f32
    %div3A_25 = vector.broadcast %div3A : f32 to vector<1x64xf32>
    %div3A_26 = arith.divf %slice3A, %div3A_25 : vector<1x64xf32>
    %slice3A_27 = vector.extract_strided_slice %get3A_24 {offsets = [1, 0], sizes = [1, 64], strides = [1, 1]} : vector<8x64xf32> to vector<1x64xf32>
    %div3A_28 = arith.constant 2.621440e+05 : f32
    %div3A_29 = vector.broadcast %div3A_28 : f32 to vector<1x64xf32>
    %div3A_30 = arith.divf %slice3A_27, %div3A_29 : vector<1x64xf32>
    %mul3A = arith.mulf %div3A_26, %div3A_26 : vector<1x64xf32>
    %sub3A_31 = arith.subf %div3A_30, %mul3A : vector<1x64xf32>
    %max3A = arith.constant 0.000000e+00 : f32
    %max3A_32 = vector.broadcast %max3A : f32 to vector<1x64xf32>
    %max3A_33 = arith.maximumf %sub3A_31, %max3A_32 : vector<1x64xf32>
    %add3A_34 = arith.constant 9.99999974E-6 : f32
    %add3A_35 = vector.broadcast %add3A_34 : f32 to vector<1x64xf32>
    %add3A_36 = arith.addf %max3A_33, %add3A_35 : vector<1x64xf32>
    %rsqrt3A = math.rsqrt %add3A_36 : vector<1x64xf32>
    %sub3A_37 = vector.broadcast %div3A_26 : vector<1x64xf32> to vector<4096x64xf32>
    %sub3A_38 = arith.subf %add3A_15, %sub3A_37 : vector<4096x64xf32>
    %mul3A_39 = vector.broadcast %rsqrt3A : vector<1x64xf32> to vector<4096x64xf32>
    %mul3A_40 = arith.mulf %sub3A_38, %mul3A_39 : vector<4096x64xf32>
    %mul3A_41 = vector.broadcast %get3A_18 : vector<1x64xf32> to vector<4096x64xf32>
    %mul3A_42 = arith.mulf %mul3A_40, %mul3A_41 : vector<4096x64xf32>
    %add3A_43 = vector.broadcast %get3A_21 : vector<1x64xf32> to vector<4096x64xf32>
    %add3A_44 = arith.addf %mul3A_42, %add3A_43 : vector<4096x64xf32>
    %max3A_45 = arith.constant 0.000000e+00 : f32
    %max3A_46 = vector.broadcast %max3A_45 : f32 to vector<4096x64xf32>
    %max3A_47 = arith.maximumf %add3A_44, %max3A_46 : vector<4096x64xf32>
    %get3A_48 = arith.constant 0 : index
    %get3A_49 = arith.constant 0 : index
    %get3A_50 = vector.load %arg8[%get3A_48, %get3A_49] : memref<64x64xf32, #tpu.memory_space<vmem>>, vector<64x64xf32>
    %get3A_51 = arith.constant 0 : index
    %get3A_52 = arith.constant 0 : index
    %get3A_53 = vector.load %arg9[%get3A_51, %get3A_52] : memref<1x64xf32, #tpu.memory_space<vmem>>, vector<1x64xf32>
    %dot_general3A_54 = arith.constant dense<0.000000e+00> : vector<4096x64xf32>
    %dot_general3A_55 = tpu.matmul %max3A_47, %get3A_50, %dot_general3A_54 {dimension_numbers = #tpu.dot_dimension_numbers<[1], [0], [0], [1], [0, 0, 1, 1], [], []>, transpose_lhs_hint = false} : vector<4096x64xf32>, vector<64x64xf32>, vector<4096x64xf32> -> vector<4096x64xf32>
    %add3A_56 = vector.broadcast %get3A_53 : vector<1x64xf32> to vector<4096x64xf32>
    %add3A_57 = arith.addf %dot_general3A_55, %add3A_56 : vector<4096x64xf32>
    %reduce_sum3A = arith.constant dense<0.000000e+00> : vector<64xf32>
    %reduce_sum3A_58 = vector.multi_reduction <add>, %add3A_57, %reduce_sum3A [0] : vector<4096x64xf32> to vector<64xf32>
    %broadcast_in_dim3A_59 = vector.shape_cast %reduce_sum3A_58 : vector<64xf32> to vector<1x64xf32>
    %mul3A_60 = arith.mulf %add3A_57, %add3A_57 : vector<4096x64xf32>
    %reduce_sum3A_61 = arith.constant dense<0.000000e+00> : vector<64xf32>
    %reduce_sum3A_62 = vector.multi_reduction <add>, %mul3A_60, %reduce_sum3A_61 [0] : vector<4096x64xf32> to vector<64xf32>
    %broadcast_in_dim3A_63 = vector.shape_cast %reduce_sum3A_62 : vector<64xf32> to vector<1x64xf32>
    %eq3A = arith.constant 0 : i32
    %eq3A_64 = arith.cmpi eq, %arg0, %eq3A : i32
    %convert_element_type3A = arith.extui %eq3A_64 : i1 to i32
    %cond3A = arith.constant 0 : i32
    %cond3A_65 = arith.cmpi ne, %convert_element_type3A, %cond3A : i32
    scf.if %cond3A_65 {
      %broadcast_in_dim3A_79 = arith.constant 0.000000e+00 : f32
      %broadcast_in_dim3A_80 = vector.broadcast %broadcast_in_dim3A_79 : f32 to vector<8x64xf32>
      %swap3A_81 = arith.constant 0 : index
      %swap3A_82 = arith.constant 0 : index
      %swap3A_83 = vector.load %arg10[%swap3A_81, %swap3A_82] : memref<8x64xf32, #tpu.memory_space<vmem>>, vector<8x64xf32>
      tpu.vector_store %arg10[%swap3A_81, %swap3A_82], %broadcast_in_dim3A_80 {strides = array<i32>} : memref<8x64xf32, #tpu.memory_space<vmem>>, vector<8x64xf32>,
    } else {
    }
    %get3A_66 = arith.constant 0 : index
    %get3A_67 = arith.constant 0 : index
    %get3A_68 = vector.load %arg10[%get3A_66, %get3A_67] : memref<8x64xf32, #tpu.memory_space<vmem>>, vector<1x64xf32>
    %add3A_69 = arith.addf %get3A_68, %broadcast_in_dim3A_59 : vector<1x64xf32>
    %swap3A = arith.constant 0 : index
    %swap3A_70 = arith.constant 0 : index
    %swap3A_71 = vector.load %arg10[%swap3A, %swap3A_70] : memref<8x64xf32, #tpu.memory_space<vmem>>, vector<1x64xf32>
    tpu.vector_store %arg10[%swap3A, %swap3A_70], %add3A_69 {strides = array<i32>} : memref<8x64xf32, #tpu.memory_space<vmem>>, vector<1x64xf32>,
    %get3A_72 = arith.constant 1 : index
    %get3A_73 = arith.constant 0 : index
    %get3A_74 = vector.load %arg10[%get3A_72, %get3A_73] : memref<8x64xf32, #tpu.memory_space<vmem>>, vector<1x64xf32>
    %add3A_75 = arith.addf %get3A_74, %broadcast_in_dim3A_63 : vector<1x64xf32>
    %swap3A_76 = arith.constant 1 : index
    %swap3A_77 = arith.constant 0 : index
    %swap3A_78 = vector.load %arg10[%swap3A_76, %swap3A_77] : memref<8x64xf32, #tpu.memory_space<vmem>>, vector<1x64xf32>
    tpu.vector_store %arg10[%swap3A_76, %swap3A_77], %add3A_75 {strides = array<i32>} : memref<8x64xf32, #tpu.memory_space<vmem>>, vector<1x64xf32>,
    return
  }
  func.func @transform_0(%arg0: i32) -> (i32, i32) {
    %c0_i32 = arith.constant 0 : i32
    %c0_i32_0 = arith.constant 0 : i32
    return %arg0, %c0_i32 : i32, i32
  }
  func.func @transform_1(%arg0: i32) -> (i32, i32) {
    %c0_i32 = arith.constant 0 : i32
    %c0_i32_0 = arith.constant 0 : i32
    return %arg0, %c0_i32 : i32, i32
  }
  func.func @transform_2(%arg0: i32) -> (i32, i32) {
    %c0_i32 = arith.constant 0 : i32
    %c0_i32_0 = arith.constant 0 : i32
    %c0_i32_1 = arith.constant 0 : i32
    return %c0_i32, %c0_i32_0 : i32, i32
  }
  func.func @transform_3(%arg0: i32) -> (i32, i32) {
    %c0_i32 = arith.constant 0 : i32
    %c0_i32_0 = arith.constant 0 : i32
    %c0_i32_1 = arith.constant 0 : i32
    return %c0_i32, %c0_i32_0 : i32, i32
  }
  func.func @transform_4(%arg0: i32) -> (i32, i32) {
    %c0_i32 = arith.constant 0 : i32
    %c0_i32_0 = arith.constant 0 : i32
    %c0_i32_1 = arith.constant 0 : i32
    return %c0_i32, %c0_i32_0 : i32, i32
  }
  func.func @transform_5(%arg0: i32) -> (i32, i32) {
    %c0_i32 = arith.constant 0 : i32
    %c0_i32_0 = arith.constant 0 : i32
    %c0_i32_1 = arith.constant 0 : i32
    return %c0_i32, %c0_i32_0 : i32, i32
  }
  func.func @transform_6(%arg0: i32) -> (i32, i32) {
    %c0_i32 = arith.constant 0 : i32
    %c0_i32_0 = arith.constant 0 : i32
    %c0_i32_1 = arith.constant 0 : i32
    return %c0_i32, %c0_i32_0 : i32, i32
  }
  func.func @transform_7(%arg0: i32) -> (i32, i32) {
    %c0_i32 = arith.constant 0 : i32
    %c0_i32_0 = arith.constant 0 : i32
    %c0_i32_1 = arith.constant 0 : i32
    return %c0_i32, %c0_i32_0 : i32, i32
  }
  func.func @transform_8(%arg0: i32) -> (i32, i32) {
    %c0_i32 = arith.constant 0 : i32
    %c0_i32_0 = arith.constant 0 : i32
    %c0_i32_1 = arith.constant 0 : i32
    return %c0_i32, %c0_i32_0 : i32, i32
  }
  func.func @transform_9(%arg0: i32) -> (i32, i32) {
    %c0_i32 = arith.constant 0 : i32
    %c0_i32_0 = arith.constant 0 : i32
    %c0_i32_1 = arith.constant 0 : i32
    return %c0_i32, %c0_i32_0 : i32, i32
  }
}

module attributes {stable_mosaic.version = 14 : i64} {
  func.func @_stats_body(%arg0: i32, %arg1: memref<4096x48xf32, #tpu.memory_space<vmem>>, %arg2: memref<4096x4xf32, #tpu.memory_space<vmem>>, %arg3: memref<48x64xf32, #tpu.memory_space<vmem>>, %arg4: memref<1x64xf32, #tpu.memory_space<vmem>>, %arg5: memref<1x64xf32, #tpu.memory_space<vmem>>, %arg6: memref<1x64xf32, #tpu.memory_space<vmem>>, %arg7: memref<8x64xf32, #tpu.memory_space<vmem>>, %arg8: memref<64x64xf32, #tpu.memory_space<vmem>>, %arg9: memref<1x64xf32, #tpu.memory_space<vmem>>, %arg10: memref<1x64xf32, #tpu.memory_space<vmem>>, %arg11: memref<1x64xf32, #tpu.memory_space<vmem>>, %arg12: memref<8x64xf32, #tpu.memory_space<vmem>>, %arg13: memref<64x128xf32, #tpu.memory_space<vmem>>, %arg14: memref<1x128xf32, #tpu.memory_space<vmem>>, %arg15: memref<8x128xf32, #tpu.memory_space<vmem>>) attributes {dimension_semantics = [#tpu.dimension_semantics<arbitrary>], iteration_bounds = array<i64: 64>, scalar_prefetch = 0 : i64, scratch_operands = 0 : i64, tpu.core_type = #tpu.core_type<tc>, window_params = [{transform_indices = @transform_0, window_bounds = array<i64: 4096, 48>}, {transform_indices = @transform_1, window_bounds = array<i64: 4096, 4>}, {pipeline_mode = #tpu.pipeline_mode<synchronous>, transform_indices = @transform_2, window_bounds = array<i64: 48, 64>}, {pipeline_mode = #tpu.pipeline_mode<synchronous>, transform_indices = @transform_3, window_bounds = array<i64: 1, 64>}, {pipeline_mode = #tpu.pipeline_mode<synchronous>, transform_indices = @transform_4, window_bounds = array<i64: 1, 64>}, {pipeline_mode = #tpu.pipeline_mode<synchronous>, transform_indices = @transform_5, window_bounds = array<i64: 1, 64>}, {pipeline_mode = #tpu.pipeline_mode<synchronous>, transform_indices = @transform_6, window_bounds = array<i64: 8, 64>}, {pipeline_mode = #tpu.pipeline_mode<synchronous>, transform_indices = @transform_7, window_bounds = array<i64: 64, 64>}, {pipeline_mode = #tpu.pipeline_mode<synchronous>, transform_indices = @transform_8, window_bounds = array<i64: 1, 64>}, {pipeline_mode = #tpu.pipeline_mode<synchronous>, transform_indices = @transform_9, window_bounds = array<i64: 1, 64>}, {pipeline_mode = #tpu.pipeline_mode<synchronous>, transform_indices = @transform_10, window_bounds = array<i64: 1, 64>}, {pipeline_mode = #tpu.pipeline_mode<synchronous>, transform_indices = @transform_11, window_bounds = array<i64: 8, 64>}, {pipeline_mode = #tpu.pipeline_mode<synchronous>, transform_indices = @transform_12, window_bounds = array<i64: 64, 128>}, {pipeline_mode = #tpu.pipeline_mode<synchronous>, transform_indices = @transform_13, window_bounds = array<i64: 1, 128>}, {pipeline_mode = #tpu.pipeline_mode<synchronous>, transform_indices = @transform_14, window_bounds = array<i64: 8, 128>}]} {
    %get3A = arith.constant 0 : index
    %get3A_0 = arith.constant 0 : index
    %get3A_1 = vector.load %arg1[%get3A, %get3A_0] : memref<4096x48xf32, #tpu.memory_space<vmem>>, vector<4096x48xf32>
    %get3A_2 = arith.constant 0 : index
    %get3A_3 = arith.constant 0 : index
    %get3A_4 = vector.load %arg2[%get3A_2, %get3A_3] : memref<4096x4xf32, #tpu.memory_space<vmem>>, vector<4096x4xf32>
    %broadcast_in_dim3A = arith.constant 0.000000e+00 : f32
    %broadcast_in_dim3A_5 = vector.broadcast %broadcast_in_dim3A : f32 to vector<4096x32xf32>
    %broadcast_in_dim3A_6 = arith.constant 0.000000e+00 : f32
    %broadcast_in_dim3A_7 = vector.broadcast %broadcast_in_dim3A_6 : f32 to vector<4096x12xf32>
    %concatenate3A = tpu.concatenate %broadcast_in_dim3A_5, %get3A_4, %broadcast_in_dim3A_7 in 1 : vector<4096x32xf32>, vector<4096x4xf32>, vector<4096x12xf32> -> vector<4096x48xf32>
    %sub3A = arith.subf %get3A_1, %concatenate3A : vector<4096x48xf32>
    %get3A_8 = arith.constant 0 : index
    %get3A_9 = arith.constant 0 : index
    %get3A_10 = vector.load %arg3[%get3A_8, %get3A_9] : memref<48x64xf32, #tpu.memory_space<vmem>>, vector<48x64xf32>
    %get3A_11 = arith.constant 0 : index
    %get3A_12 = arith.constant 0 : index
    %get3A_13 = vector.load %arg4[%get3A_11, %get3A_12] : memref<1x64xf32, #tpu.memory_space<vmem>>, vector<1x64xf32>
    %dot_general3A = arith.constant dense<0.000000e+00> : vector<4096x64xf32>
    %dot_general3A_14 = tpu.matmul %sub3A, %get3A_10, %dot_general3A {dimension_numbers = #tpu.dot_dimension_numbers<[1], [0], [0], [1], [0, 0, 1, 1], [], []>, transpose_lhs_hint = false} : vector<4096x48xf32>, vector<48x64xf32>, vector<4096x64xf32> -> vector<4096x64xf32>
    %add3A = vector.broadcast %get3A_13 : vector<1x64xf32> to vector<4096x64xf32>
    %add3A_15 = arith.addf %dot_general3A_14, %add3A : vector<4096x64xf32>
    %get3A_16 = arith.constant 0 : index
    %get3A_17 = arith.constant 0 : index
    %get3A_18 = vector.load %arg5[%get3A_16, %get3A_17] : memref<1x64xf32, #tpu.memory_space<vmem>>, vector<1x64xf32>
    %get3A_19 = arith.constant 0 : index
    %get3A_20 = arith.constant 0 : index
    %get3A_21 = vector.load %arg6[%get3A_19, %get3A_20] : memref<1x64xf32, #tpu.memory_space<vmem>>, vector<1x64xf32>
    %get3A_22 = arith.constant 0 : index
    %get3A_23 = arith.constant 0 : index
    %get3A_24 = vector.load %arg7[%get3A_22, %get3A_23] : memref<8x64xf32, #tpu.memory_space<vmem>>, vector<8x64xf32>
    %slice3A = vector.extract_strided_slice %get3A_24 {offsets = [0, 0], sizes = [1, 64], strides = [1, 1]} : vector<8x64xf32> to vector<1x64xf32>
    %div3A = arith.constant 2.621440e+05 : f32
    %div3A_25 = vector.broadcast %div3A : f32 to vector<1x64xf32>
    %div3A_26 = arith.divf %slice3A, %div3A_25 : vector<1x64xf32>
    %slice3A_27 = vector.extract_strided_slice %get3A_24 {offsets = [1, 0], sizes = [1, 64], strides = [1, 1]} : vector<8x64xf32> to vector<1x64xf32>
    %div3A_28 = arith.constant 2.621440e+05 : f32
    %div3A_29 = vector.broadcast %div3A_28 : f32 to vector<1x64xf32>
    %div3A_30 = arith.divf %slice3A_27, %div3A_29 : vector<1x64xf32>
    %mul3A = arith.mulf %div3A_26, %div3A_26 : vector<1x64xf32>
    %sub3A_31 = arith.subf %div3A_30, %mul3A : vector<1x64xf32>
    %max3A = arith.constant 0.000000e+00 : f32
    %max3A_32 = vector.broadcast %max3A : f32 to vector<1x64xf32>
    %max3A_33 = arith.maximumf %sub3A_31, %max3A_32 : vector<1x64xf32>
    %add3A_34 = arith.constant 9.99999974E-6 : f32
    %add3A_35 = vector.broadcast %add3A_34 : f32 to vector<1x64xf32>
    %add3A_36 = arith.addf %max3A_33, %add3A_35 : vector<1x64xf32>
    %rsqrt3A = math.rsqrt %add3A_36 : vector<1x64xf32>
    %sub3A_37 = vector.broadcast %div3A_26 : vector<1x64xf32> to vector<4096x64xf32>
    %sub3A_38 = arith.subf %add3A_15, %sub3A_37 : vector<4096x64xf32>
    %mul3A_39 = vector.broadcast %rsqrt3A : vector<1x64xf32> to vector<4096x64xf32>
    %mul3A_40 = arith.mulf %sub3A_38, %mul3A_39 : vector<4096x64xf32>
    %mul3A_41 = vector.broadcast %get3A_18 : vector<1x64xf32> to vector<4096x64xf32>
    %mul3A_42 = arith.mulf %mul3A_40, %mul3A_41 : vector<4096x64xf32>
    %add3A_43 = vector.broadcast %get3A_21 : vector<1x64xf32> to vector<4096x64xf32>
    %add3A_44 = arith.addf %mul3A_42, %add3A_43 : vector<4096x64xf32>
    %max3A_45 = arith.constant 0.000000e+00 : f32
    %max3A_46 = vector.broadcast %max3A_45 : f32 to vector<4096x64xf32>
    %max3A_47 = arith.maximumf %add3A_44, %max3A_46 : vector<4096x64xf32>
    %get3A_48 = arith.constant 0 : index
    %get3A_49 = arith.constant 0 : index
    %get3A_50 = vector.load %arg8[%get3A_48, %get3A_49] : memref<64x64xf32, #tpu.memory_space<vmem>>, vector<64x64xf32>
    %get3A_51 = arith.constant 0 : index
    %get3A_52 = arith.constant 0 : index
    %get3A_53 = vector.load %arg9[%get3A_51, %get3A_52] : memref<1x64xf32, #tpu.memory_space<vmem>>, vector<1x64xf32>
    %dot_general3A_54 = arith.constant dense<0.000000e+00> : vector<4096x64xf32>
    %dot_general3A_55 = tpu.matmul %max3A_47, %get3A_50, %dot_general3A_54 {dimension_numbers = #tpu.dot_dimension_numbers<[1], [0], [0], [1], [0, 0, 1, 1], [], []>, transpose_lhs_hint = false} : vector<4096x64xf32>, vector<64x64xf32>, vector<4096x64xf32> -> vector<4096x64xf32>
    %add3A_56 = vector.broadcast %get3A_53 : vector<1x64xf32> to vector<4096x64xf32>
    %add3A_57 = arith.addf %dot_general3A_55, %add3A_56 : vector<4096x64xf32>
    %get3A_58 = arith.constant 0 : index
    %get3A_59 = arith.constant 0 : index
    %get3A_60 = vector.load %arg10[%get3A_58, %get3A_59] : memref<1x64xf32, #tpu.memory_space<vmem>>, vector<1x64xf32>
    %get3A_61 = arith.constant 0 : index
    %get3A_62 = arith.constant 0 : index
    %get3A_63 = vector.load %arg11[%get3A_61, %get3A_62] : memref<1x64xf32, #tpu.memory_space<vmem>>, vector<1x64xf32>
    %get3A_64 = arith.constant 0 : index
    %get3A_65 = arith.constant 0 : index
    %get3A_66 = vector.load %arg12[%get3A_64, %get3A_65] : memref<8x64xf32, #tpu.memory_space<vmem>>, vector<8x64xf32>
    %slice3A_67 = vector.extract_strided_slice %get3A_66 {offsets = [0, 0], sizes = [1, 64], strides = [1, 1]} : vector<8x64xf32> to vector<1x64xf32>
    %div3A_68 = arith.constant 2.621440e+05 : f32
    %div3A_69 = vector.broadcast %div3A_68 : f32 to vector<1x64xf32>
    %div3A_70 = arith.divf %slice3A_67, %div3A_69 : vector<1x64xf32>
    %slice3A_71 = vector.extract_strided_slice %get3A_66 {offsets = [1, 0], sizes = [1, 64], strides = [1, 1]} : vector<8x64xf32> to vector<1x64xf32>
    %div3A_72 = arith.constant 2.621440e+05 : f32
    %div3A_73 = vector.broadcast %div3A_72 : f32 to vector<1x64xf32>
    %div3A_74 = arith.divf %slice3A_71, %div3A_73 : vector<1x64xf32>
    %mul3A_75 = arith.mulf %div3A_70, %div3A_70 : vector<1x64xf32>
    %sub3A_76 = arith.subf %div3A_74, %mul3A_75 : vector<1x64xf32>
    %max3A_77 = arith.constant 0.000000e+00 : f32
    %max3A_78 = vector.broadcast %max3A_77 : f32 to vector<1x64xf32>
    %max3A_79 = arith.maximumf %sub3A_76, %max3A_78 : vector<1x64xf32>
    %add3A_80 = arith.constant 9.99999974E-6 : f32
    %add3A_81 = vector.broadcast %add3A_80 : f32 to vector<1x64xf32>
    %add3A_82 = arith.addf %max3A_79, %add3A_81 : vector<1x64xf32>
    %rsqrt3A_83 = math.rsqrt %add3A_82 : vector<1x64xf32>
    %sub3A_84 = vector.broadcast %div3A_70 : vector<1x64xf32> to vector<4096x64xf32>
    %sub3A_85 = arith.subf %add3A_57, %sub3A_84 : vector<4096x64xf32>
    %mul3A_86 = vector.broadcast %rsqrt3A_83 : vector<1x64xf32> to vector<4096x64xf32>
    %mul3A_87 = arith.mulf %sub3A_85, %mul3A_86 : vector<4096x64xf32>
    %mul3A_88 = vector.broadcast %get3A_60 : vector<1x64xf32> to vector<4096x64xf32>
    %mul3A_89 = arith.mulf %mul3A_87, %mul3A_88 : vector<4096x64xf32>
    %add3A_90 = vector.broadcast %get3A_63 : vector<1x64xf32> to vector<4096x64xf32>
    %add3A_91 = arith.addf %mul3A_89, %add3A_90 : vector<4096x64xf32>
    %max3A_92 = arith.constant 0.000000e+00 : f32
    %max3A_93 = vector.broadcast %max3A_92 : f32 to vector<4096x64xf32>
    %max3A_94 = arith.maximumf %add3A_91, %max3A_93 : vector<4096x64xf32>
    %get3A_95 = arith.constant 0 : index
    %get3A_96 = arith.constant 0 : index
    %get3A_97 = vector.load %arg13[%get3A_95, %get3A_96] : memref<64x128xf32, #tpu.memory_space<vmem>>, vector<64x128xf32>
    %get3A_98 = arith.constant 0 : index
    %get3A_99 = arith.constant 0 : index
    %get3A_100 = vector.load %arg14[%get3A_98, %get3A_99] : memref<1x128xf32, #tpu.memory_space<vmem>>, vector<1x128xf32>
    %dot_general3A_101 = arith.constant dense<0.000000e+00> : vector<4096x128xf32>
    %dot_general3A_102 = tpu.matmul %max3A_94, %get3A_97, %dot_general3A_101 {dimension_numbers = #tpu.dot_dimension_numbers<[1], [0], [0], [1], [0, 0, 1, 1], [], []>, transpose_lhs_hint = false} : vector<4096x64xf32>, vector<64x128xf32>, vector<4096x128xf32> -> vector<4096x128xf32>
    %add3A_103 = vector.broadcast %get3A_100 : vector<1x128xf32> to vector<4096x128xf32>
    %add3A_104 = arith.addf %dot_general3A_102, %add3A_103 : vector<4096x128xf32>
    %reduce_sum3A = arith.constant dense<0.000000e+00> : vector<128xf32>
    %reduce_sum3A_105 = vector.multi_reduction <add>, %add3A_104, %reduce_sum3A [0] : vector<4096x128xf32> to vector<128xf32>
    %broadcast_in_dim3A_106 = vector.shape_cast %reduce_sum3A_105 : vector<128xf32> to vector<1x128xf32>
    %mul3A_107 = arith.mulf %add3A_104, %add3A_104 : vector<4096x128xf32>
    %reduce_sum3A_108 = arith.constant dense<0.000000e+00> : vector<128xf32>
    %reduce_sum3A_109 = vector.multi_reduction <add>, %mul3A_107, %reduce_sum3A_108 [0] : vector<4096x128xf32> to vector<128xf32>
    %broadcast_in_dim3A_110 = vector.shape_cast %reduce_sum3A_109 : vector<128xf32> to vector<1x128xf32>
    %eq3A = arith.constant 0 : i32
    %eq3A_111 = arith.cmpi eq, %arg0, %eq3A : i32
    %convert_element_type3A = arith.extui %eq3A_111 : i1 to i32
    %cond3A = arith.constant 0 : i32
    %cond3A_112 = arith.cmpi ne, %convert_element_type3A, %cond3A : i32
    scf.if %cond3A_112 {
      %broadcast_in_dim3A_126 = arith.constant 0.000000e+00 : f32
      %broadcast_in_dim3A_127 = vector.broadcast %broadcast_in_dim3A_126 : f32 to vector<8x128xf32>
      %swap3A_128 = arith.constant 0 : index
      %swap3A_129 = arith.constant 0 : index
      %swap3A_130 = vector.load %arg15[%swap3A_128, %swap3A_129] : memref<8x128xf32, #tpu.memory_space<vmem>>, vector<8x128xf32>
      tpu.vector_store %arg15[%swap3A_128, %swap3A_129], %broadcast_in_dim3A_127 {strides = array<i32>} : memref<8x128xf32, #tpu.memory_space<vmem>>, vector<8x128xf32>,
    } else {
    }
    %get3A_113 = arith.constant 0 : index
    %get3A_114 = arith.constant 0 : index
    %get3A_115 = vector.load %arg15[%get3A_113, %get3A_114] : memref<8x128xf32, #tpu.memory_space<vmem>>, vector<1x128xf32>
    %add3A_116 = arith.addf %get3A_115, %broadcast_in_dim3A_106 : vector<1x128xf32>
    %swap3A = arith.constant 0 : index
    %swap3A_117 = arith.constant 0 : index
    %swap3A_118 = vector.load %arg15[%swap3A, %swap3A_117] : memref<8x128xf32, #tpu.memory_space<vmem>>, vector<1x128xf32>
    tpu.vector_store %arg15[%swap3A, %swap3A_117], %add3A_116 {strides = array<i32>} : memref<8x128xf32, #tpu.memory_space<vmem>>, vector<1x128xf32>,
    %get3A_119 = arith.constant 1 : index
    %get3A_120 = arith.constant 0 : index
    %get3A_121 = vector.load %arg15[%get3A_119, %get3A_120] : memref<8x128xf32, #tpu.memory_space<vmem>>, vector<1x128xf32>
    %add3A_122 = arith.addf %get3A_121, %broadcast_in_dim3A_110 : vector<1x128xf32>
    %swap3A_123 = arith.constant 1 : index
    %swap3A_124 = arith.constant 0 : index
    %swap3A_125 = vector.load %arg15[%swap3A_123, %swap3A_124] : memref<8x128xf32, #tpu.memory_space<vmem>>, vector<1x128xf32>
    tpu.vector_store %arg15[%swap3A_123, %swap3A_124], %add3A_122 {strides = array<i32>} : memref<8x128xf32, #tpu.memory_space<vmem>>, vector<1x128xf32>,
    return
  }
  func.func @transform_0(%arg0: i32) -> (i32, i32) {
    %c0_i32 = arith.constant 0 : i32
    %c0_i32_0 = arith.constant 0 : i32
    return %arg0, %c0_i32 : i32, i32
  }
  func.func @transform_1(%arg0: i32) -> (i32, i32) {
    %c0_i32 = arith.constant 0 : i32
    %c0_i32_0 = arith.constant 0 : i32
    return %arg0, %c0_i32 : i32, i32
  }
  func.func @transform_2(%arg0: i32) -> (i32, i32) {
    %c0_i32 = arith.constant 0 : i32
    %c0_i32_0 = arith.constant 0 : i32
    %c0_i32_1 = arith.constant 0 : i32
    return %c0_i32, %c0_i32_0 : i32, i32
  }
  func.func @transform_3(%arg0: i32) -> (i32, i32) {
    %c0_i32 = arith.constant 0 : i32
    %c0_i32_0 = arith.constant 0 : i32
    %c0_i32_1 = arith.constant 0 : i32
    return %c0_i32, %c0_i32_0 : i32, i32
  }
  func.func @transform_4(%arg0: i32) -> (i32, i32) {
    %c0_i32 = arith.constant 0 : i32
    %c0_i32_0 = arith.constant 0 : i32
    %c0_i32_1 = arith.constant 0 : i32
    return %c0_i32, %c0_i32_0 : i32, i32
  }
  func.func @transform_5(%arg0: i32) -> (i32, i32) {
    %c0_i32 = arith.constant 0 : i32
    %c0_i32_0 = arith.constant 0 : i32
    %c0_i32_1 = arith.constant 0 : i32
    return %c0_i32, %c0_i32_0 : i32, i32
  }
  func.func @transform_6(%arg0: i32) -> (i32, i32) {
    %c0_i32 = arith.constant 0 : i32
    %c0_i32_0 = arith.constant 0 : i32
    %c0_i32_1 = arith.constant 0 : i32
    return %c0_i32, %c0_i32_0 : i32, i32
  }
  func.func @transform_7(%arg0: i32) -> (i32, i32) {
    %c0_i32 = arith.constant 0 : i32
    %c0_i32_0 = arith.constant 0 : i32
    %c0_i32_1 = arith.constant 0 : i32
    return %c0_i32, %c0_i32_0 : i32, i32
  }
  func.func @transform_8(%arg0: i32) -> (i32, i32) {
    %c0_i32 = arith.constant 0 : i32
    %c0_i32_0 = arith.constant 0 : i32
    %c0_i32_1 = arith.constant 0 : i32
    return %c0_i32, %c0_i32_0 : i32, i32
  }
  func.func @transform_9(%arg0: i32) -> (i32, i32) {
    %c0_i32 = arith.constant 0 : i32
    %c0_i32_0 = arith.constant 0 : i32
    %c0_i32_1 = arith.constant 0 : i32
    return %c0_i32, %c0_i32_0 : i32, i32
  }
  func.func @transform_10(%arg0: i32) -> (i32, i32) {
    %c0_i32 = arith.constant 0 : i32
    %c0_i32_0 = arith.constant 0 : i32
    %c0_i32_1 = arith.constant 0 : i32
    return %c0_i32, %c0_i32_0 : i32, i32
  }
  func.func @transform_11(%arg0: i32) -> (i32, i32) {
    %c0_i32 = arith.constant 0 : i32
    %c0_i32_0 = arith.constant 0 : i32
    %c0_i32_1 = arith.constant 0 : i32
    return %c0_i32, %c0_i32_0 : i32, i32
  }
  func.func @transform_12(%arg0: i32) -> (i32, i32) {
    %c0_i32 = arith.constant 0 : i32
    %c0_i32_0 = arith.constant 0 : i32
    %c0_i32_1 = arith.constant 0 : i32
    return %c0_i32, %c0_i32_0 : i32, i32
  }
  func.func @transform_13(%arg0: i32) -> (i32, i32) {
    %c0_i32 = arith.constant 0 : i32
    %c0_i32_0 = arith.constant 0 : i32
    %c0_i32_1 = arith.constant 0 : i32
    return %c0_i32, %c0_i32_0 : i32, i32
  }
  func.func @transform_14(%arg0: i32) -> (i32, i32) {
    %c0_i32 = arith.constant 0 : i32
    %c0_i32_0 = arith.constant 0 : i32
    %c0_i32_1 = arith.constant 0 : i32
    return %c0_i32, %c0_i32_0 : i32, i32
  }
}

module attributes {stable_mosaic.version = 14 : i64} {
  func.func @_final_body(%arg0: i32, %arg1: memref<4096x48xf32, #tpu.memory_space<vmem>>, %arg2: memref<4096x4xf32, #tpu.memory_space<vmem>>, %arg3: memref<48x64xf32, #tpu.memory_space<vmem>>, %arg4: memref<1x64xf32, #tpu.memory_space<vmem>>, %arg5: memref<1x64xf32, #tpu.memory_space<vmem>>, %arg6: memref<1x64xf32, #tpu.memory_space<vmem>>, %arg7: memref<8x64xf32, #tpu.memory_space<vmem>>, %arg8: memref<64x64xf32, #tpu.memory_space<vmem>>, %arg9: memref<1x64xf32, #tpu.memory_space<vmem>>, %arg10: memref<1x64xf32, #tpu.memory_space<vmem>>, %arg11: memref<1x64xf32, #tpu.memory_space<vmem>>, %arg12: memref<8x64xf32, #tpu.memory_space<vmem>>, %arg13: memref<64x128xf32, #tpu.memory_space<vmem>>, %arg14: memref<1x128xf32, #tpu.memory_space<vmem>>, %arg15: memref<1x128xf32, #tpu.memory_space<vmem>>, %arg16: memref<1x128xf32, #tpu.memory_space<vmem>>, %arg17: memref<8x128xf32, #tpu.memory_space<vmem>>, %arg18: memref<128x128xf32, #tpu.memory_space<vmem>>) attributes {dimension_semantics = [#tpu.dimension_semantics<arbitrary>], iteration_bounds = array<i64: 64>, scalar_prefetch = 0 : i64, scratch_operands = 0 : i64, tpu.core_type = #tpu.core_type<tc>, window_params = [{transform_indices = @transform_0, window_bounds = array<i64: 4096, 48>}, {transform_indices = @transform_1, window_bounds = array<i64: 4096, 4>}, {pipeline_mode = #tpu.pipeline_mode<synchronous>, transform_indices = @transform_2, window_bounds = array<i64: 48, 64>}, {pipeline_mode = #tpu.pipeline_mode<synchronous>, transform_indices = @transform_3, window_bounds = array<i64: 1, 64>}, {pipeline_mode = #tpu.pipeline_mode<synchronous>, transform_indices = @transform_4, window_bounds = array<i64: 1, 64>}, {pipeline_mode = #tpu.pipeline_mode<synchronous>, transform_indices = @transform_5, window_bounds = array<i64: 1, 64>}, {pipeline_mode = #tpu.pipeline_mode<synchronous>, transform_indices = @transform_6, window_bounds = array<i64: 8, 64>}, {pipeline_mode = #tpu.pipeline_mode<synchronous>, transform_indices = @transform_7, window_bounds = array<i64: 64, 64>}, {pipeline_mode = #tpu.pipeline_mode<synchronous>, transform_indices = @transform_8, window_bounds = array<i64: 1, 64>}, {pipeline_mode = #tpu.pipeline_mode<synchronous>, transform_indices = @transform_9, window_bounds = array<i64: 1, 64>}, {pipeline_mode = #tpu.pipeline_mode<synchronous>, transform_indices = @transform_10, window_bounds = array<i64: 1, 64>}, {pipeline_mode = #tpu.pipeline_mode<synchronous>, transform_indices = @transform_11, window_bounds = array<i64: 8, 64>}, {pipeline_mode = #tpu.pipeline_mode<synchronous>, transform_indices = @transform_12, window_bounds = array<i64: 64, 128>}, {pipeline_mode = #tpu.pipeline_mode<synchronous>, transform_indices = @transform_13, window_bounds = array<i64: 1, 128>}, {pipeline_mode = #tpu.pipeline_mode<synchronous>, transform_indices = @transform_14, window_bounds = array<i64: 1, 128>}, {pipeline_mode = #tpu.pipeline_mode<synchronous>, transform_indices = @transform_15, window_bounds = array<i64: 1, 128>}, {pipeline_mode = #tpu.pipeline_mode<synchronous>, transform_indices = @transform_16, window_bounds = array<i64: 8, 128>}, {transform_indices = @transform_17, window_bounds = array<i64: 128, 128>}]} {
    %get3A = arith.constant 0 : index
    %get3A_0 = arith.constant 0 : index
    %get3A_1 = vector.load %arg1[%get3A, %get3A_0] : memref<4096x48xf32, #tpu.memory_space<vmem>>, vector<4096x48xf32>
    %get3A_2 = arith.constant 0 : index
    %get3A_3 = arith.constant 0 : index
    %get3A_4 = vector.load %arg2[%get3A_2, %get3A_3] : memref<4096x4xf32, #tpu.memory_space<vmem>>, vector<4096x4xf32>
    %broadcast_in_dim3A = arith.constant 0.000000e+00 : f32
    %broadcast_in_dim3A_5 = vector.broadcast %broadcast_in_dim3A : f32 to vector<4096x32xf32>
    %broadcast_in_dim3A_6 = arith.constant 0.000000e+00 : f32
    %broadcast_in_dim3A_7 = vector.broadcast %broadcast_in_dim3A_6 : f32 to vector<4096x12xf32>
    %concatenate3A = tpu.concatenate %broadcast_in_dim3A_5, %get3A_4, %broadcast_in_dim3A_7 in 1 : vector<4096x32xf32>, vector<4096x4xf32>, vector<4096x12xf32> -> vector<4096x48xf32>
    %sub3A = arith.subf %get3A_1, %concatenate3A : vector<4096x48xf32>
    %get3A_8 = arith.constant 0 : index
    %get3A_9 = arith.constant 0 : index
    %get3A_10 = vector.load %arg3[%get3A_8, %get3A_9] : memref<48x64xf32, #tpu.memory_space<vmem>>, vector<48x64xf32>
    %get3A_11 = arith.constant 0 : index
    %get3A_12 = arith.constant 0 : index
    %get3A_13 = vector.load %arg4[%get3A_11, %get3A_12] : memref<1x64xf32, #tpu.memory_space<vmem>>, vector<1x64xf32>
    %get3A_14 = arith.constant 0 : index
    %get3A_15 = arith.constant 0 : index
    %get3A_16 = vector.load %arg5[%get3A_14, %get3A_15] : memref<1x64xf32, #tpu.memory_space<vmem>>, vector<1x64xf32>
    %get3A_17 = arith.constant 0 : index
    %get3A_18 = arith.constant 0 : index
    %get3A_19 = vector.load %arg6[%get3A_17, %get3A_18] : memref<1x64xf32, #tpu.memory_space<vmem>>, vector<1x64xf32>
    %get3A_20 = arith.constant 0 : index
    %get3A_21 = arith.constant 0 : index
    %get3A_22 = vector.load %arg7[%get3A_20, %get3A_21] : memref<8x64xf32, #tpu.memory_space<vmem>>, vector<8x64xf32>
    %slice3A = vector.extract_strided_slice %get3A_22 {offsets = [0, 0], sizes = [1, 64], strides = [1, 1]} : vector<8x64xf32> to vector<1x64xf32>
    %div3A = arith.constant 2.621440e+05 : f32
    %div3A_23 = vector.broadcast %div3A : f32 to vector<1x64xf32>
    %div3A_24 = arith.divf %slice3A, %div3A_23 : vector<1x64xf32>
    %slice3A_25 = vector.extract_strided_slice %get3A_22 {offsets = [1, 0], sizes = [1, 64], strides = [1, 1]} : vector<8x64xf32> to vector<1x64xf32>
    %div3A_26 = arith.constant 2.621440e+05 : f32
    %div3A_27 = vector.broadcast %div3A_26 : f32 to vector<1x64xf32>
    %div3A_28 = arith.divf %slice3A_25, %div3A_27 : vector<1x64xf32>
    %mul3A = arith.mulf %div3A_24, %div3A_24 : vector<1x64xf32>
    %sub3A_29 = arith.subf %div3A_28, %mul3A : vector<1x64xf32>
    %max3A = arith.constant 0.000000e+00 : f32
    %max3A_30 = vector.broadcast %max3A : f32 to vector<1x64xf32>
    %max3A_31 = arith.maximumf %sub3A_29, %max3A_30 : vector<1x64xf32>
    %add3A = arith.constant 9.99999974E-6 : f32
    %add3A_32 = vector.broadcast %add3A : f32 to vector<1x64xf32>
    %add3A_33 = arith.addf %max3A_31, %add3A_32 : vector<1x64xf32>
    %rsqrt3A = math.rsqrt %add3A_33 : vector<1x64xf32>
    %dot_general3A = arith.constant dense<0.000000e+00> : vector<4096x64xf32>
    %dot_general3A_34 = tpu.matmul %sub3A, %get3A_10, %dot_general3A {dimension_numbers = #tpu.dot_dimension_numbers<[1], [0], [0], [1], [0, 0, 1, 1], [], []>, transpose_lhs_hint = false} : vector<4096x48xf32>, vector<48x64xf32>, vector<4096x64xf32> -> vector<4096x64xf32>
    %add3A_35 = vector.broadcast %get3A_13 : vector<1x64xf32> to vector<4096x64xf32>
    %add3A_36 = arith.addf %dot_general3A_34, %add3A_35 : vector<4096x64xf32>
    %sub3A_37 = vector.broadcast %div3A_24 : vector<1x64xf32> to vector<4096x64xf32>
    %sub3A_38 = arith.subf %add3A_36, %sub3A_37 : vector<4096x64xf32>
    %mul3A_39 = vector.broadcast %rsqrt3A : vector<1x64xf32> to vector<4096x64xf32>
    %mul3A_40 = arith.mulf %sub3A_38, %mul3A_39 : vector<4096x64xf32>
    %mul3A_41 = vector.broadcast %get3A_16 : vector<1x64xf32> to vector<4096x64xf32>
    %mul3A_42 = arith.mulf %mul3A_40, %mul3A_41 : vector<4096x64xf32>
    %add3A_43 = vector.broadcast %get3A_19 : vector<1x64xf32> to vector<4096x64xf32>
    %add3A_44 = arith.addf %mul3A_42, %add3A_43 : vector<4096x64xf32>
    %max3A_45 = arith.constant 0.000000e+00 : f32
    %max3A_46 = vector.broadcast %max3A_45 : f32 to vector<4096x64xf32>
    %max3A_47 = arith.maximumf %add3A_44, %max3A_46 : vector<4096x64xf32>
    %get3A_48 = arith.constant 0 : index
    %get3A_49 = arith.constant 0 : index
    %get3A_50 = vector.load %arg8[%get3A_48, %get3A_49] : memref<64x64xf32, #tpu.memory_space<vmem>>, vector<64x64xf32>
    %get3A_51 = arith.constant 0 : index
    %get3A_52 = arith.constant 0 : index
    %get3A_53 = vector.load %arg9[%get3A_51, %get3A_52] : memref<1x64xf32, #tpu.memory_space<vmem>>, vector<1x64xf32>
    %get3A_54 = arith.constant 0 : index
    %get3A_55 = arith.constant 0 : index
    %get3A_56 = vector.load %arg10[%get3A_54, %get3A_55] : memref<1x64xf32, #tpu.memory_space<vmem>>, vector<1x64xf32>
    %get3A_57 = arith.constant 0 : index
    %get3A_58 = arith.constant 0 : index
    %get3A_59 = vector.load %arg11[%get3A_57, %get3A_58] : memref<1x64xf32, #tpu.memory_space<vmem>>, vector<1x64xf32>
    %get3A_60 = arith.constant 0 : index
    %get3A_61 = arith.constant 0 : index
    %get3A_62 = vector.load %arg12[%get3A_60, %get3A_61] : memref<8x64xf32, #tpu.memory_space<vmem>>, vector<8x64xf32>
    %slice3A_63 = vector.extract_strided_slice %get3A_62 {offsets = [0, 0], sizes = [1, 64], strides = [1, 1]} : vector<8x64xf32> to vector<1x64xf32>
    %div3A_64 = arith.constant 2.621440e+05 : f32
    %div3A_65 = vector.broadcast %div3A_64 : f32 to vector<1x64xf32>
    %div3A_66 = arith.divf %slice3A_63, %div3A_65 : vector<1x64xf32>
    %slice3A_67 = vector.extract_strided_slice %get3A_62 {offsets = [1, 0], sizes = [1, 64], strides = [1, 1]} : vector<8x64xf32> to vector<1x64xf32>
    %div3A_68 = arith.constant 2.621440e+05 : f32
    %div3A_69 = vector.broadcast %div3A_68 : f32 to vector<1x64xf32>
    %div3A_70 = arith.divf %slice3A_67, %div3A_69 : vector<1x64xf32>
    %mul3A_71 = arith.mulf %div3A_66, %div3A_66 : vector<1x64xf32>
    %sub3A_72 = arith.subf %div3A_70, %mul3A_71 : vector<1x64xf32>
    %max3A_73 = arith.constant 0.000000e+00 : f32
    %max3A_74 = vector.broadcast %max3A_73 : f32 to vector<1x64xf32>
    %max3A_75 = arith.maximumf %sub3A_72, %max3A_74 : vector<1x64xf32>
    %add3A_76 = arith.constant 9.99999974E-6 : f32
    %add3A_77 = vector.broadcast %add3A_76 : f32 to vector<1x64xf32>
    %add3A_78 = arith.addf %max3A_75, %add3A_77 : vector<1x64xf32>
    %rsqrt3A_79 = math.rsqrt %add3A_78 : vector<1x64xf32>
    %dot_general3A_80 = arith.constant dense<0.000000e+00> : vector<4096x64xf32>
    %dot_general3A_81 = tpu.matmul %max3A_47, %get3A_50, %dot_general3A_80 {dimension_numbers = #tpu.dot_dimension_numbers<[1], [0], [0], [1], [0, 0, 1, 1], [], []>, transpose_lhs_hint = false} : vector<4096x64xf32>, vector<64x64xf32>, vector<4096x64xf32> -> vector<4096x64xf32>
    %add3A_82 = vector.broadcast %get3A_53 : vector<1x64xf32> to vector<4096x64xf32>
    %add3A_83 = arith.addf %dot_general3A_81, %add3A_82 : vector<4096x64xf32>
    %sub3A_84 = vector.broadcast %div3A_66 : vector<1x64xf32> to vector<4096x64xf32>
    %sub3A_85 = arith.subf %add3A_83, %sub3A_84 : vector<4096x64xf32>
    %mul3A_86 = vector.broadcast %rsqrt3A_79 : vector<1x64xf32> to vector<4096x64xf32>
    %mul3A_87 = arith.mulf %sub3A_85, %mul3A_86 : vector<4096x64xf32>
    %mul3A_88 = vector.broadcast %get3A_56 : vector<1x64xf32> to vector<4096x64xf32>
    %mul3A_89 = arith.mulf %mul3A_87, %mul3A_88 : vector<4096x64xf32>
    %add3A_90 = vector.broadcast %get3A_59 : vector<1x64xf32> to vector<4096x64xf32>
    %add3A_91 = arith.addf %mul3A_89, %add3A_90 : vector<4096x64xf32>
    %max3A_92 = arith.constant 0.000000e+00 : f32
    %max3A_93 = vector.broadcast %max3A_92 : f32 to vector<4096x64xf32>
    %max3A_94 = arith.maximumf %add3A_91, %max3A_93 : vector<4096x64xf32>
    %get3A_95 = arith.constant 0 : index
    %get3A_96 = arith.constant 0 : index
    %get3A_97 = vector.load %arg13[%get3A_95, %get3A_96] : memref<64x128xf32, #tpu.memory_space<vmem>>, vector<64x128xf32>
    %get3A_98 = arith.constant 0 : index
    %get3A_99 = arith.constant 0 : index
    %get3A_100 = vector.load %arg14[%get3A_98, %get3A_99] : memref<1x128xf32, #tpu.memory_space<vmem>>, vector<1x128xf32>
    %get3A_101 = arith.constant 0 : index
    %get3A_102 = arith.constant 0 : index
    %get3A_103 = vector.load %arg15[%get3A_101, %get3A_102] : memref<1x128xf32, #tpu.memory_space<vmem>>, vector<1x128xf32>
    %get3A_104 = arith.constant 0 : index
    %get3A_105 = arith.constant 0 : index
    %get3A_106 = vector.load %arg16[%get3A_104, %get3A_105] : memref<1x128xf32, #tpu.memory_space<vmem>>, vector<1x128xf32>
    %get3A_107 = arith.constant 0 : index
    %get3A_108 = arith.constant 0 : index
    %get3A_109 = vector.load %arg17[%get3A_107, %get3A_108] : memref<8x128xf32, #tpu.memory_space<vmem>>, vector<8x128xf32>
    %slice3A_110 = vector.extract_strided_slice %get3A_109 {offsets = [0, 0], sizes = [1, 128], strides = [1, 1]} : vector<8x128xf32> to vector<1x128xf32>
    %div3A_111 = arith.constant 2.621440e+05 : f32
    %div3A_112 = vector.broadcast %div3A_111 : f32 to vector<1x128xf32>
    %div3A_113 = arith.divf %slice3A_110, %div3A_112 : vector<1x128xf32>
    %slice3A_114 = vector.extract_strided_slice %get3A_109 {offsets = [1, 0], sizes = [1, 128], strides = [1, 1]} : vector<8x128xf32> to vector<1x128xf32>
    %div3A_115 = arith.constant 2.621440e+05 : f32
    %div3A_116 = vector.broadcast %div3A_115 : f32 to vector<1x128xf32>
    %div3A_117 = arith.divf %slice3A_114, %div3A_116 : vector<1x128xf32>
    %mul3A_118 = arith.mulf %div3A_113, %div3A_113 : vector<1x128xf32>
    %sub3A_119 = arith.subf %div3A_117, %mul3A_118 : vector<1x128xf32>
    %max3A_120 = arith.constant 0.000000e+00 : f32
    %max3A_121 = vector.broadcast %max3A_120 : f32 to vector<1x128xf32>
    %max3A_122 = arith.maximumf %sub3A_119, %max3A_121 : vector<1x128xf32>
    %add3A_123 = arith.constant 9.99999974E-6 : f32
    %add3A_124 = vector.broadcast %add3A_123 : f32 to vector<1x128xf32>
    %add3A_125 = arith.addf %max3A_122, %add3A_124 : vector<1x128xf32>
    %rsqrt3A_126 = math.rsqrt %add3A_125 : vector<1x128xf32>
    %dot_general3A_127 = arith.constant dense<0.000000e+00> : vector<4096x128xf32>
    %dot_general3A_128 = tpu.matmul %max3A_94, %get3A_97, %dot_general3A_127 {dimension_numbers = #tpu.dot_dimension_numbers<[1], [0], [0], [1], [0, 0, 1, 1], [], []>, transpose_lhs_hint = false} : vector<4096x64xf32>, vector<64x128xf32>, vector<4096x128xf32> -> vector<4096x128xf32>
    %add3A_129 = vector.broadcast %get3A_100 : vector<1x128xf32> to vector<4096x128xf32>
    %add3A_130 = arith.addf %dot_general3A_128, %add3A_129 : vector<4096x128xf32>
    %sub3A_131 = vector.broadcast %div3A_113 : vector<1x128xf32> to vector<4096x128xf32>
    %sub3A_132 = arith.subf %add3A_130, %sub3A_131 : vector<4096x128xf32>
    %mul3A_133 = vector.broadcast %rsqrt3A_126 : vector<1x128xf32> to vector<4096x128xf32>
    %mul3A_134 = arith.mulf %sub3A_132, %mul3A_133 : vector<4096x128xf32>
    %mul3A_135 = vector.broadcast %get3A_103 : vector<1x128xf32> to vector<4096x128xf32>
    %mul3A_136 = arith.mulf %mul3A_134, %mul3A_135 : vector<4096x128xf32>
    %add3A_137 = vector.broadcast %get3A_106 : vector<1x128xf32> to vector<4096x128xf32>
    %add3A_138 = arith.addf %mul3A_136, %add3A_137 : vector<4096x128xf32>
    %max3A_139 = arith.constant 0.000000e+00 : f32
    %max3A_140 = vector.broadcast %max3A_139 : f32 to vector<4096x128xf32>
    %max3A_141 = arith.maximumf %add3A_138, %max3A_140 : vector<4096x128xf32>
    %reshape3A = vector.shape_cast %max3A_141 : vector<4096x128xf32> to vector<128x32x128xf32>
    %reduce_max3A = arith.constant dense<0xFF800000> : vector<128x128xf32>
    %reduce_max3A_142 = vector.multi_reduction <maximumf>, %reshape3A, %reduce_max3A [1] : vector<128x32x128xf32> to vector<128x128xf32>
    %swap3A = arith.constant 0 : index
    %swap3A_143 = arith.constant 0 : index
    %swap3A_144 = vector.load %arg18[%swap3A, %swap3A_143] : memref<128x128xf32, #tpu.memory_space<vmem>>, vector<128x128xf32>
    tpu.vector_store %arg18[%swap3A, %swap3A_143], %reduce_max3A_142 {strides = array<i32>} : memref<128x128xf32, #tpu.memory_space<vmem>>, vector<128x128xf32>,
    return
  }
  func.func @transform_0(%arg0: i32) -> (i32, i32) {
    %c0_i32 = arith.constant 0 : i32
    %c0_i32_0 = arith.constant 0 : i32
    return %arg0, %c0_i32 : i32, i32
  }
  func.func @transform_1(%arg0: i32) -> (i32, i32) {
    %c0_i32 = arith.constant 0 : i32
    %c0_i32_0 = arith.constant 0 : i32
    return %arg0, %c0_i32 : i32, i32
  }
  func.func @transform_2(%arg0: i32) -> (i32, i32) {
    %c0_i32 = arith.constant 0 : i32
    %c0_i32_0 = arith.constant 0 : i32
    %c0_i32_1 = arith.constant 0 : i32
    return %c0_i32, %c0_i32_0 : i32, i32
  }
  func.func @transform_3(%arg0: i32) -> (i32, i32) {
    %c0_i32 = arith.constant 0 : i32
    %c0_i32_0 = arith.constant 0 : i32
    %c0_i32_1 = arith.constant 0 : i32
    return %c0_i32, %c0_i32_0 : i32, i32
  }
  func.func @transform_4(%arg0: i32) -> (i32, i32) {
    %c0_i32 = arith.constant 0 : i32
    %c0_i32_0 = arith.constant 0 : i32
    %c0_i32_1 = arith.constant 0 : i32
    return %c0_i32, %c0_i32_0 : i32, i32
  }
  func.func @transform_5(%arg0: i32) -> (i32, i32) {
    %c0_i32 = arith.constant 0 : i32
    %c0_i32_0 = arith.constant 0 : i32
    %c0_i32_1 = arith.constant 0 : i32
    return %c0_i32, %c0_i32_0 : i32, i32
  }
  func.func @transform_6(%arg0: i32) -> (i32, i32) {
    %c0_i32 = arith.constant 0 : i32
    %c0_i32_0 = arith.constant 0 : i32
    %c0_i32_1 = arith.constant 0 : i32
    return %c0_i32, %c0_i32_0 : i32, i32
  }
  func.func @transform_7(%arg0: i32) -> (i32, i32) {
    %c0_i32 = arith.constant 0 : i32
    %c0_i32_0 = arith.constant 0 : i32
    %c0_i32_1 = arith.constant 0 : i32
    return %c0_i32, %c0_i32_0 : i32, i32
  }
  func.func @transform_8(%arg0: i32) -> (i32, i32) {
    %c0_i32 = arith.constant 0 : i32
    %c0_i32_0 = arith.constant 0 : i32
    %c0_i32_1 = arith.constant 0 : i32
    return %c0_i32, %c0_i32_0 : i32, i32
  }
  func.func @transform_9(%arg0: i32) -> (i32, i32) {
    %c0_i32 = arith.constant 0 : i32
    %c0_i32_0 = arith.constant 0 : i32
    %c0_i32_1 = arith.constant 0 : i32
    return %c0_i32, %c0_i32_0 : i32, i32
  }
  func.func @transform_10(%arg0: i32) -> (i32, i32) {
    %c0_i32 = arith.constant 0 : i32
    %c0_i32_0 = arith.constant 0 : i32
    %c0_i32_1 = arith.constant 0 : i32
    return %c0_i32, %c0_i32_0 : i32, i32
  }
  func.func @transform_11(%arg0: i32) -> (i32, i32) {
    %c0_i32 = arith.constant 0 : i32
    %c0_i32_0 = arith.constant 0 : i32
    %c0_i32_1 = arith.constant 0 : i32
    return %c0_i32, %c0_i32_0 : i32, i32
  }
  func.func @transform_12(%arg0: i32) -> (i32, i32) {
    %c0_i32 = arith.constant 0 : i32
    %c0_i32_0 = arith.constant 0 : i32
    %c0_i32_1 = arith.constant 0 : i32
    return %c0_i32, %c0_i32_0 : i32, i32
  }
  func.func @transform_13(%arg0: i32) -> (i32, i32) {
    %c0_i32 = arith.constant 0 : i32
    %c0_i32_0 = arith.constant 0 : i32
    %c0_i32_1 = arith.constant 0 : i32
    return %c0_i32, %c0_i32_0 : i32, i32
  }
  func.func @transform_14(%arg0: i32) -> (i32, i32) {
    %c0_i32 = arith.constant 0 : i32
    %c0_i32_0 = arith.constant 0 : i32
    %c0_i32_1 = arith.constant 0 : i32
    return %c0_i32, %c0_i32_0 : i32, i32
  }
  func.func @transform_15(%arg0: i32) -> (i32, i32) {
    %c0_i32 = arith.constant 0 : i32
    %c0_i32_0 = arith.constant 0 : i32
    %c0_i32_1 = arith.constant 0 : i32
    return %c0_i32, %c0_i32_0 : i32, i32
  }
  func.func @transform_16(%arg0: i32) -> (i32, i32) {
    %c0_i32 = arith.constant 0 : i32
    %c0_i32_0 = arith.constant 0 : i32
    %c0_i32_1 = arith.constant 0 : i32
    return %c0_i32, %c0_i32_0 : i32, i32
  }
  func.func @transform_17(%arg0: i32) -> (i32, i32) {
    %c0_i32 = arith.constant 0 : i32
    %c0_i32_0 = arith.constant 0 : i32
    return %arg0, %c0_i32 : i32, i32
  }
}

module attributes {stable_mosaic.version = 14 : i64} {
  func.func @_stats_body(%arg0: i32, %arg1: memref<4096x48xf32, #tpu.memory_space<vmem>>, %arg2: memref<4096x4xf32, #tpu.memory_space<vmem>>, %arg3: memref<48x64xf32, #tpu.memory_space<vmem>>, %arg4: memref<1x64xf32, #tpu.memory_space<vmem>>, %arg5: memref<8x64xf32, #tpu.memory_space<vmem>>) attributes {dimension_semantics = [#tpu.dimension_semantics<arbitrary>], iteration_bounds = array<i64: 128>, scalar_prefetch = 0 : i64, scratch_operands = 0 : i64, tpu.core_type = #tpu.core_type<tc>, window_params = [{transform_indices = @transform_0, window_bounds = array<i64: 4096, 48>}, {transform_indices = @transform_1, window_bounds = array<i64: 4096, 4>}, {pipeline_mode = #tpu.pipeline_mode<synchronous>, transform_indices = @transform_2, window_bounds = array<i64: 48, 64>}, {pipeline_mode = #tpu.pipeline_mode<synchronous>, transform_indices = @transform_3, window_bounds = array<i64: 1, 64>}, {pipeline_mode = #tpu.pipeline_mode<synchronous>, transform_indices = @transform_4, window_bounds = array<i64: 8, 64>}]} {
    %get3A = arith.constant 0 : index
    %get3A_0 = arith.constant 0 : index
    %get3A_1 = vector.load %arg1[%get3A, %get3A_0] : memref<4096x48xf32, #tpu.memory_space<vmem>>, vector<4096x48xf32>
    %get3A_2 = arith.constant 0 : index
    %get3A_3 = arith.constant 0 : index
    %get3A_4 = vector.load %arg2[%get3A_2, %get3A_3] : memref<4096x4xf32, #tpu.memory_space<vmem>>, vector<4096x4xf32>
    %broadcast_in_dim3A = arith.constant 0.000000e+00 : f32
    %broadcast_in_dim3A_5 = vector.broadcast %broadcast_in_dim3A : f32 to vector<4096x32xf32>
    %broadcast_in_dim3A_6 = arith.constant 0.000000e+00 : f32
    %broadcast_in_dim3A_7 = vector.broadcast %broadcast_in_dim3A_6 : f32 to vector<4096x12xf32>
    %concatenate3A = tpu.concatenate %broadcast_in_dim3A_5, %get3A_4, %broadcast_in_dim3A_7 in 1 : vector<4096x32xf32>, vector<4096x4xf32>, vector<4096x12xf32> -> vector<4096x48xf32>
    %sub3A = arith.subf %get3A_1, %concatenate3A : vector<4096x48xf32>
    %get3A_8 = arith.constant 0 : index
    %get3A_9 = arith.constant 0 : index
    %get3A_10 = vector.load %arg3[%get3A_8, %get3A_9] : memref<48x64xf32, #tpu.memory_space<vmem>>, vector<48x64xf32>
    %get3A_11 = arith.constant 0 : index
    %get3A_12 = arith.constant 0 : index
    %get3A_13 = vector.load %arg4[%get3A_11, %get3A_12] : memref<1x64xf32, #tpu.memory_space<vmem>>, vector<1x64xf32>
    %dot_general3A = arith.constant dense<0.000000e+00> : vector<4096x64xf32>
    %dot_general3A_14 = tpu.matmul %sub3A, %get3A_10, %dot_general3A {dimension_numbers = #tpu.dot_dimension_numbers<[1], [0], [0], [1], [0, 0, 1, 1], [], []>, transpose_lhs_hint = false} : vector<4096x48xf32>, vector<48x64xf32>, vector<4096x64xf32> -> vector<4096x64xf32>
    %add3A = vector.broadcast %get3A_13 : vector<1x64xf32> to vector<4096x64xf32>
    %add3A_15 = arith.addf %dot_general3A_14, %add3A : vector<4096x64xf32>
    %reduce_sum3A = arith.constant dense<0.000000e+00> : vector<64xf32>
    %reduce_sum3A_16 = vector.multi_reduction <add>, %add3A_15, %reduce_sum3A [0] : vector<4096x64xf32> to vector<64xf32>
    %broadcast_in_dim3A_17 = vector.shape_cast %reduce_sum3A_16 : vector<64xf32> to vector<1x64xf32>
    %mul3A = arith.mulf %add3A_15, %add3A_15 : vector<4096x64xf32>
    %reduce_sum3A_18 = arith.constant dense<0.000000e+00> : vector<64xf32>
    %reduce_sum3A_19 = vector.multi_reduction <add>, %mul3A, %reduce_sum3A_18 [0] : vector<4096x64xf32> to vector<64xf32>
    %broadcast_in_dim3A_20 = vector.shape_cast %reduce_sum3A_19 : vector<64xf32> to vector<1x64xf32>
    %eq3A = arith.constant 0 : i32
    %eq3A_21 = arith.cmpi eq, %arg0, %eq3A : i32
    %convert_element_type3A = arith.extui %eq3A_21 : i1 to i32
    %cond3A = arith.constant 0 : i32
    %cond3A_22 = arith.cmpi ne, %convert_element_type3A, %cond3A : i32
    scf.if %cond3A_22 {
      %broadcast_in_dim3A_36 = arith.constant 0.000000e+00 : f32
      %broadcast_in_dim3A_37 = vector.broadcast %broadcast_in_dim3A_36 : f32 to vector<8x64xf32>
      %swap3A_38 = arith.constant 0 : index
      %swap3A_39 = arith.constant 0 : index
      %swap3A_40 = vector.load %arg5[%swap3A_38, %swap3A_39] : memref<8x64xf32, #tpu.memory_space<vmem>>, vector<8x64xf32>
      tpu.vector_store %arg5[%swap3A_38, %swap3A_39], %broadcast_in_dim3A_37 {strides = array<i32>} : memref<8x64xf32, #tpu.memory_space<vmem>>, vector<8x64xf32>,
    } else {
    }
    %get3A_23 = arith.constant 0 : index
    %get3A_24 = arith.constant 0 : index
    %get3A_25 = vector.load %arg5[%get3A_23, %get3A_24] : memref<8x64xf32, #tpu.memory_space<vmem>>, vector<1x64xf32>
    %add3A_26 = arith.addf %get3A_25, %broadcast_in_dim3A_17 : vector<1x64xf32>
    %swap3A = arith.constant 0 : index
    %swap3A_27 = arith.constant 0 : index
    %swap3A_28 = vector.load %arg5[%swap3A, %swap3A_27] : memref<8x64xf32, #tpu.memory_space<vmem>>, vector<1x64xf32>
    tpu.vector_store %arg5[%swap3A, %swap3A_27], %add3A_26 {strides = array<i32>} : memref<8x64xf32, #tpu.memory_space<vmem>>, vector<1x64xf32>,
    %get3A_29 = arith.constant 1 : index
    %get3A_30 = arith.constant 0 : index
    %get3A_31 = vector.load %arg5[%get3A_29, %get3A_30] : memref<8x64xf32, #tpu.memory_space<vmem>>, vector<1x64xf32>
    %add3A_32 = arith.addf %get3A_31, %broadcast_in_dim3A_20 : vector<1x64xf32>
    %swap3A_33 = arith.constant 1 : index
    %swap3A_34 = arith.constant 0 : index
    %swap3A_35 = vector.load %arg5[%swap3A_33, %swap3A_34] : memref<8x64xf32, #tpu.memory_space<vmem>>, vector<1x64xf32>
    tpu.vector_store %arg5[%swap3A_33, %swap3A_34], %add3A_32 {strides = array<i32>} : memref<8x64xf32, #tpu.memory_space<vmem>>, vector<1x64xf32>,
    return
  }
  func.func @transform_0(%arg0: i32) -> (i32, i32) {
    %c0_i32 = arith.constant 0 : i32
    %c0_i32_0 = arith.constant 0 : i32
    return %arg0, %c0_i32 : i32, i32
  }
  func.func @transform_1(%arg0: i32) -> (i32, i32) {
    %c0_i32 = arith.constant 0 : i32
    %c0_i32_0 = arith.constant 0 : i32
    return %arg0, %c0_i32 : i32, i32
  }
  func.func @transform_2(%arg0: i32) -> (i32, i32) {
    %c0_i32 = arith.constant 0 : i32
    %c0_i32_0 = arith.constant 0 : i32
    %c0_i32_1 = arith.constant 0 : i32
    return %c0_i32, %c0_i32_0 : i32, i32
  }
  func.func @transform_3(%arg0: i32) -> (i32, i32) {
    %c0_i32 = arith.constant 0 : i32
    %c0_i32_0 = arith.constant 0 : i32
    %c0_i32_1 = arith.constant 0 : i32
    return %c0_i32, %c0_i32_0 : i32, i32
  }
  func.func @transform_4(%arg0: i32) -> (i32, i32) {
    %c0_i32 = arith.constant 0 : i32
    %c0_i32_0 = arith.constant 0 : i32
    %c0_i32_1 = arith.constant 0 : i32
    return %c0_i32, %c0_i32_0 : i32, i32
  }
}

module attributes {stable_mosaic.version = 14 : i64} {
  func.func @_stats_body(%arg0: i32, %arg1: memref<4096x48xf32, #tpu.memory_space<vmem>>, %arg2: memref<4096x4xf32, #tpu.memory_space<vmem>>, %arg3: memref<48x64xf32, #tpu.memory_space<vmem>>, %arg4: memref<1x64xf32, #tpu.memory_space<vmem>>, %arg5: memref<1x64xf32, #tpu.memory_space<vmem>>, %arg6: memref<1x64xf32, #tpu.memory_space<vmem>>, %arg7: memref<8x64xf32, #tpu.memory_space<vmem>>, %arg8: memref<64x96xf32, #tpu.memory_space<vmem>>, %arg9: memref<1x96xf32, #tpu.memory_space<vmem>>, %arg10: memref<8x96xf32, #tpu.memory_space<vmem>>) attributes {dimension_semantics = [#tpu.dimension_semantics<arbitrary>], iteration_bounds = array<i64: 128>, scalar_prefetch = 0 : i64, scratch_operands = 0 : i64, tpu.core_type = #tpu.core_type<tc>, window_params = [{transform_indices = @transform_0, window_bounds = array<i64: 4096, 48>}, {transform_indices = @transform_1, window_bounds = array<i64: 4096, 4>}, {pipeline_mode = #tpu.pipeline_mode<synchronous>, transform_indices = @transform_2, window_bounds = array<i64: 48, 64>}, {pipeline_mode = #tpu.pipeline_mode<synchronous>, transform_indices = @transform_3, window_bounds = array<i64: 1, 64>}, {pipeline_mode = #tpu.pipeline_mode<synchronous>, transform_indices = @transform_4, window_bounds = array<i64: 1, 64>}, {pipeline_mode = #tpu.pipeline_mode<synchronous>, transform_indices = @transform_5, window_bounds = array<i64: 1, 64>}, {pipeline_mode = #tpu.pipeline_mode<synchronous>, transform_indices = @transform_6, window_bounds = array<i64: 8, 64>}, {pipeline_mode = #tpu.pipeline_mode<synchronous>, transform_indices = @transform_7, window_bounds = array<i64: 64, 96>}, {pipeline_mode = #tpu.pipeline_mode<synchronous>, transform_indices = @transform_8, window_bounds = array<i64: 1, 96>}, {pipeline_mode = #tpu.pipeline_mode<synchronous>, transform_indices = @transform_9, window_bounds = array<i64: 8, 96>}]} {
    %get3A = arith.constant 0 : index
    %get3A_0 = arith.constant 0 : index
    %get3A_1 = vector.load %arg1[%get3A, %get3A_0] : memref<4096x48xf32, #tpu.memory_space<vmem>>, vector<4096x48xf32>
    %get3A_2 = arith.constant 0 : index
    %get3A_3 = arith.constant 0 : index
    %get3A_4 = vector.load %arg2[%get3A_2, %get3A_3] : memref<4096x4xf32, #tpu.memory_space<vmem>>, vector<4096x4xf32>
    %broadcast_in_dim3A = arith.constant 0.000000e+00 : f32
    %broadcast_in_dim3A_5 = vector.broadcast %broadcast_in_dim3A : f32 to vector<4096x32xf32>
    %broadcast_in_dim3A_6 = arith.constant 0.000000e+00 : f32
    %broadcast_in_dim3A_7 = vector.broadcast %broadcast_in_dim3A_6 : f32 to vector<4096x12xf32>
    %concatenate3A = tpu.concatenate %broadcast_in_dim3A_5, %get3A_4, %broadcast_in_dim3A_7 in 1 : vector<4096x32xf32>, vector<4096x4xf32>, vector<4096x12xf32> -> vector<4096x48xf32>
    %sub3A = arith.subf %get3A_1, %concatenate3A : vector<4096x48xf32>
    %get3A_8 = arith.constant 0 : index
    %get3A_9 = arith.constant 0 : index
    %get3A_10 = vector.load %arg3[%get3A_8, %get3A_9] : memref<48x64xf32, #tpu.memory_space<vmem>>, vector<48x64xf32>
    %get3A_11 = arith.constant 0 : index
    %get3A_12 = arith.constant 0 : index
    %get3A_13 = vector.load %arg4[%get3A_11, %get3A_12] : memref<1x64xf32, #tpu.memory_space<vmem>>, vector<1x64xf32>
    %dot_general3A = arith.constant dense<0.000000e+00> : vector<4096x64xf32>
    %dot_general3A_14 = tpu.matmul %sub3A, %get3A_10, %dot_general3A {dimension_numbers = #tpu.dot_dimension_numbers<[1], [0], [0], [1], [0, 0, 1, 1], [], []>, transpose_lhs_hint = false} : vector<4096x48xf32>, vector<48x64xf32>, vector<4096x64xf32> -> vector<4096x64xf32>
    %add3A = vector.broadcast %get3A_13 : vector<1x64xf32> to vector<4096x64xf32>
    %add3A_15 = arith.addf %dot_general3A_14, %add3A : vector<4096x64xf32>
    %get3A_16 = arith.constant 0 : index
    %get3A_17 = arith.constant 0 : index
    %get3A_18 = vector.load %arg5[%get3A_16, %get3A_17] : memref<1x64xf32, #tpu.memory_space<vmem>>, vector<1x64xf32>
    %get3A_19 = arith.constant 0 : index
    %get3A_20 = arith.constant 0 : index
    %get3A_21 = vector.load %arg6[%get3A_19, %get3A_20] : memref<1x64xf32, #tpu.memory_space<vmem>>, vector<1x64xf32>
    %get3A_22 = arith.constant 0 : index
    %get3A_23 = arith.constant 0 : index
    %get3A_24 = vector.load %arg7[%get3A_22, %get3A_23] : memref<8x64xf32, #tpu.memory_space<vmem>>, vector<8x64xf32>
    %slice3A = vector.extract_strided_slice %get3A_24 {offsets = [0, 0], sizes = [1, 64], strides = [1, 1]} : vector<8x64xf32> to vector<1x64xf32>
    %div3A = arith.constant 5.242880e+05 : f32
    %div3A_25 = vector.broadcast %div3A : f32 to vector<1x64xf32>
    %div3A_26 = arith.divf %slice3A, %div3A_25 : vector<1x64xf32>
    %slice3A_27 = vector.extract_strided_slice %get3A_24 {offsets = [1, 0], sizes = [1, 64], strides = [1, 1]} : vector<8x64xf32> to vector<1x64xf32>
    %div3A_28 = arith.constant 5.242880e+05 : f32
    %div3A_29 = vector.broadcast %div3A_28 : f32 to vector<1x64xf32>
    %div3A_30 = arith.divf %slice3A_27, %div3A_29 : vector<1x64xf32>
    %mul3A = arith.mulf %div3A_26, %div3A_26 : vector<1x64xf32>
    %sub3A_31 = arith.subf %div3A_30, %mul3A : vector<1x64xf32>
    %max3A = arith.constant 0.000000e+00 : f32
    %max3A_32 = vector.broadcast %max3A : f32 to vector<1x64xf32>
    %max3A_33 = arith.maximumf %sub3A_31, %max3A_32 : vector<1x64xf32>
    %add3A_34 = arith.constant 9.99999974E-6 : f32
    %add3A_35 = vector.broadcast %add3A_34 : f32 to vector<1x64xf32>
    %add3A_36 = arith.addf %max3A_33, %add3A_35 : vector<1x64xf32>
    %rsqrt3A = math.rsqrt %add3A_36 : vector<1x64xf32>
    %sub3A_37 = vector.broadcast %div3A_26 : vector<1x64xf32> to vector<4096x64xf32>
    %sub3A_38 = arith.subf %add3A_15, %sub3A_37 : vector<4096x64xf32>
    %mul3A_39 = vector.broadcast %rsqrt3A : vector<1x64xf32> to vector<4096x64xf32>
    %mul3A_40 = arith.mulf %sub3A_38, %mul3A_39 : vector<4096x64xf32>
    %mul3A_41 = vector.broadcast %get3A_18 : vector<1x64xf32> to vector<4096x64xf32>
    %mul3A_42 = arith.mulf %mul3A_40, %mul3A_41 : vector<4096x64xf32>
    %add3A_43 = vector.broadcast %get3A_21 : vector<1x64xf32> to vector<4096x64xf32>
    %add3A_44 = arith.addf %mul3A_42, %add3A_43 : vector<4096x64xf32>
    %max3A_45 = arith.constant 0.000000e+00 : f32
    %max3A_46 = vector.broadcast %max3A_45 : f32 to vector<4096x64xf32>
    %max3A_47 = arith.maximumf %add3A_44, %max3A_46 : vector<4096x64xf32>
    %get3A_48 = arith.constant 0 : index
    %get3A_49 = arith.constant 0 : index
    %get3A_50 = vector.load %arg8[%get3A_48, %get3A_49] : memref<64x96xf32, #tpu.memory_space<vmem>>, vector<64x96xf32>
    %get3A_51 = arith.constant 0 : index
    %get3A_52 = arith.constant 0 : index
    %get3A_53 = vector.load %arg9[%get3A_51, %get3A_52] : memref<1x96xf32, #tpu.memory_space<vmem>>, vector<1x96xf32>
    %dot_general3A_54 = arith.constant dense<0.000000e+00> : vector<4096x96xf32>
    %dot_general3A_55 = tpu.matmul %max3A_47, %get3A_50, %dot_general3A_54 {dimension_numbers = #tpu.dot_dimension_numbers<[1], [0], [0], [1], [0, 0, 1, 1], [], []>, transpose_lhs_hint = false} : vector<4096x64xf32>, vector<64x96xf32>, vector<4096x96xf32> -> vector<4096x96xf32>
    %add3A_56 = vector.broadcast %get3A_53 : vector<1x96xf32> to vector<4096x96xf32>
    %add3A_57 = arith.addf %dot_general3A_55, %add3A_56 : vector<4096x96xf32>
    %reduce_sum3A = arith.constant dense<0.000000e+00> : vector<96xf32>
    %reduce_sum3A_58 = vector.multi_reduction <add>, %add3A_57, %reduce_sum3A [0] : vector<4096x96xf32> to vector<96xf32>
    %broadcast_in_dim3A_59 = vector.shape_cast %reduce_sum3A_58 : vector<96xf32> to vector<1x96xf32>
    %mul3A_60 = arith.mulf %add3A_57, %add3A_57 : vector<4096x96xf32>
    %reduce_sum3A_61 = arith.constant dense<0.000000e+00> : vector<96xf32>
    %reduce_sum3A_62 = vector.multi_reduction <add>, %mul3A_60, %reduce_sum3A_61 [0] : vector<4096x96xf32> to vector<96xf32>
    %broadcast_in_dim3A_63 = vector.shape_cast %reduce_sum3A_62 : vector<96xf32> to vector<1x96xf32>
    %eq3A = arith.constant 0 : i32
    %eq3A_64 = arith.cmpi eq, %arg0, %eq3A : i32
    %convert_element_type3A = arith.extui %eq3A_64 : i1 to i32
    %cond3A = arith.constant 0 : i32
    %cond3A_65 = arith.cmpi ne, %convert_element_type3A, %cond3A : i32
    scf.if %cond3A_65 {
      %broadcast_in_dim3A_79 = arith.constant 0.000000e+00 : f32
      %broadcast_in_dim3A_80 = vector.broadcast %broadcast_in_dim3A_79 : f32 to vector<8x96xf32>
      %swap3A_81 = arith.constant 0 : index
      %swap3A_82 = arith.constant 0 : index
      %swap3A_83 = vector.load %arg10[%swap3A_81, %swap3A_82] : memref<8x96xf32, #tpu.memory_space<vmem>>, vector<8x96xf32>
      tpu.vector_store %arg10[%swap3A_81, %swap3A_82], %broadcast_in_dim3A_80 {strides = array<i32>} : memref<8x96xf32, #tpu.memory_space<vmem>>, vector<8x96xf32>,
    } else {
    }
    %get3A_66 = arith.constant 0 : index
    %get3A_67 = arith.constant 0 : index
    %get3A_68 = vector.load %arg10[%get3A_66, %get3A_67] : memref<8x96xf32, #tpu.memory_space<vmem>>, vector<1x96xf32>
    %add3A_69 = arith.addf %get3A_68, %broadcast_in_dim3A_59 : vector<1x96xf32>
    %swap3A = arith.constant 0 : index
    %swap3A_70 = arith.constant 0 : index
    %swap3A_71 = vector.load %arg10[%swap3A, %swap3A_70] : memref<8x96xf32, #tpu.memory_space<vmem>>, vector<1x96xf32>
    tpu.vector_store %arg10[%swap3A, %swap3A_70], %add3A_69 {strides = array<i32>} : memref<8x96xf32, #tpu.memory_space<vmem>>, vector<1x96xf32>,
    %get3A_72 = arith.constant 1 : index
    %get3A_73 = arith.constant 0 : index
    %get3A_74 = vector.load %arg10[%get3A_72, %get3A_73] : memref<8x96xf32, #tpu.memory_space<vmem>>, vector<1x96xf32>
    %add3A_75 = arith.addf %get3A_74, %broadcast_in_dim3A_63 : vector<1x96xf32>
    %swap3A_76 = arith.constant 1 : index
    %swap3A_77 = arith.constant 0 : index
    %swap3A_78 = vector.load %arg10[%swap3A_76, %swap3A_77] : memref<8x96xf32, #tpu.memory_space<vmem>>, vector<1x96xf32>
    tpu.vector_store %arg10[%swap3A_76, %swap3A_77], %add3A_75 {strides = array<i32>} : memref<8x96xf32, #tpu.memory_space<vmem>>, vector<1x96xf32>,
    return
  }
  func.func @transform_0(%arg0: i32) -> (i32, i32) {
    %c0_i32 = arith.constant 0 : i32
    %c0_i32_0 = arith.constant 0 : i32
    return %arg0, %c0_i32 : i32, i32
  }
  func.func @transform_1(%arg0: i32) -> (i32, i32) {
    %c0_i32 = arith.constant 0 : i32
    %c0_i32_0 = arith.constant 0 : i32
    return %arg0, %c0_i32 : i32, i32
  }
  func.func @transform_2(%arg0: i32) -> (i32, i32) {
    %c0_i32 = arith.constant 0 : i32
    %c0_i32_0 = arith.constant 0 : i32
    %c0_i32_1 = arith.constant 0 : i32
    return %c0_i32, %c0_i32_0 : i32, i32
  }
  func.func @transform_3(%arg0: i32) -> (i32, i32) {
    %c0_i32 = arith.constant 0 : i32
    %c0_i32_0 = arith.constant 0 : i32
    %c0_i32_1 = arith.constant 0 : i32
    return %c0_i32, %c0_i32_0 : i32, i32
  }
  func.func @transform_4(%arg0: i32) -> (i32, i32) {
    %c0_i32 = arith.constant 0 : i32
    %c0_i32_0 = arith.constant 0 : i32
    %c0_i32_1 = arith.constant 0 : i32
    return %c0_i32, %c0_i32_0 : i32, i32
  }
  func.func @transform_5(%arg0: i32) -> (i32, i32) {
    %c0_i32 = arith.constant 0 : i32
    %c0_i32_0 = arith.constant 0 : i32
    %c0_i32_1 = arith.constant 0 : i32
    return %c0_i32, %c0_i32_0 : i32, i32
  }
  func.func @transform_6(%arg0: i32) -> (i32, i32) {
    %c0_i32 = arith.constant 0 : i32
    %c0_i32_0 = arith.constant 0 : i32
    %c0_i32_1 = arith.constant 0 : i32
    return %c0_i32, %c0_i32_0 : i32, i32
  }
  func.func @transform_7(%arg0: i32) -> (i32, i32) {
    %c0_i32 = arith.constant 0 : i32
    %c0_i32_0 = arith.constant 0 : i32
    %c0_i32_1 = arith.constant 0 : i32
    return %c0_i32, %c0_i32_0 : i32, i32
  }
  func.func @transform_8(%arg0: i32) -> (i32, i32) {
    %c0_i32 = arith.constant 0 : i32
    %c0_i32_0 = arith.constant 0 : i32
    %c0_i32_1 = arith.constant 0 : i32
    return %c0_i32, %c0_i32_0 : i32, i32
  }
  func.func @transform_9(%arg0: i32) -> (i32, i32) {
    %c0_i32 = arith.constant 0 : i32
    %c0_i32_0 = arith.constant 0 : i32
    %c0_i32_1 = arith.constant 0 : i32
    return %c0_i32, %c0_i32_0 : i32, i32
  }
}

module attributes {stable_mosaic.version = 14 : i64} {
  func.func @_stats_body(%arg0: i32, %arg1: memref<4096x48xf32, #tpu.memory_space<vmem>>, %arg2: memref<4096x4xf32, #tpu.memory_space<vmem>>, %arg3: memref<48x64xf32, #tpu.memory_space<vmem>>, %arg4: memref<1x64xf32, #tpu.memory_space<vmem>>, %arg5: memref<1x64xf32, #tpu.memory_space<vmem>>, %arg6: memref<1x64xf32, #tpu.memory_space<vmem>>, %arg7: memref<8x64xf32, #tpu.memory_space<vmem>>, %arg8: memref<64x96xf32, #tpu.memory_space<vmem>>, %arg9: memref<1x96xf32, #tpu.memory_space<vmem>>, %arg10: memref<1x96xf32, #tpu.memory_space<vmem>>, %arg11: memref<1x96xf32, #tpu.memory_space<vmem>>, %arg12: memref<8x96xf32, #tpu.memory_space<vmem>>, %arg13: memref<96x128xf32, #tpu.memory_space<vmem>>, %arg14: memref<1x128xf32, #tpu.memory_space<vmem>>, %arg15: memref<8x128xf32, #tpu.memory_space<vmem>>) attributes {dimension_semantics = [#tpu.dimension_semantics<arbitrary>], iteration_bounds = array<i64: 128>, scalar_prefetch = 0 : i64, scratch_operands = 0 : i64, tpu.core_type = #tpu.core_type<tc>, window_params = [{transform_indices = @transform_0, window_bounds = array<i64: 4096, 48>}, {transform_indices = @transform_1, window_bounds = array<i64: 4096, 4>}, {pipeline_mode = #tpu.pipeline_mode<synchronous>, transform_indices = @transform_2, window_bounds = array<i64: 48, 64>}, {pipeline_mode = #tpu.pipeline_mode<synchronous>, transform_indices = @transform_3, window_bounds = array<i64: 1, 64>}, {pipeline_mode = #tpu.pipeline_mode<synchronous>, transform_indices = @transform_4, window_bounds = array<i64: 1, 64>}, {pipeline_mode = #tpu.pipeline_mode<synchronous>, transform_indices = @transform_5, window_bounds = array<i64: 1, 64>}, {pipeline_mode = #tpu.pipeline_mode<synchronous>, transform_indices = @transform_6, window_bounds = array<i64: 8, 64>}, {pipeline_mode = #tpu.pipeline_mode<synchronous>, transform_indices = @transform_7, window_bounds = array<i64: 64, 96>}, {pipeline_mode = #tpu.pipeline_mode<synchronous>, transform_indices = @transform_8, window_bounds = array<i64: 1, 96>}, {pipeline_mode = #tpu.pipeline_mode<synchronous>, transform_indices = @transform_9, window_bounds = array<i64: 1, 96>}, {pipeline_mode = #tpu.pipeline_mode<synchronous>, transform_indices = @transform_10, window_bounds = array<i64: 1, 96>}, {pipeline_mode = #tpu.pipeline_mode<synchronous>, transform_indices = @transform_11, window_bounds = array<i64: 8, 96>}, {pipeline_mode = #tpu.pipeline_mode<synchronous>, transform_indices = @transform_12, window_bounds = array<i64: 96, 128>}, {pipeline_mode = #tpu.pipeline_mode<synchronous>, transform_indices = @transform_13, window_bounds = array<i64: 1, 128>}, {pipeline_mode = #tpu.pipeline_mode<synchronous>, transform_indices = @transform_14, window_bounds = array<i64: 8, 128>}]} {
    %get3A = arith.constant 0 : index
    %get3A_0 = arith.constant 0 : index
    %get3A_1 = vector.load %arg1[%get3A, %get3A_0] : memref<4096x48xf32, #tpu.memory_space<vmem>>, vector<4096x48xf32>
    %get3A_2 = arith.constant 0 : index
    %get3A_3 = arith.constant 0 : index
    %get3A_4 = vector.load %arg2[%get3A_2, %get3A_3] : memref<4096x4xf32, #tpu.memory_space<vmem>>, vector<4096x4xf32>
    %broadcast_in_dim3A = arith.constant 0.000000e+00 : f32
    %broadcast_in_dim3A_5 = vector.broadcast %broadcast_in_dim3A : f32 to vector<4096x32xf32>
    %broadcast_in_dim3A_6 = arith.constant 0.000000e+00 : f32
    %broadcast_in_dim3A_7 = vector.broadcast %broadcast_in_dim3A_6 : f32 to vector<4096x12xf32>
    %concatenate3A = tpu.concatenate %broadcast_in_dim3A_5, %get3A_4, %broadcast_in_dim3A_7 in 1 : vector<4096x32xf32>, vector<4096x4xf32>, vector<4096x12xf32> -> vector<4096x48xf32>
    %sub3A = arith.subf %get3A_1, %concatenate3A : vector<4096x48xf32>
    %get3A_8 = arith.constant 0 : index
    %get3A_9 = arith.constant 0 : index
    %get3A_10 = vector.load %arg3[%get3A_8, %get3A_9] : memref<48x64xf32, #tpu.memory_space<vmem>>, vector<48x64xf32>
    %get3A_11 = arith.constant 0 : index
    %get3A_12 = arith.constant 0 : index
    %get3A_13 = vector.load %arg4[%get3A_11, %get3A_12] : memref<1x64xf32, #tpu.memory_space<vmem>>, vector<1x64xf32>
    %dot_general3A = arith.constant dense<0.000000e+00> : vector<4096x64xf32>
    %dot_general3A_14 = tpu.matmul %sub3A, %get3A_10, %dot_general3A {dimension_numbers = #tpu.dot_dimension_numbers<[1], [0], [0], [1], [0, 0, 1, 1], [], []>, transpose_lhs_hint = false} : vector<4096x48xf32>, vector<48x64xf32>, vector<4096x64xf32> -> vector<4096x64xf32>
    %add3A = vector.broadcast %get3A_13 : vector<1x64xf32> to vector<4096x64xf32>
    %add3A_15 = arith.addf %dot_general3A_14, %add3A : vector<4096x64xf32>
    %get3A_16 = arith.constant 0 : index
    %get3A_17 = arith.constant 0 : index
    %get3A_18 = vector.load %arg5[%get3A_16, %get3A_17] : memref<1x64xf32, #tpu.memory_space<vmem>>, vector<1x64xf32>
    %get3A_19 = arith.constant 0 : index
    %get3A_20 = arith.constant 0 : index
    %get3A_21 = vector.load %arg6[%get3A_19, %get3A_20] : memref<1x64xf32, #tpu.memory_space<vmem>>, vector<1x64xf32>
    %get3A_22 = arith.constant 0 : index
    %get3A_23 = arith.constant 0 : index
    %get3A_24 = vector.load %arg7[%get3A_22, %get3A_23] : memref<8x64xf32, #tpu.memory_space<vmem>>, vector<8x64xf32>
    %slice3A = vector.extract_strided_slice %get3A_24 {offsets = [0, 0], sizes = [1, 64], strides = [1, 1]} : vector<8x64xf32> to vector<1x64xf32>
    %div3A = arith.constant 5.242880e+05 : f32
    %div3A_25 = vector.broadcast %div3A : f32 to vector<1x64xf32>
    %div3A_26 = arith.divf %slice3A, %div3A_25 : vector<1x64xf32>
    %slice3A_27 = vector.extract_strided_slice %get3A_24 {offsets = [1, 0], sizes = [1, 64], strides = [1, 1]} : vector<8x64xf32> to vector<1x64xf32>
    %div3A_28 = arith.constant 5.242880e+05 : f32
    %div3A_29 = vector.broadcast %div3A_28 : f32 to vector<1x64xf32>
    %div3A_30 = arith.divf %slice3A_27, %div3A_29 : vector<1x64xf32>
    %mul3A = arith.mulf %div3A_26, %div3A_26 : vector<1x64xf32>
    %sub3A_31 = arith.subf %div3A_30, %mul3A : vector<1x64xf32>
    %max3A = arith.constant 0.000000e+00 : f32
    %max3A_32 = vector.broadcast %max3A : f32 to vector<1x64xf32>
    %max3A_33 = arith.maximumf %sub3A_31, %max3A_32 : vector<1x64xf32>
    %add3A_34 = arith.constant 9.99999974E-6 : f32
    %add3A_35 = vector.broadcast %add3A_34 : f32 to vector<1x64xf32>
    %add3A_36 = arith.addf %max3A_33, %add3A_35 : vector<1x64xf32>
    %rsqrt3A = math.rsqrt %add3A_36 : vector<1x64xf32>
    %sub3A_37 = vector.broadcast %div3A_26 : vector<1x64xf32> to vector<4096x64xf32>
    %sub3A_38 = arith.subf %add3A_15, %sub3A_37 : vector<4096x64xf32>
    %mul3A_39 = vector.broadcast %rsqrt3A : vector<1x64xf32> to vector<4096x64xf32>
    %mul3A_40 = arith.mulf %sub3A_38, %mul3A_39 : vector<4096x64xf32>
    %mul3A_41 = vector.broadcast %get3A_18 : vector<1x64xf32> to vector<4096x64xf32>
    %mul3A_42 = arith.mulf %mul3A_40, %mul3A_41 : vector<4096x64xf32>
    %add3A_43 = vector.broadcast %get3A_21 : vector<1x64xf32> to vector<4096x64xf32>
    %add3A_44 = arith.addf %mul3A_42, %add3A_43 : vector<4096x64xf32>
    %max3A_45 = arith.constant 0.000000e+00 : f32
    %max3A_46 = vector.broadcast %max3A_45 : f32 to vector<4096x64xf32>
    %max3A_47 = arith.maximumf %add3A_44, %max3A_46 : vector<4096x64xf32>
    %get3A_48 = arith.constant 0 : index
    %get3A_49 = arith.constant 0 : index
    %get3A_50 = vector.load %arg8[%get3A_48, %get3A_49] : memref<64x96xf32, #tpu.memory_space<vmem>>, vector<64x96xf32>
    %get3A_51 = arith.constant 0 : index
    %get3A_52 = arith.constant 0 : index
    %get3A_53 = vector.load %arg9[%get3A_51, %get3A_52] : memref<1x96xf32, #tpu.memory_space<vmem>>, vector<1x96xf32>
    %dot_general3A_54 = arith.constant dense<0.000000e+00> : vector<4096x96xf32>
    %dot_general3A_55 = tpu.matmul %max3A_47, %get3A_50, %dot_general3A_54 {dimension_numbers = #tpu.dot_dimension_numbers<[1], [0], [0], [1], [0, 0, 1, 1], [], []>, transpose_lhs_hint = false} : vector<4096x64xf32>, vector<64x96xf32>, vector<4096x96xf32> -> vector<4096x96xf32>
    %add3A_56 = vector.broadcast %get3A_53 : vector<1x96xf32> to vector<4096x96xf32>
    %add3A_57 = arith.addf %dot_general3A_55, %add3A_56 : vector<4096x96xf32>
    %get3A_58 = arith.constant 0 : index
    %get3A_59 = arith.constant 0 : index
    %get3A_60 = vector.load %arg10[%get3A_58, %get3A_59] : memref<1x96xf32, #tpu.memory_space<vmem>>, vector<1x96xf32>
    %get3A_61 = arith.constant 0 : index
    %get3A_62 = arith.constant 0 : index
    %get3A_63 = vector.load %arg11[%get3A_61, %get3A_62] : memref<1x96xf32, #tpu.memory_space<vmem>>, vector<1x96xf32>
    %get3A_64 = arith.constant 0 : index
    %get3A_65 = arith.constant 0 : index
    %get3A_66 = vector.load %arg12[%get3A_64, %get3A_65] : memref<8x96xf32, #tpu.memory_space<vmem>>, vector<8x96xf32>
    %slice3A_67 = vector.extract_strided_slice %get3A_66 {offsets = [0, 0], sizes = [1, 96], strides = [1, 1]} : vector<8x96xf32> to vector<1x96xf32>
    %div3A_68 = arith.constant 5.242880e+05 : f32
    %div3A_69 = vector.broadcast %div3A_68 : f32 to vector<1x96xf32>
    %div3A_70 = arith.divf %slice3A_67, %div3A_69 : vector<1x96xf32>
    %slice3A_71 = vector.extract_strided_slice %get3A_66 {offsets = [1, 0], sizes = [1, 96], strides = [1, 1]} : vector<8x96xf32> to vector<1x96xf32>
    %div3A_72 = arith.constant 5.242880e+05 : f32
    %div3A_73 = vector.broadcast %div3A_72 : f32 to vector<1x96xf32>
    %div3A_74 = arith.divf %slice3A_71, %div3A_73 : vector<1x96xf32>
    %mul3A_75 = arith.mulf %div3A_70, %div3A_70 : vector<1x96xf32>
    %sub3A_76 = arith.subf %div3A_74, %mul3A_75 : vector<1x96xf32>
    %max3A_77 = arith.constant 0.000000e+00 : f32
    %max3A_78 = vector.broadcast %max3A_77 : f32 to vector<1x96xf32>
    %max3A_79 = arith.maximumf %sub3A_76, %max3A_78 : vector<1x96xf32>
    %add3A_80 = arith.constant 9.99999974E-6 : f32
    %add3A_81 = vector.broadcast %add3A_80 : f32 to vector<1x96xf32>
    %add3A_82 = arith.addf %max3A_79, %add3A_81 : vector<1x96xf32>
    %rsqrt3A_83 = math.rsqrt %add3A_82 : vector<1x96xf32>
    %sub3A_84 = vector.broadcast %div3A_70 : vector<1x96xf32> to vector<4096x96xf32>
    %sub3A_85 = arith.subf %add3A_57, %sub3A_84 : vector<4096x96xf32>
    %mul3A_86 = vector.broadcast %rsqrt3A_83 : vector<1x96xf32> to vector<4096x96xf32>
    %mul3A_87 = arith.mulf %sub3A_85, %mul3A_86 : vector<4096x96xf32>
    %mul3A_88 = vector.broadcast %get3A_60 : vector<1x96xf32> to vector<4096x96xf32>
    %mul3A_89 = arith.mulf %mul3A_87, %mul3A_88 : vector<4096x96xf32>
    %add3A_90 = vector.broadcast %get3A_63 : vector<1x96xf32> to vector<4096x96xf32>
    %add3A_91 = arith.addf %mul3A_89, %add3A_90 : vector<4096x96xf32>
    %max3A_92 = arith.constant 0.000000e+00 : f32
    %max3A_93 = vector.broadcast %max3A_92 : f32 to vector<4096x96xf32>
    %max3A_94 = arith.maximumf %add3A_91, %max3A_93 : vector<4096x96xf32>
    %get3A_95 = arith.constant 0 : index
    %get3A_96 = arith.constant 0 : index
    %get3A_97 = vector.load %arg13[%get3A_95, %get3A_96] : memref<96x128xf32, #tpu.memory_space<vmem>>, vector<96x128xf32>
    %get3A_98 = arith.constant 0 : index
    %get3A_99 = arith.constant 0 : index
    %get3A_100 = vector.load %arg14[%get3A_98, %get3A_99] : memref<1x128xf32, #tpu.memory_space<vmem>>, vector<1x128xf32>
    %dot_general3A_101 = arith.constant dense<0.000000e+00> : vector<4096x128xf32>
    %dot_general3A_102 = tpu.matmul %max3A_94, %get3A_97, %dot_general3A_101 {dimension_numbers = #tpu.dot_dimension_numbers<[1], [0], [0], [1], [0, 0, 1, 1], [], []>, transpose_lhs_hint = false} : vector<4096x96xf32>, vector<96x128xf32>, vector<4096x128xf32> -> vector<4096x128xf32>
    %add3A_103 = vector.broadcast %get3A_100 : vector<1x128xf32> to vector<4096x128xf32>
    %add3A_104 = arith.addf %dot_general3A_102, %add3A_103 : vector<4096x128xf32>
    %reduce_sum3A = arith.constant dense<0.000000e+00> : vector<128xf32>
    %reduce_sum3A_105 = vector.multi_reduction <add>, %add3A_104, %reduce_sum3A [0] : vector<4096x128xf32> to vector<128xf32>
    %broadcast_in_dim3A_106 = vector.shape_cast %reduce_sum3A_105 : vector<128xf32> to vector<1x128xf32>
    %mul3A_107 = arith.mulf %add3A_104, %add3A_104 : vector<4096x128xf32>
    %reduce_sum3A_108 = arith.constant dense<0.000000e+00> : vector<128xf32>
    %reduce_sum3A_109 = vector.multi_reduction <add>, %mul3A_107, %reduce_sum3A_108 [0] : vector<4096x128xf32> to vector<128xf32>
    %broadcast_in_dim3A_110 = vector.shape_cast %reduce_sum3A_109 : vector<128xf32> to vector<1x128xf32>
    %eq3A = arith.constant 0 : i32
    %eq3A_111 = arith.cmpi eq, %arg0, %eq3A : i32
    %convert_element_type3A = arith.extui %eq3A_111 : i1 to i32
    %cond3A = arith.constant 0 : i32
    %cond3A_112 = arith.cmpi ne, %convert_element_type3A, %cond3A : i32
    scf.if %cond3A_112 {
      %broadcast_in_dim3A_126 = arith.constant 0.000000e+00 : f32
      %broadcast_in_dim3A_127 = vector.broadcast %broadcast_in_dim3A_126 : f32 to vector<8x128xf32>
      %swap3A_128 = arith.constant 0 : index
      %swap3A_129 = arith.constant 0 : index
      %swap3A_130 = vector.load %arg15[%swap3A_128, %swap3A_129] : memref<8x128xf32, #tpu.memory_space<vmem>>, vector<8x128xf32>
      tpu.vector_store %arg15[%swap3A_128, %swap3A_129], %broadcast_in_dim3A_127 {strides = array<i32>} : memref<8x128xf32, #tpu.memory_space<vmem>>, vector<8x128xf32>,
    } else {
    }
    %get3A_113 = arith.constant 0 : index
    %get3A_114 = arith.constant 0 : index
    %get3A_115 = vector.load %arg15[%get3A_113, %get3A_114] : memref<8x128xf32, #tpu.memory_space<vmem>>, vector<1x128xf32>
    %add3A_116 = arith.addf %get3A_115, %broadcast_in_dim3A_106 : vector<1x128xf32>
    %swap3A = arith.constant 0 : index
    %swap3A_117 = arith.constant 0 : index
    %swap3A_118 = vector.load %arg15[%swap3A, %swap3A_117] : memref<8x128xf32, #tpu.memory_space<vmem>>, vector<1x128xf32>
    tpu.vector_store %arg15[%swap3A, %swap3A_117], %add3A_116 {strides = array<i32>} : memref<8x128xf32, #tpu.memory_space<vmem>>, vector<1x128xf32>,
    %get3A_119 = arith.constant 1 : index
    %get3A_120 = arith.constant 0 : index
    %get3A_121 = vector.load %arg15[%get3A_119, %get3A_120] : memref<8x128xf32, #tpu.memory_space<vmem>>, vector<1x128xf32>
    %add3A_122 = arith.addf %get3A_121, %broadcast_in_dim3A_110 : vector<1x128xf32>
    %swap3A_123 = arith.constant 1 : index
    %swap3A_124 = arith.constant 0 : index
    %swap3A_125 = vector.load %arg15[%swap3A_123, %swap3A_124] : memref<8x128xf32, #tpu.memory_space<vmem>>, vector<1x128xf32>
    tpu.vector_store %arg15[%swap3A_123, %swap3A_124], %add3A_122 {strides = array<i32>} : memref<8x128xf32, #tpu.memory_space<vmem>>, vector<1x128xf32>,
    return
  }
  func.func @transform_0(%arg0: i32) -> (i32, i32) {
    %c0_i32 = arith.constant 0 : i32
    %c0_i32_0 = arith.constant 0 : i32
    return %arg0, %c0_i32 : i32, i32
  }
  func.func @transform_1(%arg0: i32) -> (i32, i32) {
    %c0_i32 = arith.constant 0 : i32
    %c0_i32_0 = arith.constant 0 : i32
    return %arg0, %c0_i32 : i32, i32
  }
  func.func @transform_2(%arg0: i32) -> (i32, i32) {
    %c0_i32 = arith.constant 0 : i32
    %c0_i32_0 = arith.constant 0 : i32
    %c0_i32_1 = arith.constant 0 : i32
    return %c0_i32, %c0_i32_0 : i32, i32
  }
  func.func @transform_3(%arg0: i32) -> (i32, i32) {
    %c0_i32 = arith.constant 0 : i32
    %c0_i32_0 = arith.constant 0 : i32
    %c0_i32_1 = arith.constant 0 : i32
    return %c0_i32, %c0_i32_0 : i32, i32
  }
  func.func @transform_4(%arg0: i32) -> (i32, i32) {
    %c0_i32 = arith.constant 0 : i32
    %c0_i32_0 = arith.constant 0 : i32
    %c0_i32_1 = arith.constant 0 : i32
    return %c0_i32, %c0_i32_0 : i32, i32
  }
  func.func @transform_5(%arg0: i32) -> (i32, i32) {
    %c0_i32 = arith.constant 0 : i32
    %c0_i32_0 = arith.constant 0 : i32
    %c0_i32_1 = arith.constant 0 : i32
    return %c0_i32, %c0_i32_0 : i32, i32
  }
  func.func @transform_6(%arg0: i32) -> (i32, i32) {
    %c0_i32 = arith.constant 0 : i32
    %c0_i32_0 = arith.constant 0 : i32
    %c0_i32_1 = arith.constant 0 : i32
    return %c0_i32, %c0_i32_0 : i32, i32
  }
  func.func @transform_7(%arg0: i32) -> (i32, i32) {
    %c0_i32 = arith.constant 0 : i32
    %c0_i32_0 = arith.constant 0 : i32
    %c0_i32_1 = arith.constant 0 : i32
    return %c0_i32, %c0_i32_0 : i32, i32
  }
  func.func @transform_8(%arg0: i32) -> (i32, i32) {
    %c0_i32 = arith.constant 0 : i32
    %c0_i32_0 = arith.constant 0 : i32
    %c0_i32_1 = arith.constant 0 : i32
    return %c0_i32, %c0_i32_0 : i32, i32
  }
  func.func @transform_9(%arg0: i32) -> (i32, i32) {
    %c0_i32 = arith.constant 0 : i32
    %c0_i32_0 = arith.constant 0 : i32
    %c0_i32_1 = arith.constant 0 : i32
    return %c0_i32, %c0_i32_0 : i32, i32
  }
  func.func @transform_10(%arg0: i32) -> (i32, i32) {
    %c0_i32 = arith.constant 0 : i32
    %c0_i32_0 = arith.constant 0 : i32
    %c0_i32_1 = arith.constant 0 : i32
    return %c0_i32, %c0_i32_0 : i32, i32
  }
  func.func @transform_11(%arg0: i32) -> (i32, i32) {
    %c0_i32 = arith.constant 0 : i32
    %c0_i32_0 = arith.constant 0 : i32
    %c0_i32_1 = arith.constant 0 : i32
    return %c0_i32, %c0_i32_0 : i32, i32
  }
  func.func @transform_12(%arg0: i32) -> (i32, i32) {
    %c0_i32 = arith.constant 0 : i32
    %c0_i32_0 = arith.constant 0 : i32
    %c0_i32_1 = arith.constant 0 : i32
    return %c0_i32, %c0_i32_0 : i32, i32
  }
  func.func @transform_13(%arg0: i32) -> (i32, i32) {
    %c0_i32 = arith.constant 0 : i32
    %c0_i32_0 = arith.constant 0 : i32
    %c0_i32_1 = arith.constant 0 : i32
    return %c0_i32, %c0_i32_0 : i32, i32
  }
  func.func @transform_14(%arg0: i32) -> (i32, i32) {
    %c0_i32 = arith.constant 0 : i32
    %c0_i32_0 = arith.constant 0 : i32
    %c0_i32_1 = arith.constant 0 : i32
    return %c0_i32, %c0_i32_0 : i32, i32
  }
}

module attributes {stable_mosaic.version = 14 : i64} {
  func.func @_final_body(%arg0: i32, %arg1: memref<4096x48xf32, #tpu.memory_space<vmem>>, %arg2: memref<4096x4xf32, #tpu.memory_space<vmem>>, %arg3: memref<48x64xf32, #tpu.memory_space<vmem>>, %arg4: memref<1x64xf32, #tpu.memory_space<vmem>>, %arg5: memref<1x64xf32, #tpu.memory_space<vmem>>, %arg6: memref<1x64xf32, #tpu.memory_space<vmem>>, %arg7: memref<8x64xf32, #tpu.memory_space<vmem>>, %arg8: memref<64x96xf32, #tpu.memory_space<vmem>>, %arg9: memref<1x96xf32, #tpu.memory_space<vmem>>, %arg10: memref<1x96xf32, #tpu.memory_space<vmem>>, %arg11: memref<1x96xf32, #tpu.memory_space<vmem>>, %arg12: memref<8x96xf32, #tpu.memory_space<vmem>>, %arg13: memref<96x128xf32, #tpu.memory_space<vmem>>, %arg14: memref<1x128xf32, #tpu.memory_space<vmem>>, %arg15: memref<1x128xf32, #tpu.memory_space<vmem>>, %arg16: memref<1x128xf32, #tpu.memory_space<vmem>>, %arg17: memref<8x128xf32, #tpu.memory_space<vmem>>, %arg18: memref<64x128xf32, #tpu.memory_space<vmem>>) attributes {dimension_semantics = [#tpu.dimension_semantics<arbitrary>], iteration_bounds = array<i64: 128>, scalar_prefetch = 0 : i64, scratch_operands = 0 : i64, tpu.core_type = #tpu.core_type<tc>, window_params = [{transform_indices = @transform_0, window_bounds = array<i64: 4096, 48>}, {transform_indices = @transform_1, window_bounds = array<i64: 4096, 4>}, {pipeline_mode = #tpu.pipeline_mode<synchronous>, transform_indices = @transform_2, window_bounds = array<i64: 48, 64>}, {pipeline_mode = #tpu.pipeline_mode<synchronous>, transform_indices = @transform_3, window_bounds = array<i64: 1, 64>}, {pipeline_mode = #tpu.pipeline_mode<synchronous>, transform_indices = @transform_4, window_bounds = array<i64: 1, 64>}, {pipeline_mode = #tpu.pipeline_mode<synchronous>, transform_indices = @transform_5, window_bounds = array<i64: 1, 64>}, {pipeline_mode = #tpu.pipeline_mode<synchronous>, transform_indices = @transform_6, window_bounds = array<i64: 8, 64>}, {pipeline_mode = #tpu.pipeline_mode<synchronous>, transform_indices = @transform_7, window_bounds = array<i64: 64, 96>}, {pipeline_mode = #tpu.pipeline_mode<synchronous>, transform_indices = @transform_8, window_bounds = array<i64: 1, 96>}, {pipeline_mode = #tpu.pipeline_mode<synchronous>, transform_indices = @transform_9, window_bounds = array<i64: 1, 96>}, {pipeline_mode = #tpu.pipeline_mode<synchronous>, transform_indices = @transform_10, window_bounds = array<i64: 1, 96>}, {pipeline_mode = #tpu.pipeline_mode<synchronous>, transform_indices = @transform_11, window_bounds = array<i64: 8, 96>}, {pipeline_mode = #tpu.pipeline_mode<synchronous>, transform_indices = @transform_12, window_bounds = array<i64: 96, 128>}, {pipeline_mode = #tpu.pipeline_mode<synchronous>, transform_indices = @transform_13, window_bounds = array<i64: 1, 128>}, {pipeline_mode = #tpu.pipeline_mode<synchronous>, transform_indices = @transform_14, window_bounds = array<i64: 1, 128>}, {pipeline_mode = #tpu.pipeline_mode<synchronous>, transform_indices = @transform_15, window_bounds = array<i64: 1, 128>}, {pipeline_mode = #tpu.pipeline_mode<synchronous>, transform_indices = @transform_16, window_bounds = array<i64: 8, 128>}, {transform_indices = @transform_17, window_bounds = array<i64: 64, 128>}]} {
    %get3A = arith.constant 0 : index
    %get3A_0 = arith.constant 0 : index
    %get3A_1 = vector.load %arg1[%get3A, %get3A_0] : memref<4096x48xf32, #tpu.memory_space<vmem>>, vector<4096x48xf32>
    %get3A_2 = arith.constant 0 : index
    %get3A_3 = arith.constant 0 : index
    %get3A_4 = vector.load %arg2[%get3A_2, %get3A_3] : memref<4096x4xf32, #tpu.memory_space<vmem>>, vector<4096x4xf32>
    %broadcast_in_dim3A = arith.constant 0.000000e+00 : f32
    %broadcast_in_dim3A_5 = vector.broadcast %broadcast_in_dim3A : f32 to vector<4096x32xf32>
    %broadcast_in_dim3A_6 = arith.constant 0.000000e+00 : f32
    %broadcast_in_dim3A_7 = vector.broadcast %broadcast_in_dim3A_6 : f32 to vector<4096x12xf32>
    %concatenate3A = tpu.concatenate %broadcast_in_dim3A_5, %get3A_4, %broadcast_in_dim3A_7 in 1 : vector<4096x32xf32>, vector<4096x4xf32>, vector<4096x12xf32> -> vector<4096x48xf32>
    %sub3A = arith.subf %get3A_1, %concatenate3A : vector<4096x48xf32>
    %get3A_8 = arith.constant 0 : index
    %get3A_9 = arith.constant 0 : index
    %get3A_10 = vector.load %arg3[%get3A_8, %get3A_9] : memref<48x64xf32, #tpu.memory_space<vmem>>, vector<48x64xf32>
    %get3A_11 = arith.constant 0 : index
    %get3A_12 = arith.constant 0 : index
    %get3A_13 = vector.load %arg4[%get3A_11, %get3A_12] : memref<1x64xf32, #tpu.memory_space<vmem>>, vector<1x64xf32>
    %get3A_14 = arith.constant 0 : index
    %get3A_15 = arith.constant 0 : index
    %get3A_16 = vector.load %arg5[%get3A_14, %get3A_15] : memref<1x64xf32, #tpu.memory_space<vmem>>, vector<1x64xf32>
    %get3A_17 = arith.constant 0 : index
    %get3A_18 = arith.constant 0 : index
    %get3A_19 = vector.load %arg6[%get3A_17, %get3A_18] : memref<1x64xf32, #tpu.memory_space<vmem>>, vector<1x64xf32>
    %get3A_20 = arith.constant 0 : index
    %get3A_21 = arith.constant 0 : index
    %get3A_22 = vector.load %arg7[%get3A_20, %get3A_21] : memref<8x64xf32, #tpu.memory_space<vmem>>, vector<8x64xf32>
    %slice3A = vector.extract_strided_slice %get3A_22 {offsets = [0, 0], sizes = [1, 64], strides = [1, 1]} : vector<8x64xf32> to vector<1x64xf32>
    %div3A = arith.constant 5.242880e+05 : f32
    %div3A_23 = vector.broadcast %div3A : f32 to vector<1x64xf32>
    %div3A_24 = arith.divf %slice3A, %div3A_23 : vector<1x64xf32>
    %slice3A_25 = vector.extract_strided_slice %get3A_22 {offsets = [1, 0], sizes = [1, 64], strides = [1, 1]} : vector<8x64xf32> to vector<1x64xf32>
    %div3A_26 = arith.constant 5.242880e+05 : f32
    %div3A_27 = vector.broadcast %div3A_26 : f32 to vector<1x64xf32>
    %div3A_28 = arith.divf %slice3A_25, %div3A_27 : vector<1x64xf32>
    %mul3A = arith.mulf %div3A_24, %div3A_24 : vector<1x64xf32>
    %sub3A_29 = arith.subf %div3A_28, %mul3A : vector<1x64xf32>
    %max3A = arith.constant 0.000000e+00 : f32
    %max3A_30 = vector.broadcast %max3A : f32 to vector<1x64xf32>
    %max3A_31 = arith.maximumf %sub3A_29, %max3A_30 : vector<1x64xf32>
    %add3A = arith.constant 9.99999974E-6 : f32
    %add3A_32 = vector.broadcast %add3A : f32 to vector<1x64xf32>
    %add3A_33 = arith.addf %max3A_31, %add3A_32 : vector<1x64xf32>
    %rsqrt3A = math.rsqrt %add3A_33 : vector<1x64xf32>
    %dot_general3A = arith.constant dense<0.000000e+00> : vector<4096x64xf32>
    %dot_general3A_34 = tpu.matmul %sub3A, %get3A_10, %dot_general3A {dimension_numbers = #tpu.dot_dimension_numbers<[1], [0], [0], [1], [0, 0, 1, 1], [], []>, transpose_lhs_hint = false} : vector<4096x48xf32>, vector<48x64xf32>, vector<4096x64xf32> -> vector<4096x64xf32>
    %add3A_35 = vector.broadcast %get3A_13 : vector<1x64xf32> to vector<4096x64xf32>
    %add3A_36 = arith.addf %dot_general3A_34, %add3A_35 : vector<4096x64xf32>
    %sub3A_37 = vector.broadcast %div3A_24 : vector<1x64xf32> to vector<4096x64xf32>
    %sub3A_38 = arith.subf %add3A_36, %sub3A_37 : vector<4096x64xf32>
    %mul3A_39 = vector.broadcast %rsqrt3A : vector<1x64xf32> to vector<4096x64xf32>
    %mul3A_40 = arith.mulf %sub3A_38, %mul3A_39 : vector<4096x64xf32>
    %mul3A_41 = vector.broadcast %get3A_16 : vector<1x64xf32> to vector<4096x64xf32>
    %mul3A_42 = arith.mulf %mul3A_40, %mul3A_41 : vector<4096x64xf32>
    %add3A_43 = vector.broadcast %get3A_19 : vector<1x64xf32> to vector<4096x64xf32>
    %add3A_44 = arith.addf %mul3A_42, %add3A_43 : vector<4096x64xf32>
    %max3A_45 = arith.constant 0.000000e+00 : f32
    %max3A_46 = vector.broadcast %max3A_45 : f32 to vector<4096x64xf32>
    %max3A_47 = arith.maximumf %add3A_44, %max3A_46 : vector<4096x64xf32>
    %get3A_48 = arith.constant 0 : index
    %get3A_49 = arith.constant 0 : index
    %get3A_50 = vector.load %arg8[%get3A_48, %get3A_49] : memref<64x96xf32, #tpu.memory_space<vmem>>, vector<64x96xf32>
    %get3A_51 = arith.constant 0 : index
    %get3A_52 = arith.constant 0 : index
    %get3A_53 = vector.load %arg9[%get3A_51, %get3A_52] : memref<1x96xf32, #tpu.memory_space<vmem>>, vector<1x96xf32>
    %get3A_54 = arith.constant 0 : index
    %get3A_55 = arith.constant 0 : index
    %get3A_56 = vector.load %arg10[%get3A_54, %get3A_55] : memref<1x96xf32, #tpu.memory_space<vmem>>, vector<1x96xf32>
    %get3A_57 = arith.constant 0 : index
    %get3A_58 = arith.constant 0 : index
    %get3A_59 = vector.load %arg11[%get3A_57, %get3A_58] : memref<1x96xf32, #tpu.memory_space<vmem>>, vector<1x96xf32>
    %get3A_60 = arith.constant 0 : index
    %get3A_61 = arith.constant 0 : index
    %get3A_62 = vector.load %arg12[%get3A_60, %get3A_61] : memref<8x96xf32, #tpu.memory_space<vmem>>, vector<8x96xf32>
    %slice3A_63 = vector.extract_strided_slice %get3A_62 {offsets = [0, 0], sizes = [1, 96], strides = [1, 1]} : vector<8x96xf32> to vector<1x96xf32>
    %div3A_64 = arith.constant 5.242880e+05 : f32
    %div3A_65 = vector.broadcast %div3A_64 : f32 to vector<1x96xf32>
    %div3A_66 = arith.divf %slice3A_63, %div3A_65 : vector<1x96xf32>
    %slice3A_67 = vector.extract_strided_slice %get3A_62 {offsets = [1, 0], sizes = [1, 96], strides = [1, 1]} : vector<8x96xf32> to vector<1x96xf32>
    %div3A_68 = arith.constant 5.242880e+05 : f32
    %div3A_69 = vector.broadcast %div3A_68 : f32 to vector<1x96xf32>
    %div3A_70 = arith.divf %slice3A_67, %div3A_69 : vector<1x96xf32>
    %mul3A_71 = arith.mulf %div3A_66, %div3A_66 : vector<1x96xf32>
    %sub3A_72 = arith.subf %div3A_70, %mul3A_71 : vector<1x96xf32>
    %max3A_73 = arith.constant 0.000000e+00 : f32
    %max3A_74 = vector.broadcast %max3A_73 : f32 to vector<1x96xf32>
    %max3A_75 = arith.maximumf %sub3A_72, %max3A_74 : vector<1x96xf32>
    %add3A_76 = arith.constant 9.99999974E-6 : f32
    %add3A_77 = vector.broadcast %add3A_76 : f32 to vector<1x96xf32>
    %add3A_78 = arith.addf %max3A_75, %add3A_77 : vector<1x96xf32>
    %rsqrt3A_79 = math.rsqrt %add3A_78 : vector<1x96xf32>
    %dot_general3A_80 = arith.constant dense<0.000000e+00> : vector<4096x96xf32>
    %dot_general3A_81 = tpu.matmul %max3A_47, %get3A_50, %dot_general3A_80 {dimension_numbers = #tpu.dot_dimension_numbers<[1], [0], [0], [1], [0, 0, 1, 1], [], []>, transpose_lhs_hint = false} : vector<4096x64xf32>, vector<64x96xf32>, vector<4096x96xf32> -> vector<4096x96xf32>
    %add3A_82 = vector.broadcast %get3A_53 : vector<1x96xf32> to vector<4096x96xf32>
    %add3A_83 = arith.addf %dot_general3A_81, %add3A_82 : vector<4096x96xf32>
    %sub3A_84 = vector.broadcast %div3A_66 : vector<1x96xf32> to vector<4096x96xf32>
    %sub3A_85 = arith.subf %add3A_83, %sub3A_84 : vector<4096x96xf32>
    %mul3A_86 = vector.broadcast %rsqrt3A_79 : vector<1x96xf32> to vector<4096x96xf32>
    %mul3A_87 = arith.mulf %sub3A_85, %mul3A_86 : vector<4096x96xf32>
    %mul3A_88 = vector.broadcast %get3A_56 : vector<1x96xf32> to vector<4096x96xf32>
    %mul3A_89 = arith.mulf %mul3A_87, %mul3A_88 : vector<4096x96xf32>
    %add3A_90 = vector.broadcast %get3A_59 : vector<1x96xf32> to vector<4096x96xf32>
    %add3A_91 = arith.addf %mul3A_89, %add3A_90 : vector<4096x96xf32>
    %max3A_92 = arith.constant 0.000000e+00 : f32
    %max3A_93 = vector.broadcast %max3A_92 : f32 to vector<4096x96xf32>
    %max3A_94 = arith.maximumf %add3A_91, %max3A_93 : vector<4096x96xf32>
    %get3A_95 = arith.constant 0 : index
    %get3A_96 = arith.constant 0 : index
    %get3A_97 = vector.load %arg13[%get3A_95, %get3A_96] : memref<96x128xf32, #tpu.memory_space<vmem>>, vector<96x128xf32>
    %get3A_98 = arith.constant 0 : index
    %get3A_99 = arith.constant 0 : index
    %get3A_100 = vector.load %arg14[%get3A_98, %get3A_99] : memref<1x128xf32, #tpu.memory_space<vmem>>, vector<1x128xf32>
    %get3A_101 = arith.constant 0 : index
    %get3A_102 = arith.constant 0 : index
    %get3A_103 = vector.load %arg15[%get3A_101, %get3A_102] : memref<1x128xf32, #tpu.memory_space<vmem>>, vector<1x128xf32>
    %get3A_104 = arith.constant 0 : index
    %get3A_105 = arith.constant 0 : index
    %get3A_106 = vector.load %arg16[%get3A_104, %get3A_105] : memref<1x128xf32, #tpu.memory_space<vmem>>, vector<1x128xf32>
    %get3A_107 = arith.constant 0 : index
    %get3A_108 = arith.constant 0 : index
    %get3A_109 = vector.load %arg17[%get3A_107, %get3A_108] : memref<8x128xf32, #tpu.memory_space<vmem>>, vector<8x128xf32>
    %slice3A_110 = vector.extract_strided_slice %get3A_109 {offsets = [0, 0], sizes = [1, 128], strides = [1, 1]} : vector<8x128xf32> to vector<1x128xf32>
    %div3A_111 = arith.constant 5.242880e+05 : f32
    %div3A_112 = vector.broadcast %div3A_111 : f32 to vector<1x128xf32>
    %div3A_113 = arith.divf %slice3A_110, %div3A_112 : vector<1x128xf32>
    %slice3A_114 = vector.extract_strided_slice %get3A_109 {offsets = [1, 0], sizes = [1, 128], strides = [1, 1]} : vector<8x128xf32> to vector<1x128xf32>
    %div3A_115 = arith.constant 5.242880e+05 : f32
    %div3A_116 = vector.broadcast %div3A_115 : f32 to vector<1x128xf32>
    %div3A_117 = arith.divf %slice3A_114, %div3A_116 : vector<1x128xf32>
    %mul3A_118 = arith.mulf %div3A_113, %div3A_113 : vector<1x128xf32>
    %sub3A_119 = arith.subf %div3A_117, %mul3A_118 : vector<1x128xf32>
    %max3A_120 = arith.constant 0.000000e+00 : f32
    %max3A_121 = vector.broadcast %max3A_120 : f32 to vector<1x128xf32>
    %max3A_122 = arith.maximumf %sub3A_119, %max3A_121 : vector<1x128xf32>
    %add3A_123 = arith.constant 9.99999974E-6 : f32
    %add3A_124 = vector.broadcast %add3A_123 : f32 to vector<1x128xf32>
    %add3A_125 = arith.addf %max3A_122, %add3A_124 : vector<1x128xf32>
    %rsqrt3A_126 = math.rsqrt %add3A_125 : vector<1x128xf32>
    %dot_general3A_127 = arith.constant dense<0.000000e+00> : vector<4096x128xf32>
    %dot_general3A_128 = tpu.matmul %max3A_94, %get3A_97, %dot_general3A_127 {dimension_numbers = #tpu.dot_dimension_numbers<[1], [0], [0], [1], [0, 0, 1, 1], [], []>, transpose_lhs_hint = false} : vector<4096x96xf32>, vector<96x128xf32>, vector<4096x128xf32> -> vector<4096x128xf32>
    %add3A_129 = vector.broadcast %get3A_100 : vector<1x128xf32> to vector<4096x128xf32>
    %add3A_130 = arith.addf %dot_general3A_128, %add3A_129 : vector<4096x128xf32>
    %sub3A_131 = vector.broadcast %div3A_113 : vector<1x128xf32> to vector<4096x128xf32>
    %sub3A_132 = arith.subf %add3A_130, %sub3A_131 : vector<4096x128xf32>
    %mul3A_133 = vector.broadcast %rsqrt3A_126 : vector<1x128xf32> to vector<4096x128xf32>
    %mul3A_134 = arith.mulf %sub3A_132, %mul3A_133 : vector<4096x128xf32>
    %mul3A_135 = vector.broadcast %get3A_103 : vector<1x128xf32> to vector<4096x128xf32>
    %mul3A_136 = arith.mulf %mul3A_134, %mul3A_135 : vector<4096x128xf32>
    %add3A_137 = vector.broadcast %get3A_106 : vector<1x128xf32> to vector<4096x128xf32>
    %add3A_138 = arith.addf %mul3A_136, %add3A_137 : vector<4096x128xf32>
    %max3A_139 = arith.constant 0.000000e+00 : f32
    %max3A_140 = vector.broadcast %max3A_139 : f32 to vector<4096x128xf32>
    %max3A_141 = arith.maximumf %add3A_138, %max3A_140 : vector<4096x128xf32>
    %reshape3A = vector.shape_cast %max3A_141 : vector<4096x128xf32> to vector<64x64x128xf32>
    %reduce_max3A = arith.constant dense<0xFF800000> : vector<64x128xf32>
    %reduce_max3A_142 = vector.multi_reduction <maximumf>, %reshape3A, %reduce_max3A [1] : vector<64x64x128xf32> to vector<64x128xf32>
    %swap3A = arith.constant 0 : index
    %swap3A_143 = arith.constant 0 : index
    %swap3A_144 = vector.load %arg18[%swap3A, %swap3A_143] : memref<64x128xf32, #tpu.memory_space<vmem>>, vector<64x128xf32>
    tpu.vector_store %arg18[%swap3A, %swap3A_143], %reduce_max3A_142 {strides = array<i32>} : memref<64x128xf32, #tpu.memory_space<vmem>>, vector<64x128xf32>,
    return
  }
  func.func @transform_0(%arg0: i32) -> (i32, i32) {
    %c0_i32 = arith.constant 0 : i32
    %c0_i32_0 = arith.constant 0 : i32
    return %arg0, %c0_i32 : i32, i32
  }
  func.func @transform_1(%arg0: i32) -> (i32, i32) {
    %c0_i32 = arith.constant 0 : i32
    %c0_i32_0 = arith.constant 0 : i32
    return %arg0, %c0_i32 : i32, i32
  }
  func.func @transform_2(%arg0: i32) -> (i32, i32) {
    %c0_i32 = arith.constant 0 : i32
    %c0_i32_0 = arith.constant 0 : i32
    %c0_i32_1 = arith.constant 0 : i32
    return %c0_i32, %c0_i32_0 : i32, i32
  }
  func.func @transform_3(%arg0: i32) -> (i32, i32) {
    %c0_i32 = arith.constant 0 : i32
    %c0_i32_0 = arith.constant 0 : i32
    %c0_i32_1 = arith.constant 0 : i32
    return %c0_i32, %c0_i32_0 : i32, i32
  }
  func.func @transform_4(%arg0: i32) -> (i32, i32) {
    %c0_i32 = arith.constant 0 : i32
    %c0_i32_0 = arith.constant 0 : i32
    %c0_i32_1 = arith.constant 0 : i32
    return %c0_i32, %c0_i32_0 : i32, i32
  }
  func.func @transform_5(%arg0: i32) -> (i32, i32) {
    %c0_i32 = arith.constant 0 : i32
    %c0_i32_0 = arith.constant 0 : i32
    %c0_i32_1 = arith.constant 0 : i32
    return %c0_i32, %c0_i32_0 : i32, i32
  }
  func.func @transform_6(%arg0: i32) -> (i32, i32) {
    %c0_i32 = arith.constant 0 : i32
    %c0_i32_0 = arith.constant 0 : i32
    %c0_i32_1 = arith.constant 0 : i32
    return %c0_i32, %c0_i32_0 : i32, i32
  }
  func.func @transform_7(%arg0: i32) -> (i32, i32) {
    %c0_i32 = arith.constant 0 : i32
    %c0_i32_0 = arith.constant 0 : i32
    %c0_i32_1 = arith.constant 0 : i32
    return %c0_i32, %c0_i32_0 : i32, i32
  }
  func.func @transform_8(%arg0: i32) -> (i32, i32) {
    %c0_i32 = arith.constant 0 : i32
    %c0_i32_0 = arith.constant 0 : i32
    %c0_i32_1 = arith.constant 0 : i32
    return %c0_i32, %c0_i32_0 : i32, i32
  }
  func.func @transform_9(%arg0: i32) -> (i32, i32) {
    %c0_i32 = arith.constant 0 : i32
    %c0_i32_0 = arith.constant 0 : i32
    %c0_i32_1 = arith.constant 0 : i32
    return %c0_i32, %c0_i32_0 : i32, i32
  }
  func.func @transform_10(%arg0: i32) -> (i32, i32) {
    %c0_i32 = arith.constant 0 : i32
    %c0_i32_0 = arith.constant 0 : i32
    %c0_i32_1 = arith.constant 0 : i32
    return %c0_i32, %c0_i32_0 : i32, i32
  }
  func.func @transform_11(%arg0: i32) -> (i32, i32) {
    %c0_i32 = arith.constant 0 : i32
    %c0_i32_0 = arith.constant 0 : i32
    %c0_i32_1 = arith.constant 0 : i32
    return %c0_i32, %c0_i32_0 : i32, i32
  }
  func.func @transform_12(%arg0: i32) -> (i32, i32) {
    %c0_i32 = arith.constant 0 : i32
    %c0_i32_0 = arith.constant 0 : i32
    %c0_i32_1 = arith.constant 0 : i32
    return %c0_i32, %c0_i32_0 : i32, i32
  }
  func.func @transform_13(%arg0: i32) -> (i32, i32) {
    %c0_i32 = arith.constant 0 : i32
    %c0_i32_0 = arith.constant 0 : i32
    %c0_i32_1 = arith.constant 0 : i32
    return %c0_i32, %c0_i32_0 : i32, i32
  }
  func.func @transform_14(%arg0: i32) -> (i32, i32) {
    %c0_i32 = arith.constant 0 : i32
    %c0_i32_0 = arith.constant 0 : i32
    %c0_i32_1 = arith.constant 0 : i32
    return %c0_i32, %c0_i32_0 : i32, i32
  }
  func.func @transform_15(%arg0: i32) -> (i32, i32) {
    %c0_i32 = arith.constant 0 : i32
    %c0_i32_0 = arith.constant 0 : i32
    %c0_i32_1 = arith.constant 0 : i32
    return %c0_i32, %c0_i32_0 : i32, i32
  }
  func.func @transform_16(%arg0: i32) -> (i32, i32) {
    %c0_i32 = arith.constant 0 : i32
    %c0_i32_0 = arith.constant 0 : i32
    %c0_i32_1 = arith.constant 0 : i32
    return %c0_i32, %c0_i32_0 : i32, i32
  }
  func.func @transform_17(%arg0: i32) -> (i32, i32) {
    %c0_i32 = arith.constant 0 : i32
    %c0_i32_0 = arith.constant 0 : i32
    return %arg0, %c0_i32 : i32, i32
  }
}

</mosaic_0001>

<sc_bundles>
// kernel: kernel.17.cloned.1.call-start
scs
__scs_entry_jumppad:
0x0: {  	(pc) =	sbr.rel $0x88, $3  }
0x1: {  	(tag) =	ssettag $0x0;
	lr =	simm.s32 $0x1  }
0x2: {  	[smem:$0x3F7B] =	sst lr;
	_ =	strace $0xD0000000  }
0x3: {  	_ = 	snop  }
0x4: {  	_ = 	snop  }
0x5: {  	_ = 	snop  }
0x6: {  	_ = 	snop  }
0x7: {  	_ = 	snop  }
__scs_overlays_trampoline_lowered:
0x8: {  	[smem:$0x3F8A] =	sst s0  }
0x9: {  	[smem:$0x3F8B] =	sst s1  }
0xa: {  	[smem:$0x3F8C] =	sst s2  }
0xb: {  	[smem:$0x3F8D] =	sst s3  }
0xc: {  	[smem:$0x3F8E] =	sst s4  }
0xd: {  	[smem:$0x3F8F] =	sst s5  }
0xe: {  	[smem:$0x3F90] =	sst s6  }
0xf: {  	[smem:$0x3F91] =	sst s7  }
0x10: {  	[smem:$0x3F92] =	sst s8  }
0x11: {  	[smem:$0x3F93] =	sst s9;
	s0 =	simm.s32 @!p0 $0x0  }
0x12: {  	s1 =	sld [smem:$0x3F79];
	s0 =	simm.s32 @p0 $0x1  }
0x13: {  	[smem:$0x3F94] =	sst s0;
	s0 =	simm.s32 @!p1 $0x0  }
0x14: {  	s2 =	sld [smem:$0x3F78];
	s0 =	simm.s32 @p1 $0x1  }
0x15: {  	[smem:$0x3F95] =	sst s0;
	s0 =	simm.s32 @!p2 $0x0  }
0x16: {  	s3 =	sld [smem:$0x3FDB];
	s0 =	simm.s32 @p2 $0x1  }
0x17: {  	s4 =	simm.s32 $0x1BF5;
	[smem:$0x3F97] =	sst s0  }
0x18: {  	s0 =	sld [smem:$0x3F7A];
	_ =	swait.ge [sflag:s4], $0x0  }
0x19: {  	s7 =	sld [smem:$0x3F7B]  }
0x1a: {  	s8 =	sadd.s32 $0xFFFFE003, lr  }
0x1b: {  	s9 =	sadd.s32 $0xFFFFFEF7, lr;
	s5 =	simm.s32 $0xFFFFFFFF;
	p2 =	slt.u32 s8, $0xFFFFF086  }
0x1c: {  	p1 =	slt.u32 s9, $0xF7A;
	s5 =	simm.s32 @!p2 $0x0  }
0x1d: {  	s5 =	simm.s32 @p1 $0x1;
	p0 =	seq.s32 s7, s2  }
0x1e: {  	s7 =	smul.u32 @!p0 $0xF7A, s2;
	p2 =	seq.s32 @!p0 s5, $0x0  }
0x1f: {  	s9 =	smul.u32 $0xF7A, s1;
	s8 =	simm.s32 @!p0 $0x1BF5;
	p2 =	por !p2, p0  }
0x20: {  	[sflag:s8] =	ssyncset.s32 @!p0 $0xFFFFF086;
	s6 =	sadd.s32 @!p0 s3, s7;
	s7 =	simm.s32 @!p0 $0x108  }
0x21: {  	s3 =	sadd.s32 s3, s9;
	s6 =	sadd.s32 @!p0 $0x88, s6;
	s7 =	simm.s32 @p2 $0x1082  }
0x22: {  	[simem:s7], [sflag:s8] =	dma.local @!p0 [hbm:s6], $0xF7A  }
0x23: {  	s9 =	sor.u32 $0xD0000000, s2;
	s6 =	simm.s32 $0x108;
	_ =	swait.ge @!p0 [sflag:s8], $0x0  }
0x24: {  	s3 =	sadd.s32 $0x88, s3;
	s6 =	simm.s32 @!p1 $0x1082;
	[sflag:s4] =	ssyncset.s32 $0xFFFFF086  }
0x25: {  	[simem:s6], [sflag:s4] =	dma.local [hbm:s3], $0xF7A  }
0x26: {  	[smem:$0x3F7B] =	sst s1;
	(tag) =	ssettag s2;
	_ =	strace s9  }
0x27: {  	s1 =	sld [smem:$0x3F8B]  }
0x28: {  	s2 =	sld [smem:$0x3F8C]  }
0x29: {  	s4 =	sld [smem:$0x3F8E]  }
0x2a: {  	p0 =	seq.s32 s5, $0x0;
	s5 =	sld [smem:$0x3F8F]  }
0x2b: {  	s6 =	sld [smem:$0x3F90]  }
0x2c: {  	s7 =	sld [smem:$0x3F91]  }
0x2d: {  	s3 =	simm.s32 $0x108;
	s8 =	sld [smem:$0x3F92]  }
0x2e: {  	s3 =	simm.s32 @!p0 $0x1082;
	s9 =	sld [smem:$0x3F93]  }
0x2f: {  	lr =	sadd.s32 s0, s3;
	s0 =	sld [smem:$0x3F8A]  }
0x30: {  	s3 =	sld [smem:$0x3F8D]  }
0x31: {  	[smem:$0x3F96] =	sst s10  }
0x32: {  	s10 =	sld [smem:$0x3F94];
	_ =	sdelay $0x3  }
0x33: {  	p0 =	seq.s32 s10, $0x1;
	s10 =	sld [smem:$0x3F96];
	_ =	sdelay $0x3  }
0x34: {  	[smem:$0x3F96] =	sst s10  }
0x35: {  	s10 =	sld [smem:$0x3F95];
	_ =	sdelay $0x3  }
0x36: {  	p1 =	seq.s32 s10, $0x1;
	s10 =	sld [smem:$0x3F96];
	_ =	sdelay $0x3  }
0x37: {  	[smem:$0x3F96] =	sst s10  }
0x38: {  	s10 =	sld [smem:$0x3F97]  }
0x39: {  	_ = 	snop;
	(pc) =	sbr.ind lr, $3  }
0x3a: {  	_ = 	snop  }
0x3b: {  	_ = 	snop  }
0x3c: {  	p2 =	seq.s32 s10, $0x1;
	s10 =	sld [smem:$0x3F96]  }
0x3d: {  	_ =	shalt  }
0x3e: {  	_ =	shalt  }
0x3f: {  	_ =	shalt  }
0x40: {  	_ =	shalt  }
0x41: {  	_ =	shalt  }
0x42: {  	_ =	shalt  }
0x43: {  	_ =	shalt  }
0x44: {  	_ =	shalt  }
0x45: {  	_ =	shalt  }
0x46: {  	_ =	shalt  }
0x47: {  	_ =	shalt  }
0x48: {  	_ =	shalt  }
0x49: {  	_ =	shalt  }
0x4a: {  	_ =	shalt  }
0x4b: {  	_ =	shalt  }
0x4c: {  	_ =	shalt  }
0x4d: {  	_ =	shalt  }
0x4e: {  	_ =	shalt  }
0x4f: {  	_ =	shalt  }
0x50: {  	_ =	shalt  }
0x51: {  	_ =	shalt  }
0x52: {  	_ =	shalt  }
0x53: {  	_ =	shalt  }
0x54: {  	_ =	shalt  }
0x55: {  	_ =	shalt  }
0x56: {  	_ =	shalt  }
0x57: {  	_ =	shalt  }
0x58: {  	_ =	shalt  }
0x59: {  	_ =	shalt  }
0x5a: {  	_ =	shalt  }
0x5b: {  	_ =	shalt  }
0x5c: {  	_ =	shalt  }
0x5d: {  	_ =	shalt  }
0x5e: {  	_ =	shalt  }
0x5f: {  	_ =	shalt  }
0x60: {  	_ =	shalt  }
0x61: {  	_ =	shalt  }
0x62: {  	_ =	shalt  }
0x63: {  	_ =	shalt  }
0x64: {  	_ =	shalt  }
0x65: {  	_ =	shalt  }
0x66: {  	_ =	shalt  }
0x67: {  	_ =	shalt  }
0x68: {  	_ =	shalt  }
0x69: {  	_ =	shalt  }
0x6a: {  	_ =	shalt  }
0x6b: {  	_ =	shalt  }
0x6c: {  	_ =	shalt  }
0x6d: {  	_ =	shalt  }
0x6e: {  	_ =	shalt  }
0x6f: {  	_ =	shalt  }
0x70: {  	_ =	shalt  }
0x71: {  	_ =	shalt  }
0x72: {  	_ =	shalt  }
0x73: {  	_ =	shalt  }
0x74: {  	_ =	shalt  }
0x75: {  	_ =	shalt  }
0x76: {  	_ =	shalt  }
0x77: {  	_ =	shalt  }
0x78: {  	_ =	shalt  }
0x79: {  	_ =	shalt  }
0x7a: {  	_ =	shalt  }
0x7b: {  	_ =	shalt  }
0x7c: {  	_ =	shalt  }
0x7d: {  	_ =	shalt  }
0x7e: {  	_ =	shalt  }
0x7f: {  	_ =	shalt  }
0x80: {  	_ =	shalt  }
0x81: {  	_ =	shalt  }
0x82: {  	_ =	shalt  }
0x83: {  	_ =	shalt  }
0x84: {  	_ =	shalt  }
0x85: {  	_ =	shalt  }
0x86: {  	_ =	shalt  }
0x87: {  	_ =	shalt  }
.Lfunc_end0:
.L_simem_size_0:
called_computation_lowered:
.L_overlay_start_0:
0x88: {  	s2 =	sld [smem:$0x3FD9]  }
0x89: {  	s3 =	sld [smem:$0x3FFE];
	_ =	sdelay $0x1  }
0x8a: {  	s1 =	srdreg.scid  }
0x8b: {  	s0 =	sand.u32 $0x1, s1  }
0x8c: {  	s14 =	sshll.u32 s0, $0xA;
	s2 =	sadd.s32 s3, s2  }
0x8d: {  	s2 =	sadd.s32 s2, s14  }
0x8e: {  	[smem:$0x3FA2] =	sst s2  }
0x8f: {  	_ = 	snop  }
0x90: {  	s2 =	sld [smem:$0x3FD0];
	_ =	sdelay $0x2  }
0x91: {  	s15 =	simm.s32 $0xA;
	s4 =	simm.s32 $0x10  }
0x92: {  	[smem:s4], [sflag:s15] =	dma.local [hbm:s2], $0x1  }
0x93: {  	_ =	swait.eq [sflag:s15], $0x1  }
0x94: {  	[sflag:s15] =	ssyncset.done $0x0  }
0x95: {  	[sflag:s15] =	ssyncadd.s32 $0xFFFFFFFF  }
0x96: {  	s16 =	sld [smem:$0x11];
	(tm) =	ssettm $0x1  }
0x97: {  	s17 =	sld [smem:$0x3FFB];
	_ =	sdelay $0x3  }
0x98: {  	_ =	strace s17  }
0x99: {  	s3 =	sld [smem:$0x3FFC];
	_ =	sdelay $0x3  }
0x9a: {  	_ =	strace s3  }
0x9b: {  	s3 =	sld [smem:$0x3FFD];
	_ =	sdelay $0x3  }
0x9c: {  	_ =	strace s3  }
0x9d: {  	_ =	strace $0x8FFFFFFF  }
0x9e: {  	s18 =	sld [smem:$0x3FDB];
	_ =	sdelay $0x1  }
0x9f: {  	s19 =	simm.s32 $_scs_section_size  }
0xa0: {  	s5 =	simm.s32 $_size__tile_overlayer_lowered;
	s6 =	simm.s32 $_tile_overlayer_lowered  }
0xa1: {  	s22 =	simm.s32 $0x1BFF;
	s21 =	sshll.u32 s6, $0x1;
	s3 =	sadd.s32 s19, s18  }
0xa2: {  	s7 =	simm.s32 $0x0;
	s20 =	sshll.u32 s5, $0x1;
	s5 =	sadd.s32 s21, s3  }
0xa3: {  	[timem:s7], [sflag:s22] =	dma.local [hbm:s5], s20  }
0xa4: {  	_ =	swait.ge [sflag:s22], s20  }
0xa5: {  	s4 =	ssub.s32 $0x0, s20;
	[sflag:s22] =	ssyncset.done $0x0  }
0xa6: {  	[sflag:s22] =	ssyncadd.s32 s4;
	_ =	sdelay $0x1  }
0xa7: {  	s23 =	simm.s32 $0x1B8B  }
0xa8: {  	_ =	swait.ge [sflag:s23], $0x1  }
0xa9: {  	[sflag:s23] =	ssyncset.done $0x0  }
0xaa: {  	s25 =	simm.s32 $0x1B8E;
	s24 =	sld [smem:$0x3FFE];
	[sflag:s23] =	ssyncadd.s32 $0xFFFFFFFF  }
0xab: {  	s26 =	simm.s32 $execute0_lowered;
	[smem:$0x3FD2] =	sst s25  }
0xac: {  	s5 =	sshll.u32 s26, $0x1;
	_ =	strace $0x80000046;
	[dreg:$0x1] =	wrdreg $0xFFFFFFFF  }
0xad: {  	s28 =	simm.s32 $_size_execute0_lowered;
	s3 =	sadd.s32 s3, s5;
	[dreg:$0x0] =	wrdreg $0x0  }
0xae: {  	s5 =	sshll.u32 s28, $0x1;
	[dreg:$0x2] =	wrdreg s3  }
0xaf: {  	[dreg:$0x3] =	wrdreg s5  }
0xb0: {  	[dreg:$0x4] =	wrdreg $0xC0  }
0xb1: {  	_ =	task [dreg:s7], $0x5FFFF  }
0xb2: {  	[dreg:$0x1] =	wrdreg $0xFFFFFFFF  }
0xb3: {  	[dreg:$0x0] =	wrdreg $0x60  }
0xb4: {  	[dreg:$0x2] =	wrdreg s16  }
0xb5: {  	[dreg:$0x3] =	wrdreg s24  }
0xb6: {  	[dreg:$0x4] =	wrdreg $0x9  }
0xb7: {  	_ =	task.clear_ibuf [dreg:s7], $0x5FFFF;
	_ =	strace $0x90000046  }
0xb8: {  	s29 =	simm.s32 $0x9;
	_ =	strace $0x80000048  }
0xb9: {  	_ =	swait.ge [sflag:s29], $0x1  }
0xba: {  	[sflag:s29] =	ssyncadd.s32 $0xFFFFFFFF  }
0xbb: {  	_ =	strace $0x90000048  }
0xbc: {  	_ =	sfence  }
0xbd: {  	s30 =	sld [smem:$0x0];
	_ =	sdelay $0x2  }
0xbe: {  	s31 =	sshll.u32 s1, $0xD;
	s1 =	sshrl.u32 s1, $0x2  }
0xbf: {  	s3 =	sand.u32 $0x4000, s31;
	s1 =	sadd.s32 s1, s30  }
0xc0: {  	s0 =	sor.u32 s3, s0;
	s1 =	sshll.u32 s1, $0x11  }
0xc1: {  	s0 =	sor.u32 s1, s0  }
0xc2: {  	s0 =	sadd.s32 $0x8F2B, s0  }
0xc3: {  	[sflag:s0] =	ssyncadd.remote.s32 $0x1  }
0xc4: {  	_ =	sfence.sel $0xFFFF  }
0xc5: {  	[dreg:$0x0] =	wrdreg $0xFFFFFFFF;
	(pc) =	sbr.abs _section_cstart, $3  }
0xc6: {  	[dreg:$0x1] =	wrdreg $0xFFFFFFFF  }
0xc7: {  	_ =	task.clear_ibuf [dreg:s7], $0x2FFFF;
	_ =	strace $0x9FFFFFFF  }
0xc8: {  	(tm) =	ssettm $0x7FFFFFFF  }
0xc9: {  	_ =	shalt  }
tec
execute0_lowered:
.L_overlay_start_1:
0x0: {  	(tag) =	ssettag $0x1  }
0x1: {  	s2 =	rddreg [dreg:$0x0]  }
0x2: {  	s4 =	rddreg [dreg:$0x1]  }
0x3: {  	s0 =	rddreg [dreg:$0x2];
	s1 =	stileid.u32  }
0x4: {  	s5 =	srdreg.scid;
	s3 =	simm.s32 $0x0;
	s6 =	smul.u32 $0xE000, s1  }
0x5: {  	s10 =	simm.s32 $0x0;
	s5 =	sand.u32 $0x1, s5;
	s8 =	smul.u32 $0x54000, s1  }
0x6: {  	[smem:$0x7FF] =	sst s3;
	s7 =	smul.u32 $0x7000, s5;
	s9 =	ssub.s32 $0x2, s5  }
0x7: {  	_ =	strace $0x80000047;
	s5 =	smul.u32 $0x2A000, s5;
	s31 =	sshrl.u32 s9, $0x1  }
0x8: {  	s8 =	sadd.s32 s8, s4;
	s6 =	sadd.s32 s7, s6;
	s7 =	ssub.s32 s9, s31  }
0x9: {  	s5 =	sadd.s32 s5, s8;
	s8 =	simm.s32 $0x80;
	s6 =	sshrl.u32 s6, $0x3  }
0xa: {  	s9 =	simm.s32 $0x1;
	s5 =	sadd.s32 $0x23E00, s5;
	s6 =	sadd.s32 s6, s4  }
0xb: {  	s4 =	smax.u32 s7, $0x1;
	s7 =	simm.s32 $0x2;
	s6 =	sadd.s32 $0x7E00, s6  }
.LBB2_1:
0xc: {  	s11 =	sadd.s32 $0x0, s6  }
0xd: {  	[tilespmem:s3], [sflag:$0x2] =	stream.linear.gather [hbm4b:s11+s3], $0x80, $0x38;
	[tilespmem:$0x1880] =	vst v63  }
0xe: {  	_ =	swait.ge [sflag:s7], $0x80  }
0xf: {  	[sflag:s7] =	ssyncset.done $0x0  }
0x10: {  	[sflag:s7] =	ssyncadd.s32 $0xFFFFFF80  }
0x11: {  	[tilespmem:s8], [sflag:$0x1] =	stream.indirect.gather [hbm4b:s2+s8], $0x30, s3, s8, $0xb8;
	[tilespmem:$0x1880] =	vst v63  }
0x12: {  	_ =	swait.ge [sflag:s9], $0x1800  }
0x13: {  	[sflag:s9] =	ssyncset.done $0x0  }
0x14: {  	[sflag:s9] =	ssyncadd.s32 $0xFFFFE800  }
0x15: {  	[hbm4b:s5+s3] =	stream.linear.scatter [tilespmem:s8], [sflag:$0x2], $0x1800, $0x38;
	[tilespmem:$0x1880] =	vst v63  }
0x16: {  	s12 =	simm.s32 $0x10;
	_ =	swait.ge [sflag:s7], $0x1800  }
0x17: {  	s13 =	simm.s32 $0x20;
	s11 =	sadd.s32 $0x300, s5;
	[sflag:s7] =	ssyncset.done $0x0  }
.LBB2_2:
0x18: {  	s14 =	sadd.s32 s12, s6  }
0x19: {  	[sflag:s7] =	ssyncadd.s32 $0xFFFFE800;
	s12 =	smov.u32 s13;
	s15 =	sadd.s32 $0x10, s13  }
0x1a: {  	[tilespmem:s3], [sflag:$0x2] =	stream.linear.gather [hbm4b:s14+s3], $0x80, $0x38;
	[tilespmem:$0x1880] =	vst v63  }
0x1b: {  	p0 =	sne.s32 s13, $0xDF0;
	_ =	swait.ge [sflag:s7], $0x80  }
0x1c: {  	[sflag:s7] =	ssyncset.done $0x0  }
0x1d: {  	[sflag:s7] =	ssyncadd.s32 $0xFFFFFF80  }
0x1e: {  	[tilespmem:s8], [sflag:$0x1] =	stream.indirect.gather [hbm4b:s2+s8], $0x30, s3, s8, $0xb8;
	[tilespmem:$0x1880] =	vst v63  }
0x1f: {  	_ =	swait.ge [sflag:s9], $0x1800  }
.Ltmp0:
0x20: {  	[sflag:s9] =	ssyncset.done $0x0;
	(pc) =	sbr.rel @p0 .LBB2_2-.Ltmp0, $4  }
0x21: {  	[sflag:s9] =	ssyncadd.s32 $0xFFFFE800  }
0x22: {  	[hbm4b:s11+s3] =	stream.linear.scatter [tilespmem:s8], [sflag:$0x2], $0x1800, $0x38;
	[tilespmem:$0x1880] =	vst v63  }
0x23: {  	_ =	swait.ge [sflag:s7], $0x1800  }
0x24: {  	s13 =	smov.u32 s15;
	s11 =	sadd.s32 $0x300, s11;
	[sflag:s7] =	ssyncset.done $0x0  }
0x25: {  	s12 =	sadd.s32 s12, s6;
	[sflag:s7] =	ssyncadd.s32 $0xFFFFE800  }
0x26: {  	[tilespmem:s3], [sflag:$0x2] =	stream.linear.gather [hbm4b:s12+s3], $0x80, $0x38;
	[tilespmem:$0x1880] =	vst v63  }
0x27: {  	_ =	swait.ge [sflag:s7], $0x80  }
0x28: {  	[sflag:s7] =	ssyncset.done $0x0  }
0x29: {  	[sflag:s7] =	ssyncadd.s32 $0xFFFFFF80  }
0x2a: {  	[tilespmem:s8], [sflag:$0x1] =	stream.indirect.gather [hbm4b:s2+s8], $0x30, s3, s8, $0xb8;
	[tilespmem:$0x1880] =	vst v63  }
0x2b: {  	s10 =	sadd.s32 $0x1, s10;
	_ =	swait.ge [sflag:s9], $0x1800  }
0x2c: {  	p0 =	sne.s32 s10, s4;
	[sflag:s9] =	ssyncset.done $0x0  }
.Ltmp1:
0x2d: {  	[sflag:s9] =	ssyncadd.s32 $0xFFFFE800;
	(pc) =	sbr.rel @p0 .LBB2_1-.Ltmp1, $4  }
0x2e: {  	[hbm4b:s11+s3] =	stream.linear.scatter [tilespmem:s8], [sflag:$0x2], $0x1800, $0x38;
	[tilespmem:$0x1880] =	vst v63  }
0x2f: {  	_ =	swait.ge [sflag:s7], $0x1800  }
0x30: {  	[sflag:s7] =	ssyncset.done $0x0  }
0x31: {  	[sflag:s7] =	ssyncadd.s32 $0xFFFFE800  }
0x32: {  	_ =	sfence.sel $0x180000  }
0x33: {  	[bflag:$0x0] =	sbarrier.arrive $0xFFFF  }
0x34: {  	p0 =	sne.s32 s1, $0x0;
	_ =	strace $0x90000047  }
0x35: {  	s0 =	sadd.s32 @!p0 $0x100000, s0;
	[bflag:$0x2] =	sbarrier.arrive $0xFFFF  }
0x36: {  	[sflag:s0] =	ssyncadd.tile.s32 @!p0 $0x1;
	_ =	shalt  }
.Lfunc_end2:
_tile_overlayer_lowered:
.L_overlay_start_2:
0x37: {  	(tag) =	ssettag $0x2  }
0x38: {  	s0 =	rddreg [dreg:$0x0];
	s2 =	stileid.u32  }
0x39: {  	s1 =	rddreg [dreg:$0x1];
	p0 =	sne.s32 s2, $0x0  }
0x3a: {  	s3 =	rddreg [dreg:$0x2];
	[bflag:$0x3] =	sbarrier.arrive $0xFFFF;
	s2 =	simm.s32 @!p0 $0x1C02  }
0x3b: {  	[timem:s3], [sflag:s2] =	dma.local @!p0 [hbm:s0], s1  }
0x3c: {  	s0 =	simm.s32 @!p0 $0x2  }
0x3d: {  	_ =	swait.ge @!p0 [sflag:s0], s1  }
0x3e: {  	s1 =	ssub.s32 @!p0 $0x0, s1;
	[sflag:s0] =	ssyncset.done @!p0 $0x0  }
0x3f: {  	[sflag:s0] =	ssyncadd.s32 @!p0 s1  }
0x40: {  	[bflag:$0x3] =	sbarrier.arrive $0xFFFF  }
0x41: {  	_ =	shalt  }

</sc_bundles>
